<compile_context>
chip_gen: v7x
topology: tpu7x:2x2x1
jax: 0.10.2.dev20260603
libtpu: 0.0.44.dev20260713+nightly
codegen_flags: <defaults>
</compile_context>

<pallas_src>
import functools

import jax
import jax.numpy as jnp
from jax import lax
from jax.experimental import pallas as pl
from jax.experimental.pallas import tpu as pltpu
from jax.experimental.pallas import tpu_sc as plsc

NC = 2
NS = 16
CHUNK = 128
RB = 1000


def _mesh():
    return plsc.VectorSubcoreMesh(
        core_axis_name="c", subcore_axis_name="s", num_cores=NC, num_subcores=NS
    )


def _copy_rows(s, src_ref, dst_ref, src_base, dst_base, N):
    rps = (N // NS) // 8 * 8
    tail = N - NS * rps
    pltpu.sync_copy(src_ref.at[pl.ds(src_base + s * rps, rps)],
                    dst_ref.at[pl.ds(dst_base + s * rps, rps)])
    if tail:
        @pl.when(s == NS - 1)
        def _():
            pltpu.sync_copy(src_ref.at[pl.ds(src_base + NS * rps, tail)],
                            dst_ref.at[pl.ds(dst_base + NS * rps, tail)])


def _make_deg(N, CPW):

    @functools.partial(
        pl.kernel,
        out_type=jax.ShapeDtypeStruct((2 * N, 128), jnp.float32),
        mesh=_mesh(),
        scratch_types=[
            pltpu.VMEM((CHUNK,), jnp.int32),
            pltpu.VMEM((CHUNK, 128), jnp.float32),
            pltpu.VMEM_SHARED((N + 16, 128), jnp.float32),
        ],
    )
    def k(dstp, ones_hbm, zeros_hbm, out, didx, ones_v, accum):
        c = lax.axis_index("c")
        s = lax.axis_index("s")
        pltpu.sync_copy(ones_hbm, ones_v)
        _copy_rows(s, zeros_hbm, accum, 0, 0, N)
        plsc.subcore_barrier()
        wbase = (c * NS + s) * CPW

        def body(j, carry):
            pltpu.sync_copy(dstp.at[pl.ds((wbase + j) * CHUNK, CHUNK)], didx)
            pltpu.sync_copy(ones_v, accum.at[didx], add=True)
            return carry

        lax.fori_loop(0, CPW, body, 0)
        plsc.subcore_barrier()
        _copy_rows(s, accum, out, 0, c * N, N)

    return k


NBUF = 1


def _make_agg(N, F, CPW0, CPW1):
    assert CPW0 % NBUF == 0 and CPW1 % NBUF == 0

    @functools.partial(
        pl.kernel,
        out_type=jax.ShapeDtypeStruct((2 * N, F), jnp.float32),
        mesh=_mesh(),
        scratch_types=(
            [pltpu.VMEM((CHUNK,), jnp.int32) for _ in range(2 * NBUF)]
            + [pltpu.VMEM((CHUNK, F), jnp.float32) for _ in range(NBUF)]
            + [pltpu.VMEM_SHARED((N + 16, F), jnp.float32)]
            + [pltpu.SemaphoreType.DMA for _ in range(NBUF)]
        ),
    )
    def k(hp, srcp, dstp, zeros_hbm, out, *scr):
        sidx = scr[:NBUF]
        didx = scr[NBUF:2 * NBUF]
        rows = scr[2 * NBUF:3 * NBUF]
        accum = scr[3 * NBUF]
        sems = scr[3 * NBUF + 1:]
        c = lax.axis_index("c")
        s = lax.axis_index("s")

        @pl.when(c == 0)
        def _():
            _copy_rows(s, hp, accum, 0, 0, N)

        @pl.when(c == 1)
        def _():
            _copy_rows(s, zeros_hbm, accum, 0, 0, N)

        plsc.subcore_barrier()
        cpw = CPW0 + c * (CPW1 - CPW0)
        wbase = c * NS * CPW0 + s * cpw

        def _load_idx(j, b):
            pltpu.sync_copy(srcp.at[pl.ds((wbase + j) * CHUNK, CHUNK)], sidx[b])
            pltpu.sync_copy(dstp.at[pl.ds((wbase + j) * CHUNK, CHUNK)], didx[b])

        for b in range(NBUF):
            _load_idx(b, b)
            pltpu.async_copy(hp.at[sidx[b]], rows[b], sems[b])

        def body(i, carry):
            for b in range(NBUF):
                j = i * NBUF + b
                pltpu.make_async_copy(hp.at[sidx[b]], rows[b], sems[b]).wait()
                pltpu.sync_copy(rows[b], accum.at[didx[b]], add=True)

                @pl.when(j + NBUF < cpw)
                def _():
                    _load_idx(j + NBUF, b)
                    pltpu.async_copy(hp.at[sidx[b]], rows[b], sems[b])

            return carry

        lax.fori_loop(0, cpw // NBUF, body, 0)
        plsc.subcore_barrier()
        _copy_rows(s, accum, out, 0, c * N, N)

    return k


def _tc_first(x, w1):
    N, F = x.shape
    H = w1.shape[1]

    def body(x_ref, w_ref, out_ref):
        out_ref[...] = jnp.dot(x_ref[...], w_ref[...],
                               preferred_element_type=jnp.float32)

    return pl.pallas_call(
        body,
        grid=(N // RB,),
        in_specs=[
            pl.BlockSpec((RB, F), lambda i: (i, 0)),
            pl.BlockSpec((F, H), lambda i: (0, 0)),
        ],
        out_specs=pl.BlockSpec((RB, H), lambda i: (i, 0)),
        out_shape=jax.ShapeDtypeStruct((N, H), jnp.float32),
    )(x, w1)


def _tc_dinv(degp, xw1):
    _, N, _ = degp.shape
    H = xw1.shape[1]

    def body(degp_ref, xw1_ref, dinv_ref, h1p_ref):
        d = degp_ref[0, :, 0:1] + degp_ref[1, :, 0:1] + 1.0
        dv = jnp.broadcast_to(lax.rsqrt(d), (RB, H))
        dinv_ref[...] = dv
        h1p_ref[...] = xw1_ref[...] * dv

    return pl.pallas_call(
        body,
        grid=(N // RB,),
        in_specs=[
            pl.BlockSpec((2, RB, 128), lambda i: (0, i, 0)),
            pl.BlockSpec((RB, H), lambda i: (i, 0)),
        ],
        out_specs=[
            pl.BlockSpec((RB, H), lambda i: (i, 0)),
            pl.BlockSpec((RB, H), lambda i: (i, 0)),
        ],
        out_shape=[
            jax.ShapeDtypeStruct((N, H), jnp.float32),
            jax.ShapeDtypeStruct((N, H), jnp.float32),
        ],
    )(degp, xw1)


def _tc_mid(p, dinv, w, b):
    _, N, H = p.shape
    Ho = w.shape[1]

    def body(p_ref, d_ref, w_ref, b_ref, out_ref):
        d = d_ref[...]
        t = jnp.maximum((p_ref[0] + p_ref[1]) * d + b_ref[...], 0.0)
        out_ref[...] = jnp.dot(t, w_ref[...],
                               preferred_element_type=jnp.float32) * d

    return pl.pallas_call(
        body,
        grid=(N // RB,),
        in_specs=[
            pl.BlockSpec((2, RB, H), lambda i: (0, i, 0)),
            pl.BlockSpec((RB, H), lambda i: (i, 0)),
            pl.BlockSpec((H, Ho), lambda i: (0, 0)),
            pl.BlockSpec((1, H), lambda i: (0, 0)),
        ],
        out_specs=pl.BlockSpec((RB, Ho), lambda i: (i, 0)),
        out_shape=jax.ShapeDtypeStruct((N, Ho), jnp.float32),
    )(p, dinv, w, b)


def _tc_final(p, dinv, b):
    _, N, H = p.shape

    def body(p_ref, d_ref, b_ref, out_ref):
        out_ref[...] = (p_ref[0] + p_ref[1]) * d_ref[...] + b_ref[...]

    return pl.pallas_call(
        body,
        grid=(N // RB,),
        in_specs=[
            pl.BlockSpec((2, RB, H), lambda i: (0, i, 0)),
            pl.BlockSpec((RB, H), lambda i: (i, 0)),
            pl.BlockSpec((1, H), lambda i: (0, 0)),
        ],
        out_specs=pl.BlockSpec((RB, H), lambda i: (i, 0)),
        out_shape=jax.ShapeDtypeStruct((N, H), jnp.float32),
    )(p, dinv, b)


@jax.jit
def kernel(x, edge_index, W1, b1, W2, b2, W3, b3):
    N, F = x.shape
    E = edge_index.shape[1]
    H = W1.shape[1]
    C = W3.shape[1]

    src = edge_index[0]
    dst = edge_index[1]

    CPWT = -(-E // (NS * CHUNK))
    CPWT = -(-CPWT // 4) * 4
    CPW0 = (CPWT * 5 // 8) // 2 * 2
    CPW1 = CPWT - CPW0
    epad = CPWT * NS * CHUNK
    src_p = jnp.concatenate([src, jnp.zeros((epad - E,), jnp.int32)])
    dst_p = jnp.concatenate([dst, jnp.full((epad - E,), N, jnp.int32)])
    ones128 = jnp.ones((CHUNK, 128), jnp.float32)
    zerosNH = jnp.zeros((N, H), jnp.float32)
    W3p = jnp.concatenate([W3, jnp.zeros((H, H - C), jnp.float32)], axis=1)
    b3p = jnp.concatenate([b3, jnp.zeros((H - C,), jnp.float32)])

    deg = _make_deg(N, CPWT // 2)
    agg = _make_agg(N, H, CPW0, CPW1)

    xw1 = _tc_first(x, W1)
    degp = deg(dst_p, ones128, zerosNH)
    dinv, h1p = _tc_dinv(degp.reshape(2, N, 128), xw1)

    acc1 = agg(h1p, src_p, dst_p, zerosNH)
    h2p = _tc_mid(acc1.reshape(2, N, H), dinv, W2, b1[None, :])

    acc2 = agg(h2p, src_p, dst_p, zerosNH)
    h3p = _tc_mid(acc2.reshape(2, N, H), dinv, W3p, b2[None, :])

    acc3 = agg(h3p, src_p, dst_p, zerosNH)
    out = _tc_final(acc3.reshape(2, N, H), dinv, b3p[None, :])
    return out[:, :C]

# --- scband reference (transcript-rebuilt; emitter-appended) ---
"""Pipeline reference for scband-gcn-15985868276092 (READ-ONLY COPY).

The authoritative reference and input builder live on the scoring server;
editing this copy changes nothing except your own understanding.
"""

import jax, jax.numpy as jnp
import numpy as np

N = 10000
E = 320000
NFEAT = 128
NHID = 128
NCLASS = 64


def setup_inputs(seed: int = 0) -> dict:
    key = jax.random.key(seed)
    ks = jax.random.split(key, 8)
    x = jax.random.normal(ks[0], (N, NFEAT), dtype=jnp.float32)
    edge_index = jax.random.randint(ks[1], (2, E), 0, N, dtype=jnp.int32)
    # GCNConv parameters (glorot-style scaling), 3 layers: nfeat->nhid->nhid->nclass
    W1 = jax.random.normal(ks[2], (NFEAT, NHID), dtype=jnp.float32) * (1.0 / np.sqrt(NFEAT))
    b1 = jnp.zeros((NHID,), dtype=jnp.float32)
    W2 = jax.random.normal(ks[3], (NHID, NHID), dtype=jnp.float32) * (1.0 / np.sqrt(NHID))
    b2 = jnp.zeros((NHID,), dtype=jnp.float32)
    W3 = jax.random.normal(ks[4], (NHID, NCLASS), dtype=jnp.float32) * (1.0 / np.sqrt(NHID))
    b3 = jnp.zeros((NCLASS,), dtype=jnp.float32)
    return {"x": x, "edge_index": edge_index, "W1": W1, "b1": b1, "W2": W2, "b2": b2, "W3": W3, "b3": b3}


def gcn_norm(edge_index, num_nodes, dtype):
    # Add self-loops, then symmetric normalization D^{-1/2} (A+I) D^{-1/2}
    loop = jnp.arange(num_nodes, dtype=edge_index.dtype)
    src = jnp.concatenate([edge_index[0], loop])
    dst = jnp.concatenate([edge_index[1], loop])
    w = jnp.ones(src.shape[0], dtype=dtype)
    deg = jax.ops.segment_sum(w, dst, num_segments=num_nodes)
    dinv = jnp.where(deg > 0, 1.0 / jnp.sqrt(deg), 0.0)
    norm = dinv[src] * w * dinv[dst]
    return src, dst, norm


def gcn_conv(x, src, dst, norm, W, b):
    h = x @ W
    msg = h[src] * norm[:, None]
    out = jax.ops.segment_sum(msg, dst, num_segments=x.shape[0])
    return out + b


def reference(x, edge_index, W1, b1, W2, b2, W3, b3):
    # normalization is cached=True in the torch module: compute once, reuse for all layers
    src, dst, norm = gcn_norm(edge_index, x.shape[0], x.dtype)
    h = jax.nn.relu(gcn_conv(x, src, dst, norm, W1, b1))   # dropout p=0.0 -> identity
    h = jax.nn.relu(gcn_conv(h, src, dst, norm, W2, b2))
    out = gcn_conv(h, src, dst, norm, W3, b3)
    return out

if __name__ == "__main__":
    import jax
    _d = setup_inputs()
    print(jax.jit(kernel)(*tuple(_d.values())))

</pallas_src>

<mosaic_0001>
#map = affine_map<(d0, d1) -> (0, 0)>
#map1 = affine_map<(d0, d1) -> (0)>
module attributes {stable_mosaic.version = 14 : i64} {
  func.func @k(%arg0: i32, %arg1: i32, %arg2: memref<10000x128xf32, #tpu.memory_space<hbm>>, %arg3: memref<327680xi32, #tpu.memory_space<hbm>>, %arg4: memref<327680xi32, #tpu.memory_space<hbm>>, %arg5: memref<10000x128xf32, #tpu.memory_space<hbm>>, %arg6: memref<20000x128xf32, #tpu.memory_space<hbm>>, %arg7: memref<128xi32, #tpu.memory_space<vmem>>, %arg8: memref<128xi32, #tpu.memory_space<vmem>>, %arg9: memref<128x128xf32, #tpu.memory_space<vmem>>, %arg10: memref<10016x128xf32, #tpu.memory_space<vmem_shared>>, %arg11: memref<!tpu.dma_semaphore, #tpu.memory_space<semaphore_mem>>) attributes {dimension_semantics = [#tpu.dimension_semantics<core_parallel>, #tpu.dimension_semantics<subcore_parallel>], iteration_bounds = array<i64: 2, 16>, scalar_prefetch = 0 : i64, scratch_operands = 5 : i64, tpu.core_type = #tpu.core_type<sc_vector_subcore>, window_params = [{transform_indices = #map}, {transform_indices = #map1}, {transform_indices = #map1}, {transform_indices = #map}, {transform_indices = #map}]} {
    %eq3A = arith.constant 0 : i32
    %eq3A_0 = arith.cmpi eq, %arg0, %eq3A : i32
    %convert_element_type3A = arith.extui %eq3A_0 : i1 to i32
    %cond3A = arith.constant 0 : i32
    %cond3A_1 = arith.cmpi ne, %convert_element_type3A, %cond3A : i32
    scf.if %cond3A_1 {
      %mul3A_65 = arith.constant 624 : i32
      %mul3A_66 = arith.muli %arg1, %mul3A_65 : i32
      %add3A_67 = arith.constant 0 : i32
      %add3A_68 = arith.addi %add3A_67, %mul3A_66 : i32
      %mul3A_69 = arith.constant 624 : i32
      %mul3A_70 = arith.muli %arg1, %mul3A_69 : i32
      %add3A_71 = arith.constant 0 : i32
      %add3A_72 = arith.addi %add3A_71, %mul3A_70 : i32
      "tpu.region"() ({
        %run_scoped3A = tpu.sem_alloc : memref<!tpu.dma_semaphore, #tpu.memory_space<semaphore_mem>>
        %dma_start3A_78 = arith.constant 0 : i32
        %dma_start3A_79 = tpu.memref_slice %arg10[%add3A_72, %dma_start3A_78] : memref<10016x128xf32, #tpu.memory_space<vmem_shared>> -> memref<624x128xf32, #tpu.memory_space<vmem_shared>>
        %dma_start3A_80 = arith.constant 0 : i32
        %dma_start3A_81 = tpu.memref_slice %arg2[%add3A_68, %dma_start3A_80] : memref<10000x128xf32, #tpu.memory_space<hbm>> -> memref<624x128xf32, #tpu.memory_space<hbm>>
        tpu.enqueue_dma source(%dma_start3A_81 : memref<624x128xf32, #tpu.memory_space<hbm>>) target(%dma_start3A_79 : memref<624x128xf32, #tpu.memory_space<vmem_shared>>) target_semaphore(%run_scoped3A : memref<!tpu.dma_semaphore, #tpu.memory_space<semaphore_mem>>)
        %dma_wait3A = arith.constant 0 : i32
        %dma_wait3A_82 = tpu.memref_slice %arg10[%add3A_72, %dma_wait3A] : memref<10016x128xf32, #tpu.memory_space<vmem_shared>> -> memref<624x128xf32, #tpu.memory_space<vmem_shared>>
        %dma_wait3A_83 = arith.constant 0 : i32
        %dma_wait3A_84 = tpu.memref_slice %arg2[%add3A_68, %dma_wait3A_83] : memref<10000x128xf32, #tpu.memory_space<hbm>> -> memref<624x128xf32, #tpu.memory_space<hbm>>
        tpu.wait_dma2 semaphore(%run_scoped3A : memref<!tpu.dma_semaphore, #tpu.memory_space<semaphore_mem>>) src(%dma_wait3A_84 : memref<624x128xf32, #tpu.memory_space<hbm>>) dst(%dma_wait3A_82 : memref<624x128xf32, #tpu.memory_space<vmem_shared>>)
        tpu.yield
      }) : () -> ()
      %eq3A_73 = arith.constant 15 : i32
      %eq3A_74 = arith.cmpi eq, %arg1, %eq3A_73 : i32
      %convert_element_type3A_75 = arith.extui %eq3A_74 : i1 to i32
      %cond3A_76 = arith.constant 0 : i32
      %cond3A_77 = arith.cmpi ne, %convert_element_type3A_75, %cond3A_76 : i32
      scf.if %cond3A_77 {
        "tpu.region"() ({
          %run_scoped3A = tpu.sem_alloc : memref<!tpu.dma_semaphore, #tpu.memory_space<semaphore_mem>>
          %dma_start3A_78 = arith.constant 9984 : i32
          %dma_start3A_79 = arith.constant 0 : i32
          %dma_start3A_80 = tpu.memref_slice %arg10[%dma_start3A_78, %dma_start3A_79] : memref<10016x128xf32, #tpu.memory_space<vmem_shared>> -> memref<16x128xf32, #tpu.memory_space<vmem_shared>>
          %dma_start3A_81 = arith.constant 9984 : i32
          %dma_start3A_82 = arith.constant 0 : i32
          %dma_start3A_83 = tpu.memref_slice %arg2[%dma_start3A_81, %dma_start3A_82] : memref<10000x128xf32, #tpu.memory_space<hbm>> -> memref<16x128xf32, #tpu.memory_space<hbm>>
          tpu.enqueue_dma source(%dma_start3A_83 : memref<16x128xf32, #tpu.memory_space<hbm>>) target(%dma_start3A_80 : memref<16x128xf32, #tpu.memory_space<vmem_shared>>) target_semaphore(%run_scoped3A : memref<!tpu.dma_semaphore, #tpu.memory_space<semaphore_mem>>)
          %dma_wait3A = arith.constant 9984 : i32
          %dma_wait3A_84 = arith.constant 0 : i32
          %dma_wait3A_85 = tpu.memref_slice %arg10[%dma_wait3A, %dma_wait3A_84] : memref<10016x128xf32, #tpu.memory_space<vmem_shared>> -> memref<16x128xf32, #tpu.memory_space<vmem_shared>>
          %dma_wait3A_86 = arith.constant 9984 : i32
          %dma_wait3A_87 = arith.constant 0 : i32
          %dma_wait3A_88 = tpu.memref_slice %arg2[%dma_wait3A_86, %dma_wait3A_87] : memref<10000x128xf32, #tpu.memory_space<hbm>> -> memref<16x128xf32, #tpu.memory_space<hbm>>
          tpu.wait_dma2 semaphore(%run_scoped3A : memref<!tpu.dma_semaphore, #tpu.memory_space<semaphore_mem>>) src(%dma_wait3A_88 : memref<16x128xf32, #tpu.memory_space<hbm>>) dst(%dma_wait3A_85 : memref<16x128xf32, #tpu.memory_space<vmem_shared>>)
          tpu.yield
        }) : () -> ()
      } else {
      }
    } else {
    }
    %eq3A_2 = arith.constant 1 : i32
    %eq3A_3 = arith.cmpi eq, %arg0, %eq3A_2 : i32
    %convert_element_type3A_4 = arith.extui %eq3A_3 : i1 to i32
    %cond3A_5 = arith.constant 0 : i32
    %cond3A_6 = arith.cmpi ne, %convert_element_type3A_4, %cond3A_5 : i32
    scf.if %cond3A_6 {
      %mul3A_65 = arith.constant 624 : i32
      %mul3A_66 = arith.muli %arg1, %mul3A_65 : i32
      %add3A_67 = arith.constant 0 : i32
      %add3A_68 = arith.addi %add3A_67, %mul3A_66 : i32
      %mul3A_69 = arith.constant 624 : i32
      %mul3A_70 = arith.muli %arg1, %mul3A_69 : i32
      %add3A_71 = arith.constant 0 : i32
      %add3A_72 = arith.addi %add3A_71, %mul3A_70 : i32
      "tpu.region"() ({
        %run_scoped3A = tpu.sem_alloc : memref<!tpu.dma_semaphore, #tpu.memory_space<semaphore_mem>>
        %dma_start3A_78 = arith.constant 0 : i32
        %dma_start3A_79 = tpu.memref_slice %arg10[%add3A_72, %dma_start3A_78] : memref<10016x128xf32, #tpu.memory_space<vmem_shared>> -> memref<624x128xf32, #tpu.memory_space<vmem_shared>>
        %dma_start3A_80 = arith.constant 0 : i32
        %dma_start3A_81 = tpu.memref_slice %arg5[%add3A_68, %dma_start3A_80] : memref<10000x128xf32, #tpu.memory_space<hbm>> -> memref<624x128xf32, #tpu.memory_space<hbm>>
        tpu.enqueue_dma source(%dma_start3A_81 : memref<624x128xf32, #tpu.memory_space<hbm>>) target(%dma_start3A_79 : memref<624x128xf32, #tpu.memory_space<vmem_shared>>) target_semaphore(%run_scoped3A : memref<!tpu.dma_semaphore, #tpu.memory_space<semaphore_mem>>)
        %dma_wait3A = arith.constant 0 : i32
        %dma_wait3A_82 = tpu.memref_slice %arg10[%add3A_72, %dma_wait3A] : memref<10016x128xf32, #tpu.memory_space<vmem_shared>> -> memref<624x128xf32, #tpu.memory_space<vmem_shared>>
        %dma_wait3A_83 = arith.constant 0 : i32
        %dma_wait3A_84 = tpu.memref_slice %arg5[%add3A_68, %dma_wait3A_83] : memref<10000x128xf32, #tpu.memory_space<hbm>> -> memref<624x128xf32, #tpu.memory_space<hbm>>
        tpu.wait_dma2 semaphore(%run_scoped3A : memref<!tpu.dma_semaphore, #tpu.memory_space<semaphore_mem>>) src(%dma_wait3A_84 : memref<624x128xf32, #tpu.memory_space<hbm>>) dst(%dma_wait3A_82 : memref<624x128xf32, #tpu.memory_space<vmem_shared>>)
        tpu.yield
      }) : () -> ()
      %eq3A_73 = arith.constant 15 : i32
      %eq3A_74 = arith.cmpi eq, %arg1, %eq3A_73 : i32
      %convert_element_type3A_75 = arith.extui %eq3A_74 : i1 to i32
      %cond3A_76 = arith.constant 0 : i32
      %cond3A_77 = arith.cmpi ne, %convert_element_type3A_75, %cond3A_76 : i32
      scf.if %cond3A_77 {
        "tpu.region"() ({
          %run_scoped3A = tpu.sem_alloc : memref<!tpu.dma_semaphore, #tpu.memory_space<semaphore_mem>>
          %dma_start3A_78 = arith.constant 9984 : i32
          %dma_start3A_79 = arith.constant 0 : i32
          %dma_start3A_80 = tpu.memref_slice %arg10[%dma_start3A_78, %dma_start3A_79] : memref<10016x128xf32, #tpu.memory_space<vmem_shared>> -> memref<16x128xf32, #tpu.memory_space<vmem_shared>>
          %dma_start3A_81 = arith.constant 9984 : i32
          %dma_start3A_82 = arith.constant 0 : i32
          %dma_start3A_83 = tpu.memref_slice %arg5[%dma_start3A_81, %dma_start3A_82] : memref<10000x128xf32, #tpu.memory_space<hbm>> -> memref<16x128xf32, #tpu.memory_space<hbm>>
          tpu.enqueue_dma source(%dma_start3A_83 : memref<16x128xf32, #tpu.memory_space<hbm>>) target(%dma_start3A_80 : memref<16x128xf32, #tpu.memory_space<vmem_shared>>) target_semaphore(%run_scoped3A : memref<!tpu.dma_semaphore, #tpu.memory_space<semaphore_mem>>)
          %dma_wait3A = arith.constant 9984 : i32
          %dma_wait3A_84 = arith.constant 0 : i32
          %dma_wait3A_85 = tpu.memref_slice %arg10[%dma_wait3A, %dma_wait3A_84] : memref<10016x128xf32, #tpu.memory_space<vmem_shared>> -> memref<16x128xf32, #tpu.memory_space<vmem_shared>>
          %dma_wait3A_86 = arith.constant 9984 : i32
          %dma_wait3A_87 = arith.constant 0 : i32
          %dma_wait3A_88 = tpu.memref_slice %arg5[%dma_wait3A_86, %dma_wait3A_87] : memref<10000x128xf32, #tpu.memory_space<hbm>> -> memref<16x128xf32, #tpu.memory_space<hbm>>
          tpu.wait_dma2 semaphore(%run_scoped3A : memref<!tpu.dma_semaphore, #tpu.memory_space<semaphore_mem>>) src(%dma_wait3A_88 : memref<16x128xf32, #tpu.memory_space<hbm>>) dst(%dma_wait3A_85 : memref<16x128xf32, #tpu.memory_space<vmem_shared>>)
          tpu.yield
        }) : () -> ()
      } else {
      }
    } else {
    }
    %barrier3A = arith.constant 0 : index
    tpu.barrier barrier_id(%barrier3A)
    %mul3A = arith.constant -40 : i32
    %mul3A_7 = arith.muli %arg0, %mul3A : i32
    %add3A = arith.constant 100 : i32
    %add3A_8 = arith.addi %add3A, %mul3A_7 : i32
    %mul3A_9 = arith.constant 16 : i32
    %mul3A_10 = arith.muli %arg0, %mul3A_9 : i32
    %mul3A_11 = arith.constant 100 : i32
    %mul3A_12 = arith.muli %mul3A_10, %mul3A_11 : i32
    %mul3A_13 = arith.muli %arg1, %add3A_8 : i32
    %add3A_14 = arith.addi %mul3A_12, %mul3A_13 : i32
    %add3A_15 = arith.constant 0 : i32
    %add3A_16 = arith.addi %add3A_14, %add3A_15 : i32
    %mul3A_17 = arith.constant 128 : i32
    %mul3A_18 = arith.muli %add3A_16, %mul3A_17 : i32
    "tpu.region"() ({
      %run_scoped3A = tpu.sem_alloc : memref<!tpu.dma_semaphore, #tpu.memory_space<semaphore_mem>>
      %dma_start3A_65 = tpu.memref_slice %arg3[%mul3A_18] : memref<327680xi32, #tpu.memory_space<hbm>> -> memref<128xi32, #tpu.memory_space<hbm>>
      %dma_start3A_66 = tpu.memref_slice %arg3[%mul3A_18] : memref<327680xi32, #tpu.memory_space<hbm>> -> memref<128xi32, #tpu.memory_space<hbm>>
      tpu.enqueue_dma source(%dma_start3A_66 : memref<128xi32, #tpu.memory_space<hbm>>) target(%arg7 : memref<128xi32, #tpu.memory_space<vmem>>) target_semaphore(%run_scoped3A : memref<!tpu.dma_semaphore, #tpu.memory_space<semaphore_mem>>)
      %dma_wait3A = tpu.memref_slice %arg3[%mul3A_18] : memref<327680xi32, #tpu.memory_space<hbm>> -> memref<128xi32, #tpu.memory_space<hbm>>
      %dma_wait3A_67 = tpu.memref_slice %arg3[%mul3A_18] : memref<327680xi32, #tpu.memory_space<hbm>> -> memref<128xi32, #tpu.memory_space<hbm>>
      tpu.wait_dma2 semaphore(%run_scoped3A : memref<!tpu.dma_semaphore, #tpu.memory_space<semaphore_mem>>) src(%dma_wait3A_67 : memref<128xi32, #tpu.memory_space<hbm>>) dst(%arg7 : memref<128xi32, #tpu.memory_space<vmem>>)
      tpu.yield
    }) : () -> ()
    %add3A_19 = arith.constant 0 : i32
    %add3A_20 = arith.addi %add3A_14, %add3A_19 : i32
    %mul3A_21 = arith.constant 128 : i32
    %mul3A_22 = arith.muli %add3A_20, %mul3A_21 : i32
    "tpu.region"() ({
      %run_scoped3A = tpu.sem_alloc : memref<!tpu.dma_semaphore, #tpu.memory_space<semaphore_mem>>
      %dma_start3A_65 = tpu.memref_slice %arg4[%mul3A_22] : memref<327680xi32, #tpu.memory_space<hbm>> -> memref<128xi32, #tpu.memory_space<hbm>>
      %dma_start3A_66 = tpu.memref_slice %arg4[%mul3A_22] : memref<327680xi32, #tpu.memory_space<hbm>> -> memref<128xi32, #tpu.memory_space<hbm>>
      tpu.enqueue_dma source(%dma_start3A_66 : memref<128xi32, #tpu.memory_space<hbm>>) target(%arg8 : memref<128xi32, #tpu.memory_space<vmem>>) target_semaphore(%run_scoped3A : memref<!tpu.dma_semaphore, #tpu.memory_space<semaphore_mem>>)
      %dma_wait3A = tpu.memref_slice %arg4[%mul3A_22] : memref<327680xi32, #tpu.memory_space<hbm>> -> memref<128xi32, #tpu.memory_space<hbm>>
      %dma_wait3A_67 = tpu.memref_slice %arg4[%mul3A_22] : memref<327680xi32, #tpu.memory_space<hbm>> -> memref<128xi32, #tpu.memory_space<hbm>>
      tpu.wait_dma2 semaphore(%run_scoped3A : memref<!tpu.dma_semaphore, #tpu.memory_space<semaphore_mem>>) src(%dma_wait3A_67 : memref<128xi32, #tpu.memory_space<hbm>>) dst(%arg8 : memref<128xi32, #tpu.memory_space<vmem>>)
      tpu.yield
    }) : () -> ()
    %dma_start3A = arith.constant 0 : i32
    %dma_start3A_23 = arith.constant 0 : i32
    %dma_start3A_24 = tpu.memref_slice %arg2[%dma_start3A, %dma_start3A_23] : memref<10000x128xf32, #tpu.memory_space<hbm>> -> memref<10000x128xf32, #tpu.memory_space<hbm>>
    tpu.enqueue_indirect_dma source(%dma_start3A_24 : memref<10000x128xf32, #tpu.memory_space<hbm>>) target(%arg9 : memref<128x128xf32, #tpu.memory_space<vmem>>) offsets(%arg7 : memref<128xi32, #tpu.memory_space<vmem>>) semaphore(%arg11 : memref<!tpu.dma_semaphore, #tpu.memory_space<semaphore_mem>>)
    %jit3A = arith.constant 1 : i32
    %div3A = arith.divsi %add3A_8, %jit3A : i32
    %sign3A = arith.constant 0 : i32
    %sign3A_25 = arith.cmpi sgt, %add3A_8, %sign3A : i32
    %sign3A_26 = arith.extui %sign3A_25 : i1 to i32
    %sign3A_27 = arith.constant 0 : i32
    %sign3A_28 = arith.cmpi slt, %add3A_8, %sign3A_27 : i32
    %sign3A_29 = arith.extui %sign3A_28 : i1 to i32
    %sign3A_30 = arith.subi %sign3A_26, %sign3A_29 : i32
    %sign3A_31 = arith.constant 0 : i32
    %sign3A_32 = arith.cmpi sgt, %jit3A, %sign3A_31 : i32
    %sign3A_33 = arith.extui %sign3A_32 : i1 to i32
    %sign3A_34 = arith.constant 0 : i32
    %sign3A_35 = arith.cmpi slt, %jit3A, %sign3A_34 : i32
    %sign3A_36 = arith.extui %sign3A_35 : i1 to i32
    %sign3A_37 = arith.subi %sign3A_33, %sign3A_36 : i32
    %ne3A = arith.cmpi ne, %sign3A_30, %sign3A_37 : i32
    %rem3A = arith.remsi %add3A_8, %jit3A : i32
    %ne3A_38 = arith.constant 0 : i32
    %ne3A_39 = arith.cmpi ne, %rem3A, %ne3A_38 : i32
    %and3A = arith.andi %ne3A, %ne3A_39 : i1
    %sub3A = arith.constant 1 : i32
    %sub3A_40 = arith.subi %div3A, %sub3A : i32
    %select_n3A = arith.select %and3A, %sub3A_40, %div3A : i32
    %while3A = arith.constant 0 : i32
    %while3A_41 = arith.constant 0 : i32
    %while3A_42 = arith.subi %select_n3A, %while3A_41 : i32
    %while3A_43 = arith.addi %while3A_41, %while3A_42 : i32
    %while3A_44 = arith.constant 1 : i32
    %while3A_45 = arith.divsi %while3A_42, %while3A_44 : i32
    %while3A_46 = arith.muli %while3A_45, %while3A_44 : i32
    %while3A_47 = arith.addi %while3A_41, %while3A_46 : i32
    %while3A_48 = arith.constant 1 : i32
    scf.for %while3A_65 = %while3A_41 to %while3A_47 step %while3A_48  : i32 {
      %mul3A_66 = arith.constant 1 : i32
      %mul3A_67 = arith.muli %while3A_65, %mul3A_66 : i32
      %add3A_68 = arith.constant 0 : i32
      %add3A_69 = arith.addi %mul3A_67, %add3A_68 : i32
      %dma_wait3A = arith.constant 0 : i32
      %dma_wait3A_70 = arith.constant 0 : i32
      %dma_wait3A_71 = tpu.memref_slice %arg2[%dma_wait3A, %dma_wait3A_70] : memref<10000x128xf32, #tpu.memory_space<hbm>> -> memref<10000x128xf32, #tpu.memory_space<hbm>>
      tpu.wait_indirect_dma semaphore(%arg11 : memref<!tpu.dma_semaphore, #tpu.memory_space<semaphore_mem>>) src(%dma_wait3A_71 : memref<10000x128xf32, #tpu.memory_space<hbm>>) dst(%arg9 : memref<128x128xf32, #tpu.memory_space<vmem>>)
      "tpu.region"() ({
        %run_scoped3A = tpu.sem_alloc : memref<!tpu.dma_semaphore, #tpu.memory_space<semaphore_mem>>
        %dma_start3A_77 = arith.constant 0 : i32
        %dma_start3A_78 = arith.constant 0 : i32
        %dma_start3A_79 = tpu.memref_slice %arg10[%dma_start3A_77, %dma_start3A_78] : memref<10016x128xf32, #tpu.memory_space<vmem_shared>> -> memref<10016x128xf32, #tpu.memory_space<vmem_shared>>
        tpu.enqueue_indirect_dma source(%arg9 : memref<128x128xf32, #tpu.memory_space<vmem>>) target(%dma_start3A_79 : memref<10016x128xf32, #tpu.memory_space<vmem_shared>>) offsets(%arg8 : memref<128xi32, #tpu.memory_space<vmem>>) semaphore(%run_scoped3A : memref<!tpu.dma_semaphore, #tpu.memory_space<semaphore_mem>>) {add = true}
        %dma_wait3A_80 = arith.constant 0 : i32
        %dma_wait3A_81 = arith.constant 0 : i32
        %dma_wait3A_82 = tpu.memref_slice %arg10[%dma_wait3A_80, %dma_wait3A_81] : memref<10016x128xf32, #tpu.memory_space<vmem_shared>> -> memref<10016x128xf32, #tpu.memory_space<vmem_shared>>
        tpu.wait_indirect_dma semaphore(%run_scoped3A : memref<!tpu.dma_semaphore, #tpu.memory_space<semaphore_mem>>) src(%arg9 : memref<128x128xf32, #tpu.memory_space<vmem>>) dst(%dma_wait3A_82 : memref<10016x128xf32, #tpu.memory_space<vmem_shared>>)
        tpu.yield
      }) : () -> ()
      %add3A_72 = arith.constant 1 : i32
      %add3A_73 = arith.addi %add3A_69, %add3A_72 : i32
      %lt3A = arith.cmpi slt, %add3A_73, %add3A_8 : i32
      %convert_element_type3A_74 = arith.extui %lt3A : i1 to i32
      %cond3A_75 = arith.constant 0 : i32
      %cond3A_76 = arith.cmpi ne, %convert_element_type3A_74, %cond3A_75 : i32
      scf.if %cond3A_76 {
        %add3A_77 = arith.constant 1 : i32
        %add3A_78 = arith.addi %add3A_69, %add3A_77 : i32
        %add3A_79 = arith.addi %add3A_14, %add3A_78 : i32
        %mul3A_80 = arith.constant 128 : i32
        %mul3A_81 = arith.muli %add3A_79, %mul3A_80 : i32
        "tpu.region"() ({
          %run_scoped3A = tpu.sem_alloc : memref<!tpu.dma_semaphore, #tpu.memory_space<semaphore_mem>>
          %dma_start3A_88 = tpu.memref_slice %arg3[%mul3A_81] : memref<327680xi32, #tpu.memory_space<hbm>> -> memref<128xi32, #tpu.memory_space<hbm>>
          %dma_start3A_89 = tpu.memref_slice %arg3[%mul3A_81] : memref<327680xi32, #tpu.memory_space<hbm>> -> memref<128xi32, #tpu.memory_space<hbm>>
          tpu.enqueue_dma source(%dma_start3A_89 : memref<128xi32, #tpu.memory_space<hbm>>) target(%arg7 : memref<128xi32, #tpu.memory_space<vmem>>) target_semaphore(%run_scoped3A : memref<!tpu.dma_semaphore, #tpu.memory_space<semaphore_mem>>)
          %dma_wait3A_90 = tpu.memref_slice %arg3[%mul3A_81] : memref<327680xi32, #tpu.memory_space<hbm>> -> memref<128xi32, #tpu.memory_space<hbm>>
          %dma_wait3A_91 = tpu.memref_slice %arg3[%mul3A_81] : memref<327680xi32, #tpu.memory_space<hbm>> -> memref<128xi32, #tpu.memory_space<hbm>>
          tpu.wait_dma2 semaphore(%run_scoped3A : memref<!tpu.dma_semaphore, #tpu.memory_space<semaphore_mem>>) src(%dma_wait3A_91 : memref<128xi32, #tpu.memory_space<hbm>>) dst(%arg7 : memref<128xi32, #tpu.memory_space<vmem>>)
          tpu.yield
        }) : () -> ()
        %add3A_82 = arith.addi %add3A_14, %add3A_78 : i32
        %mul3A_83 = arith.constant 128 : i32
        %mul3A_84 = arith.muli %add3A_82, %mul3A_83 : i32
        "tpu.region"() ({
          %run_scoped3A = tpu.sem_alloc : memref<!tpu.dma_semaphore, #tpu.memory_space<semaphore_mem>>
          %dma_start3A_88 = tpu.memref_slice %arg4[%mul3A_84] : memref<327680xi32, #tpu.memory_space<hbm>> -> memref<128xi32, #tpu.memory_space<hbm>>
          %dma_start3A_89 = tpu.memref_slice %arg4[%mul3A_84] : memref<327680xi32, #tpu.memory_space<hbm>> -> memref<128xi32, #tpu.memory_space<hbm>>
          tpu.enqueue_dma source(%dma_start3A_89 : memref<128xi32, #tpu.memory_space<hbm>>) target(%arg8 : memref<128xi32, #tpu.memory_space<vmem>>) target_semaphore(%run_scoped3A : memref<!tpu.dma_semaphore, #tpu.memory_space<semaphore_mem>>)
          %dma_wait3A_90 = tpu.memref_slice %arg4[%mul3A_84] : memref<327680xi32, #tpu.memory_space<hbm>> -> memref<128xi32, #tpu.memory_space<hbm>>
          %dma_wait3A_91 = tpu.memref_slice %arg4[%mul3A_84] : memref<327680xi32, #tpu.memory_space<hbm>> -> memref<128xi32, #tpu.memory_space<hbm>>
          tpu.wait_dma2 semaphore(%run_scoped3A : memref<!tpu.dma_semaphore, #tpu.memory_space<semaphore_mem>>) src(%dma_wait3A_91 : memref<128xi32, #tpu.memory_space<hbm>>) dst(%arg8 : memref<128xi32, #tpu.memory_space<vmem>>)
          tpu.yield
        }) : () -> ()
        %dma_start3A_85 = arith.constant 0 : i32
        %dma_start3A_86 = arith.constant 0 : i32
        %dma_start3A_87 = tpu.memref_slice %arg2[%dma_start3A_85, %dma_start3A_86] : memref<10000x128xf32, #tpu.memory_space<hbm>> -> memref<10000x128xf32, #tpu.memory_space<hbm>>
        tpu.enqueue_indirect_dma source(%dma_start3A_87 : memref<10000x128xf32, #tpu.memory_space<hbm>>) target(%arg9 : memref<128x128xf32, #tpu.memory_space<vmem>>) offsets(%arg7 : memref<128xi32, #tpu.memory_space<vmem>>) semaphore(%arg11 : memref<!tpu.dma_semaphore, #tpu.memory_space<semaphore_mem>>)
      } else {
      }
    }
    %while3A_49 = arith.constant 1 : i32
    scf.for %while3A_65 = %while3A_47 to %while3A_43 step %while3A_49  : i32 {
      %mul3A_66 = arith.constant 1 : i32
      %mul3A_67 = arith.muli %while3A_65, %mul3A_66 : i32
      %add3A_68 = arith.constant 0 : i32
      %add3A_69 = arith.addi %mul3A_67, %add3A_68 : i32
      %dma_wait3A = arith.constant 0 : i32
      %dma_wait3A_70 = arith.constant 0 : i32
      %dma_wait3A_71 = tpu.memref_slice %arg2[%dma_wait3A, %dma_wait3A_70] : memref<10000x128xf32, #tpu.memory_space<hbm>> -> memref<10000x128xf32, #tpu.memory_space<hbm>>
      tpu.wait_indirect_dma semaphore(%arg11 : memref<!tpu.dma_semaphore, #tpu.memory_space<semaphore_mem>>) src(%dma_wait3A_71 : memref<10000x128xf32, #tpu.memory_space<hbm>>) dst(%arg9 : memref<128x128xf32, #tpu.memory_space<vmem>>)
      "tpu.region"() ({
        %run_scoped3A = tpu.sem_alloc : memref<!tpu.dma_semaphore, #tpu.memory_space<semaphore_mem>>
        %dma_start3A_77 = arith.constant 0 : i32
        %dma_start3A_78 = arith.constant 0 : i32
        %dma_start3A_79 = tpu.memref_slice %arg10[%dma_start3A_77, %dma_start3A_78] : memref<10016x128xf32, #tpu.memory_space<vmem_shared>> -> memref<10016x128xf32, #tpu.memory_space<vmem_shared>>
        tpu.enqueue_indirect_dma source(%arg9 : memref<128x128xf32, #tpu.memory_space<vmem>>) target(%dma_start3A_79 : memref<10016x128xf32, #tpu.memory_space<vmem_shared>>) offsets(%arg8 : memref<128xi32, #tpu.memory_space<vmem>>) semaphore(%run_scoped3A : memref<!tpu.dma_semaphore, #tpu.memory_space<semaphore_mem>>) {add = true}
        %dma_wait3A_80 = arith.constant 0 : i32
        %dma_wait3A_81 = arith.constant 0 : i32
        %dma_wait3A_82 = tpu.memref_slice %arg10[%dma_wait3A_80, %dma_wait3A_81] : memref<10016x128xf32, #tpu.memory_space<vmem_shared>> -> memref<10016x128xf32, #tpu.memory_space<vmem_shared>>
        tpu.wait_indirect_dma semaphore(%run_scoped3A : memref<!tpu.dma_semaphore, #tpu.memory_space<semaphore_mem>>) src(%arg9 : memref<128x128xf32, #tpu.memory_space<vmem>>) dst(%dma_wait3A_82 : memref<10016x128xf32, #tpu.memory_space<vmem_shared>>)
        tpu.yield
      }) : () -> ()
      %add3A_72 = arith.constant 1 : i32
      %add3A_73 = arith.addi %add3A_69, %add3A_72 : i32
      %lt3A = arith.cmpi slt, %add3A_73, %add3A_8 : i32
      %convert_element_type3A_74 = arith.extui %lt3A : i1 to i32
      %cond3A_75 = arith.constant 0 : i32
      %cond3A_76 = arith.cmpi ne, %convert_element_type3A_74, %cond3A_75 : i32
      scf.if %cond3A_76 {
        %add3A_77 = arith.constant 1 : i32
        %add3A_78 = arith.addi %add3A_69, %add3A_77 : i32
        %add3A_79 = arith.addi %add3A_14, %add3A_78 : i32
        %mul3A_80 = arith.constant 128 : i32
        %mul3A_81 = arith.muli %add3A_79, %mul3A_80 : i32
        "tpu.region"() ({
          %run_scoped3A = tpu.sem_alloc : memref<!tpu.dma_semaphore, #tpu.memory_space<semaphore_mem>>
          %dma_start3A_88 = tpu.memref_slice %arg3[%mul3A_81] : memref<327680xi32, #tpu.memory_space<hbm>> -> memref<128xi32, #tpu.memory_space<hbm>>
          %dma_start3A_89 = tpu.memref_slice %arg3[%mul3A_81] : memref<327680xi32, #tpu.memory_space<hbm>> -> memref<128xi32, #tpu.memory_space<hbm>>
          tpu.enqueue_dma source(%dma_start3A_89 : memref<128xi32, #tpu.memory_space<hbm>>) target(%arg7 : memref<128xi32, #tpu.memory_space<vmem>>) target_semaphore(%run_scoped3A : memref<!tpu.dma_semaphore, #tpu.memory_space<semaphore_mem>>)
          %dma_wait3A_90 = tpu.memref_slice %arg3[%mul3A_81] : memref<327680xi32, #tpu.memory_space<hbm>> -> memref<128xi32, #tpu.memory_space<hbm>>
          %dma_wait3A_91 = tpu.memref_slice %arg3[%mul3A_81] : memref<327680xi32, #tpu.memory_space<hbm>> -> memref<128xi32, #tpu.memory_space<hbm>>
          tpu.wait_dma2 semaphore(%run_scoped3A : memref<!tpu.dma_semaphore, #tpu.memory_space<semaphore_mem>>) src(%dma_wait3A_91 : memref<128xi32, #tpu.memory_space<hbm>>) dst(%arg7 : memref<128xi32, #tpu.memory_space<vmem>>)
          tpu.yield
        }) : () -> ()
        %add3A_82 = arith.addi %add3A_14, %add3A_78 : i32
        %mul3A_83 = arith.constant 128 : i32
        %mul3A_84 = arith.muli %add3A_82, %mul3A_83 : i32
        "tpu.region"() ({
          %run_scoped3A = tpu.sem_alloc : memref<!tpu.dma_semaphore, #tpu.memory_space<semaphore_mem>>
          %dma_start3A_88 = tpu.memref_slice %arg4[%mul3A_84] : memref<327680xi32, #tpu.memory_space<hbm>> -> memref<128xi32, #tpu.memory_space<hbm>>
          %dma_start3A_89 = tpu.memref_slice %arg4[%mul3A_84] : memref<327680xi32, #tpu.memory_space<hbm>> -> memref<128xi32, #tpu.memory_space<hbm>>
          tpu.enqueue_dma source(%dma_start3A_89 : memref<128xi32, #tpu.memory_space<hbm>>) target(%arg8 : memref<128xi32, #tpu.memory_space<vmem>>) target_semaphore(%run_scoped3A : memref<!tpu.dma_semaphore, #tpu.memory_space<semaphore_mem>>)
          %dma_wait3A_90 = tpu.memref_slice %arg4[%mul3A_84] : memref<327680xi32, #tpu.memory_space<hbm>> -> memref<128xi32, #tpu.memory_space<hbm>>
          %dma_wait3A_91 = tpu.memref_slice %arg4[%mul3A_84] : memref<327680xi32, #tpu.memory_space<hbm>> -> memref<128xi32, #tpu.memory_space<hbm>>
          tpu.wait_dma2 semaphore(%run_scoped3A : memref<!tpu.dma_semaphore, #tpu.memory_space<semaphore_mem>>) src(%dma_wait3A_91 : memref<128xi32, #tpu.memory_space<hbm>>) dst(%arg8 : memref<128xi32, #tpu.memory_space<vmem>>)
          tpu.yield
        }) : () -> ()
        %dma_start3A_85 = arith.constant 0 : i32
        %dma_start3A_86 = arith.constant 0 : i32
        %dma_start3A_87 = tpu.memref_slice %arg2[%dma_start3A_85, %dma_start3A_86] : memref<10000x128xf32, #tpu.memory_space<hbm>> -> memref<10000x128xf32, #tpu.memory_space<hbm>>
        tpu.enqueue_indirect_dma source(%dma_start3A_87 : memref<10000x128xf32, #tpu.memory_space<hbm>>) target(%arg9 : memref<128x128xf32, #tpu.memory_space<vmem>>) offsets(%arg7 : memref<128xi32, #tpu.memory_space<vmem>>) semaphore(%arg11 : memref<!tpu.dma_semaphore, #tpu.memory_space<semaphore_mem>>)
      } else {
      }
    }
    %barrier3A_50 = arith.constant 0 : index
    tpu.barrier barrier_id(%barrier3A_50)
    %mul3A_51 = arith.constant 10000 : i32
    %mul3A_52 = arith.muli %arg0, %mul3A_51 : i32
    %mul3A_53 = arith.constant 624 : i32
    %mul3A_54 = arith.muli %arg1, %mul3A_53 : i32
    %add3A_55 = arith.constant 0 : i32
    %add3A_56 = arith.addi %add3A_55, %mul3A_54 : i32
    %mul3A_57 = arith.constant 624 : i32
    %mul3A_58 = arith.muli %arg1, %mul3A_57 : i32
    %add3A_59 = arith.addi %mul3A_52, %mul3A_58 : i32
    "tpu.region"() ({
      %run_scoped3A = tpu.sem_alloc : memref<!tpu.dma_semaphore, #tpu.memory_space<semaphore_mem>>
      %dma_start3A_65 = arith.constant 0 : i32
      %dma_start3A_66 = tpu.memref_slice %arg6[%add3A_59, %dma_start3A_65] : memref<20000x128xf32, #tpu.memory_space<hbm>> -> memref<624x128xf32, #tpu.memory_space<hbm>>
      %dma_start3A_67 = arith.constant 0 : i32
      %dma_start3A_68 = tpu.memref_slice %arg10[%add3A_56, %dma_start3A_67] : memref<10016x128xf32, #tpu.memory_space<vmem_shared>> -> memref<624x128xf32, #tpu.memory_space<vmem_shared>>
      tpu.enqueue_dma source(%dma_start3A_68 : memref<624x128xf32, #tpu.memory_space<vmem_shared>>) target(%dma_start3A_66 : memref<624x128xf32, #tpu.memory_space<hbm>>) target_semaphore(%run_scoped3A : memref<!tpu.dma_semaphore, #tpu.memory_space<semaphore_mem>>)
      %dma_wait3A = arith.constant 0 : i32
      %dma_wait3A_69 = tpu.memref_slice %arg6[%add3A_59, %dma_wait3A] : memref<20000x128xf32, #tpu.memory_space<hbm>> -> memref<624x128xf32, #tpu.memory_space<hbm>>
      %dma_wait3A_70 = arith.constant 0 : i32
      %dma_wait3A_71 = tpu.memref_slice %arg10[%add3A_56, %dma_wait3A_70] : memref<10016x128xf32, #tpu.memory_space<vmem_shared>> -> memref<624x128xf32, #tpu.memory_space<vmem_shared>>
      tpu.wait_dma2 semaphore(%run_scoped3A : memref<!tpu.dma_semaphore, #tpu.memory_space<semaphore_mem>>) src(%dma_wait3A_71 : memref<624x128xf32, #tpu.memory_space<vmem_shared>>) dst(%dma_wait3A_69 : memref<624x128xf32, #tpu.memory_space<hbm>>)
      tpu.yield
    }) : () -> ()
    %eq3A_60 = arith.constant 15 : i32
    %eq3A_61 = arith.cmpi eq, %arg1, %eq3A_60 : i32
    %convert_element_type3A_62 = arith.extui %eq3A_61 : i1 to i32
    %cond3A_63 = arith.constant 0 : i32
    %cond3A_64 = arith.cmpi ne, %convert_element_type3A_62, %cond3A_63 : i32
    scf.if %cond3A_64 {
      %add3A_65 = arith.constant 9984 : i32
      %add3A_66 = arith.addi %mul3A_52, %add3A_65 : i32
      "tpu.region"() ({
        %run_scoped3A = tpu.sem_alloc : memref<!tpu.dma_semaphore, #tpu.memory_space<semaphore_mem>>
        %dma_start3A_67 = arith.constant 0 : i32
        %dma_start3A_68 = tpu.memref_slice %arg6[%add3A_66, %dma_start3A_67] : memref<20000x128xf32, #tpu.memory_space<hbm>> -> memref<16x128xf32, #tpu.memory_space<hbm>>
        %dma_start3A_69 = arith.constant 9984 : i32
        %dma_start3A_70 = arith.constant 0 : i32
        %dma_start3A_71 = tpu.memref_slice %arg10[%dma_start3A_69, %dma_start3A_70] : memref<10016x128xf32, #tpu.memory_space<vmem_shared>> -> memref<16x128xf32, #tpu.memory_space<vmem_shared>>
        tpu.enqueue_dma source(%dma_start3A_71 : memref<16x128xf32, #tpu.memory_space<vmem_shared>>) target(%dma_start3A_68 : memref<16x128xf32, #tpu.memory_space<hbm>>) target_semaphore(%run_scoped3A : memref<!tpu.dma_semaphore, #tpu.memory_space<semaphore_mem>>)
        %dma_wait3A = arith.constant 0 : i32
        %dma_wait3A_72 = tpu.memref_slice %arg6[%add3A_66, %dma_wait3A] : memref<20000x128xf32, #tpu.memory_space<hbm>> -> memref<16x128xf32, #tpu.memory_space<hbm>>
        %dma_wait3A_73 = arith.constant 9984 : i32
        %dma_wait3A_74 = arith.constant 0 : i32
        %dma_wait3A_75 = tpu.memref_slice %arg10[%dma_wait3A_73, %dma_wait3A_74] : memref<10016x128xf32, #tpu.memory_space<vmem_shared>> -> memref<16x128xf32, #tpu.memory_space<vmem_shared>>
        tpu.wait_dma2 semaphore(%run_scoped3A : memref<!tpu.dma_semaphore, #tpu.memory_space<semaphore_mem>>) src(%dma_wait3A_75 : memref<16x128xf32, #tpu.memory_space<vmem_shared>>) dst(%dma_wait3A_72 : memref<16x128xf32, #tpu.memory_space<hbm>>)
        tpu.yield
      }) : () -> ()
    } else {
    }
    return
  }
}

#map = affine_map<(d0, d1) -> (0, 0)>
#map1 = affine_map<(d0, d1) -> (0)>
module attributes {stable_mosaic.version = 14 : i64} {
  func.func @k(%arg0: i32, %arg1: i32, %arg2: memref<10000x128xf32, #tpu.memory_space<hbm>>, %arg3: memref<327680xi32, #tpu.memory_space<hbm>>, %arg4: memref<327680xi32, #tpu.memory_space<hbm>>, %arg5: memref<10000x128xf32, #tpu.memory_space<hbm>>, %arg6: memref<20000x128xf32, #tpu.memory_space<hbm>>, %arg7: memref<128xi32, #tpu.memory_space<vmem>>, %arg8: memref<128xi32, #tpu.memory_space<vmem>>, %arg9: memref<128x128xf32, #tpu.memory_space<vmem>>, %arg10: memref<10016x128xf32, #tpu.memory_space<vmem_shared>>, %arg11: memref<!tpu.dma_semaphore, #tpu.memory_space<semaphore_mem>>) attributes {dimension_semantics = [#tpu.dimension_semantics<core_parallel>, #tpu.dimension_semantics<subcore_parallel>], iteration_bounds = array<i64: 2, 16>, scalar_prefetch = 0 : i64, scratch_operands = 5 : i64, tpu.core_type = #tpu.core_type<sc_vector_subcore>, window_params = [{transform_indices = #map}, {transform_indices = #map1}, {transform_indices = #map1}, {transform_indices = #map}, {transform_indices = #map}]} {
    %eq3A = arith.constant 0 : i32
    %eq3A_0 = arith.cmpi eq, %arg0, %eq3A : i32
    %convert_element_type3A = arith.extui %eq3A_0 : i1 to i32
    %cond3A = arith.constant 0 : i32
    %cond3A_1 = arith.cmpi ne, %convert_element_type3A, %cond3A : i32
    scf.if %cond3A_1 {
      %mul3A_65 = arith.constant 624 : i32
      %mul3A_66 = arith.muli %arg1, %mul3A_65 : i32
      %add3A_67 = arith.constant 0 : i32
      %add3A_68 = arith.addi %add3A_67, %mul3A_66 : i32
      %mul3A_69 = arith.constant 624 : i32
      %mul3A_70 = arith.muli %arg1, %mul3A_69 : i32
      %add3A_71 = arith.constant 0 : i32
      %add3A_72 = arith.addi %add3A_71, %mul3A_70 : i32
      "tpu.region"() ({
        %run_scoped3A = tpu.sem_alloc : memref<!tpu.dma_semaphore, #tpu.memory_space<semaphore_mem>>
        %dma_start3A_78 = arith.constant 0 : i32
        %dma_start3A_79 = tpu.memref_slice %arg10[%add3A_72, %dma_start3A_78] : memref<10016x128xf32, #tpu.memory_space<vmem_shared>> -> memref<624x128xf32, #tpu.memory_space<vmem_shared>>
        %dma_start3A_80 = arith.constant 0 : i32
        %dma_start3A_81 = tpu.memref_slice %arg2[%add3A_68, %dma_start3A_80] : memref<10000x128xf32, #tpu.memory_space<hbm>> -> memref<624x128xf32, #tpu.memory_space<hbm>>
        tpu.enqueue_dma source(%dma_start3A_81 : memref<624x128xf32, #tpu.memory_space<hbm>>) target(%dma_start3A_79 : memref<624x128xf32, #tpu.memory_space<vmem_shared>>) target_semaphore(%run_scoped3A : memref<!tpu.dma_semaphore, #tpu.memory_space<semaphore_mem>>)
        %dma_wait3A = arith.constant 0 : i32
        %dma_wait3A_82 = tpu.memref_slice %arg10[%add3A_72, %dma_wait3A] : memref<10016x128xf32, #tpu.memory_space<vmem_shared>> -> memref<624x128xf32, #tpu.memory_space<vmem_shared>>
        %dma_wait3A_83 = arith.constant 0 : i32
        %dma_wait3A_84 = tpu.memref_slice %arg2[%add3A_68, %dma_wait3A_83] : memref<10000x128xf32, #tpu.memory_space<hbm>> -> memref<624x128xf32, #tpu.memory_space<hbm>>
        tpu.wait_dma2 semaphore(%run_scoped3A : memref<!tpu.dma_semaphore, #tpu.memory_space<semaphore_mem>>) src(%dma_wait3A_84 : memref<624x128xf32, #tpu.memory_space<hbm>>) dst(%dma_wait3A_82 : memref<624x128xf32, #tpu.memory_space<vmem_shared>>)
        tpu.yield
      }) : () -> ()
      %eq3A_73 = arith.constant 15 : i32
      %eq3A_74 = arith.cmpi eq, %arg1, %eq3A_73 : i32
      %convert_element_type3A_75 = arith.extui %eq3A_74 : i1 to i32
      %cond3A_76 = arith.constant 0 : i32
      %cond3A_77 = arith.cmpi ne, %convert_element_type3A_75, %cond3A_76 : i32
      scf.if %cond3A_77 {
        "tpu.region"() ({
          %run_scoped3A = tpu.sem_alloc : memref<!tpu.dma_semaphore, #tpu.memory_space<semaphore_mem>>
          %dma_start3A_78 = arith.constant 9984 : i32
          %dma_start3A_79 = arith.constant 0 : i32
          %dma_start3A_80 = tpu.memref_slice %arg10[%dma_start3A_78, %dma_start3A_79] : memref<10016x128xf32, #tpu.memory_space<vmem_shared>> -> memref<16x128xf32, #tpu.memory_space<vmem_shared>>
          %dma_start3A_81 = arith.constant 9984 : i32
          %dma_start3A_82 = arith.constant 0 : i32
          %dma_start3A_83 = tpu.memref_slice %arg2[%dma_start3A_81, %dma_start3A_82] : memref<10000x128xf32, #tpu.memory_space<hbm>> -> memref<16x128xf32, #tpu.memory_space<hbm>>
          tpu.enqueue_dma source(%dma_start3A_83 : memref<16x128xf32, #tpu.memory_space<hbm>>) target(%dma_start3A_80 : memref<16x128xf32, #tpu.memory_space<vmem_shared>>) target_semaphore(%run_scoped3A : memref<!tpu.dma_semaphore, #tpu.memory_space<semaphore_mem>>)
          %dma_wait3A = arith.constant 9984 : i32
          %dma_wait3A_84 = arith.constant 0 : i32
          %dma_wait3A_85 = tpu.memref_slice %arg10[%dma_wait3A, %dma_wait3A_84] : memref<10016x128xf32, #tpu.memory_space<vmem_shared>> -> memref<16x128xf32, #tpu.memory_space<vmem_shared>>
          %dma_wait3A_86 = arith.constant 9984 : i32
          %dma_wait3A_87 = arith.constant 0 : i32
          %dma_wait3A_88 = tpu.memref_slice %arg2[%dma_wait3A_86, %dma_wait3A_87] : memref<10000x128xf32, #tpu.memory_space<hbm>> -> memref<16x128xf32, #tpu.memory_space<hbm>>
          tpu.wait_dma2 semaphore(%run_scoped3A : memref<!tpu.dma_semaphore, #tpu.memory_space<semaphore_mem>>) src(%dma_wait3A_88 : memref<16x128xf32, #tpu.memory_space<hbm>>) dst(%dma_wait3A_85 : memref<16x128xf32, #tpu.memory_space<vmem_shared>>)
          tpu.yield
        }) : () -> ()
      } else {
      }
    } else {
    }
    %eq3A_2 = arith.constant 1 : i32
    %eq3A_3 = arith.cmpi eq, %arg0, %eq3A_2 : i32
    %convert_element_type3A_4 = arith.extui %eq3A_3 : i1 to i32
    %cond3A_5 = arith.constant 0 : i32
    %cond3A_6 = arith.cmpi ne, %convert_element_type3A_4, %cond3A_5 : i32
    scf.if %cond3A_6 {
      %mul3A_65 = arith.constant 624 : i32
      %mul3A_66 = arith.muli %arg1, %mul3A_65 : i32
      %add3A_67 = arith.constant 0 : i32
      %add3A_68 = arith.addi %add3A_67, %mul3A_66 : i32
      %mul3A_69 = arith.constant 624 : i32
      %mul3A_70 = arith.muli %arg1, %mul3A_69 : i32
      %add3A_71 = arith.constant 0 : i32
      %add3A_72 = arith.addi %add3A_71, %mul3A_70 : i32
      "tpu.region"() ({
        %run_scoped3A = tpu.sem_alloc : memref<!tpu.dma_semaphore, #tpu.memory_space<semaphore_mem>>
        %dma_start3A_78 = arith.constant 0 : i32
        %dma_start3A_79 = tpu.memref_slice %arg10[%add3A_72, %dma_start3A_78] : memref<10016x128xf32, #tpu.memory_space<vmem_shared>> -> memref<624x128xf32, #tpu.memory_space<vmem_shared>>
        %dma_start3A_80 = arith.constant 0 : i32
        %dma_start3A_81 = tpu.memref_slice %arg5[%add3A_68, %dma_start3A_80] : memref<10000x128xf32, #tpu.memory_space<hbm>> -> memref<624x128xf32, #tpu.memory_space<hbm>>
        tpu.enqueue_dma source(%dma_start3A_81 : memref<624x128xf32, #tpu.memory_space<hbm>>) target(%dma_start3A_79 : memref<624x128xf32, #tpu.memory_space<vmem_shared>>) target_semaphore(%run_scoped3A : memref<!tpu.dma_semaphore, #tpu.memory_space<semaphore_mem>>)
        %dma_wait3A = arith.constant 0 : i32
        %dma_wait3A_82 = tpu.memref_slice %arg10[%add3A_72, %dma_wait3A] : memref<10016x128xf32, #tpu.memory_space<vmem_shared>> -> memref<624x128xf32, #tpu.memory_space<vmem_shared>>
        %dma_wait3A_83 = arith.constant 0 : i32
        %dma_wait3A_84 = tpu.memref_slice %arg5[%add3A_68, %dma_wait3A_83] : memref<10000x128xf32, #tpu.memory_space<hbm>> -> memref<624x128xf32, #tpu.memory_space<hbm>>
        tpu.wait_dma2 semaphore(%run_scoped3A : memref<!tpu.dma_semaphore, #tpu.memory_space<semaphore_mem>>) src(%dma_wait3A_84 : memref<624x128xf32, #tpu.memory_space<hbm>>) dst(%dma_wait3A_82 : memref<624x128xf32, #tpu.memory_space<vmem_shared>>)
        tpu.yield
      }) : () -> ()
      %eq3A_73 = arith.constant 15 : i32
      %eq3A_74 = arith.cmpi eq, %arg1, %eq3A_73 : i32
      %convert_element_type3A_75 = arith.extui %eq3A_74 : i1 to i32
      %cond3A_76 = arith.constant 0 : i32
      %cond3A_77 = arith.cmpi ne, %convert_element_type3A_75, %cond3A_76 : i32
      scf.if %cond3A_77 {
        "tpu.region"() ({
          %run_scoped3A = tpu.sem_alloc : memref<!tpu.dma_semaphore, #tpu.memory_space<semaphore_mem>>
          %dma_start3A_78 = arith.constant 9984 : i32
          %dma_start3A_79 = arith.constant 0 : i32
          %dma_start3A_80 = tpu.memref_slice %arg10[%dma_start3A_78, %dma_start3A_79] : memref<10016x128xf32, #tpu.memory_space<vmem_shared>> -> memref<16x128xf32, #tpu.memory_space<vmem_shared>>
          %dma_start3A_81 = arith.constant 9984 : i32
          %dma_start3A_82 = arith.constant 0 : i32
          %dma_start3A_83 = tpu.memref_slice %arg5[%dma_start3A_81, %dma_start3A_82] : memref<10000x128xf32, #tpu.memory_space<hbm>> -> memref<16x128xf32, #tpu.memory_space<hbm>>
          tpu.enqueue_dma source(%dma_start3A_83 : memref<16x128xf32, #tpu.memory_space<hbm>>) target(%dma_start3A_80 : memref<16x128xf32, #tpu.memory_space<vmem_shared>>) target_semaphore(%run_scoped3A : memref<!tpu.dma_semaphore, #tpu.memory_space<semaphore_mem>>)
          %dma_wait3A = arith.constant 9984 : i32
          %dma_wait3A_84 = arith.constant 0 : i32
          %dma_wait3A_85 = tpu.memref_slice %arg10[%dma_wait3A, %dma_wait3A_84] : memref<10016x128xf32, #tpu.memory_space<vmem_shared>> -> memref<16x128xf32, #tpu.memory_space<vmem_shared>>
          %dma_wait3A_86 = arith.constant 9984 : i32
          %dma_wait3A_87 = arith.constant 0 : i32
          %dma_wait3A_88 = tpu.memref_slice %arg5[%dma_wait3A_86, %dma_wait3A_87] : memref<10000x128xf32, #tpu.memory_space<hbm>> -> memref<16x128xf32, #tpu.memory_space<hbm>>
          tpu.wait_dma2 semaphore(%run_scoped3A : memref<!tpu.dma_semaphore, #tpu.memory_space<semaphore_mem>>) src(%dma_wait3A_88 : memref<16x128xf32, #tpu.memory_space<hbm>>) dst(%dma_wait3A_85 : memref<16x128xf32, #tpu.memory_space<vmem_shared>>)
          tpu.yield
        }) : () -> ()
      } else {
      }
    } else {
    }
    %barrier3A = arith.constant 0 : index
    tpu.barrier barrier_id(%barrier3A)
    %mul3A = arith.constant -40 : i32
    %mul3A_7 = arith.muli %arg0, %mul3A : i32
    %add3A = arith.constant 100 : i32
    %add3A_8 = arith.addi %add3A, %mul3A_7 : i32
    %mul3A_9 = arith.constant 16 : i32
    %mul3A_10 = arith.muli %arg0, %mul3A_9 : i32
    %mul3A_11 = arith.constant 100 : i32
    %mul3A_12 = arith.muli %mul3A_10, %mul3A_11 : i32
    %mul3A_13 = arith.muli %arg1, %add3A_8 : i32
    %add3A_14 = arith.addi %mul3A_12, %mul3A_13 : i32
    %add3A_15 = arith.constant 0 : i32
    %add3A_16 = arith.addi %add3A_14, %add3A_15 : i32
    %mul3A_17 = arith.constant 128 : i32
    %mul3A_18 = arith.muli %add3A_16, %mul3A_17 : i32
    "tpu.region"() ({
      %run_scoped3A = tpu.sem_alloc : memref<!tpu.dma_semaphore, #tpu.memory_space<semaphore_mem>>
      %dma_start3A_65 = tpu.memref_slice %arg3[%mul3A_18] : memref<327680xi32, #tpu.memory_space<hbm>> -> memref<128xi32, #tpu.memory_space<hbm>>
      %dma_start3A_66 = tpu.memref_slice %arg3[%mul3A_18] : memref<327680xi32, #tpu.memory_space<hbm>> -> memref<128xi32, #tpu.memory_space<hbm>>
      tpu.enqueue_dma source(%dma_start3A_66 : memref<128xi32, #tpu.memory_space<hbm>>) target(%arg7 : memref<128xi32, #tpu.memory_space<vmem>>) target_semaphore(%run_scoped3A : memref<!tpu.dma_semaphore, #tpu.memory_space<semaphore_mem>>)
      %dma_wait3A = tpu.memref_slice %arg3[%mul3A_18] : memref<327680xi32, #tpu.memory_space<hbm>> -> memref<128xi32, #tpu.memory_space<hbm>>
      %dma_wait3A_67 = tpu.memref_slice %arg3[%mul3A_18] : memref<327680xi32, #tpu.memory_space<hbm>> -> memref<128xi32, #tpu.memory_space<hbm>>
      tpu.wait_dma2 semaphore(%run_scoped3A : memref<!tpu.dma_semaphore, #tpu.memory_space<semaphore_mem>>) src(%dma_wait3A_67 : memref<128xi32, #tpu.memory_space<hbm>>) dst(%arg7 : memref<128xi32, #tpu.memory_space<vmem>>)
      tpu.yield
    }) : () -> ()
    %add3A_19 = arith.constant 0 : i32
    %add3A_20 = arith.addi %add3A_14, %add3A_19 : i32
    %mul3A_21 = arith.constant 128 : i32
    %mul3A_22 = arith.muli %add3A_20, %mul3A_21 : i32
    "tpu.region"() ({
      %run_scoped3A = tpu.sem_alloc : memref<!tpu.dma_semaphore, #tpu.memory_space<semaphore_mem>>
      %dma_start3A_65 = tpu.memref_slice %arg4[%mul3A_22] : memref<327680xi32, #tpu.memory_space<hbm>> -> memref<128xi32, #tpu.memory_space<hbm>>
      %dma_start3A_66 = tpu.memref_slice %arg4[%mul3A_22] : memref<327680xi32, #tpu.memory_space<hbm>> -> memref<128xi32, #tpu.memory_space<hbm>>
      tpu.enqueue_dma source(%dma_start3A_66 : memref<128xi32, #tpu.memory_space<hbm>>) target(%arg8 : memref<128xi32, #tpu.memory_space<vmem>>) target_semaphore(%run_scoped3A : memref<!tpu.dma_semaphore, #tpu.memory_space<semaphore_mem>>)
      %dma_wait3A = tpu.memref_slice %arg4[%mul3A_22] : memref<327680xi32, #tpu.memory_space<hbm>> -> memref<128xi32, #tpu.memory_space<hbm>>
      %dma_wait3A_67 = tpu.memref_slice %arg4[%mul3A_22] : memref<327680xi32, #tpu.memory_space<hbm>> -> memref<128xi32, #tpu.memory_space<hbm>>
      tpu.wait_dma2 semaphore(%run_scoped3A : memref<!tpu.dma_semaphore, #tpu.memory_space<semaphore_mem>>) src(%dma_wait3A_67 : memref<128xi32, #tpu.memory_space<hbm>>) dst(%arg8 : memref<128xi32, #tpu.memory_space<vmem>>)
      tpu.yield
    }) : () -> ()
    %dma_start3A = arith.constant 0 : i32
    %dma_start3A_23 = arith.constant 0 : i32
    %dma_start3A_24 = tpu.memref_slice %arg2[%dma_start3A, %dma_start3A_23] : memref<10000x128xf32, #tpu.memory_space<hbm>> -> memref<10000x128xf32, #tpu.memory_space<hbm>>
    tpu.enqueue_indirect_dma source(%dma_start3A_24 : memref<10000x128xf32, #tpu.memory_space<hbm>>) target(%arg9 : memref<128x128xf32, #tpu.memory_space<vmem>>) offsets(%arg7 : memref<128xi32, #tpu.memory_space<vmem>>) semaphore(%arg11 : memref<!tpu.dma_semaphore, #tpu.memory_space<semaphore_mem>>)
    %jit3A = arith.constant 1 : i32
    %div3A = arith.divsi %add3A_8, %jit3A : i32
    %sign3A = arith.constant 0 : i32
    %sign3A_25 = arith.cmpi sgt, %add3A_8, %sign3A : i32
    %sign3A_26 = arith.extui %sign3A_25 : i1 to i32
    %sign3A_27 = arith.constant 0 : i32
    %sign3A_28 = arith.cmpi slt, %add3A_8, %sign3A_27 : i32
    %sign3A_29 = arith.extui %sign3A_28 : i1 to i32
    %sign3A_30 = arith.subi %sign3A_26, %sign3A_29 : i32
    %sign3A_31 = arith.constant 0 : i32
    %sign3A_32 = arith.cmpi sgt, %jit3A, %sign3A_31 : i32
    %sign3A_33 = arith.extui %sign3A_32 : i1 to i32
    %sign3A_34 = arith.constant 0 : i32
    %sign3A_35 = arith.cmpi slt, %jit3A, %sign3A_34 : i32
    %sign3A_36 = arith.extui %sign3A_35 : i1 to i32
    %sign3A_37 = arith.subi %sign3A_33, %sign3A_36 : i32
    %ne3A = arith.cmpi ne, %sign3A_30, %sign3A_37 : i32
    %rem3A = arith.remsi %add3A_8, %jit3A : i32
    %ne3A_38 = arith.constant 0 : i32
    %ne3A_39 = arith.cmpi ne, %rem3A, %ne3A_38 : i32
    %and3A = arith.andi %ne3A, %ne3A_39 : i1
    %sub3A = arith.constant 1 : i32
    %sub3A_40 = arith.subi %div3A, %sub3A : i32
    %select_n3A = arith.select %and3A, %sub3A_40, %div3A : i32
    %while3A = arith.constant 0 : i32
    %while3A_41 = arith.constant 0 : i32
    %while3A_42 = arith.subi %select_n3A, %while3A_41 : i32
    %while3A_43 = arith.addi %while3A_41, %while3A_42 : i32
    %while3A_44 = arith.constant 1 : i32
    %while3A_45 = arith.divsi %while3A_42, %while3A_44 : i32
    %while3A_46 = arith.muli %while3A_45, %while3A_44 : i32
    %while3A_47 = arith.addi %while3A_41, %while3A_46 : i32
    %while3A_48 = arith.constant 1 : i32
    scf.for %while3A_65 = %while3A_41 to %while3A_47 step %while3A_48  : i32 {
      %mul3A_66 = arith.constant 1 : i32
      %mul3A_67 = arith.muli %while3A_65, %mul3A_66 : i32
      %add3A_68 = arith.constant 0 : i32
      %add3A_69 = arith.addi %mul3A_67, %add3A_68 : i32
      %dma_wait3A = arith.constant 0 : i32
      %dma_wait3A_70 = arith.constant 0 : i32
      %dma_wait3A_71 = tpu.memref_slice %arg2[%dma_wait3A, %dma_wait3A_70] : memref<10000x128xf32, #tpu.memory_space<hbm>> -> memref<10000x128xf32, #tpu.memory_space<hbm>>
      tpu.wait_indirect_dma semaphore(%arg11 : memref<!tpu.dma_semaphore, #tpu.memory_space<semaphore_mem>>) src(%dma_wait3A_71 : memref<10000x128xf32, #tpu.memory_space<hbm>>) dst(%arg9 : memref<128x128xf32, #tpu.memory_space<vmem>>)
      "tpu.region"() ({
        %run_scoped3A = tpu.sem_alloc : memref<!tpu.dma_semaphore, #tpu.memory_space<semaphore_mem>>
        %dma_start3A_77 = arith.constant 0 : i32
        %dma_start3A_78 = arith.constant 0 : i32
        %dma_start3A_79 = tpu.memref_slice %arg10[%dma_start3A_77, %dma_start3A_78] : memref<10016x128xf32, #tpu.memory_space<vmem_shared>> -> memref<10016x128xf32, #tpu.memory_space<vmem_shared>>
        tpu.enqueue_indirect_dma source(%arg9 : memref<128x128xf32, #tpu.memory_space<vmem>>) target(%dma_start3A_79 : memref<10016x128xf32, #tpu.memory_space<vmem_shared>>) offsets(%arg8 : memref<128xi32, #tpu.memory_space<vmem>>) semaphore(%run_scoped3A : memref<!tpu.dma_semaphore, #tpu.memory_space<semaphore_mem>>) {add = true}
        %dma_wait3A_80 = arith.constant 0 : i32
        %dma_wait3A_81 = arith.constant 0 : i32
        %dma_wait3A_82 = tpu.memref_slice %arg10[%dma_wait3A_80, %dma_wait3A_81] : memref<10016x128xf32, #tpu.memory_space<vmem_shared>> -> memref<10016x128xf32, #tpu.memory_space<vmem_shared>>
        tpu.wait_indirect_dma semaphore(%run_scoped3A : memref<!tpu.dma_semaphore, #tpu.memory_space<semaphore_mem>>) src(%arg9 : memref<128x128xf32, #tpu.memory_space<vmem>>) dst(%dma_wait3A_82 : memref<10016x128xf32, #tpu.memory_space<vmem_shared>>)
        tpu.yield
      }) : () -> ()
      %add3A_72 = arith.constant 1 : i32
      %add3A_73 = arith.addi %add3A_69, %add3A_72 : i32
      %lt3A = arith.cmpi slt, %add3A_73, %add3A_8 : i32
      %convert_element_type3A_74 = arith.extui %lt3A : i1 to i32
      %cond3A_75 = arith.constant 0 : i32
      %cond3A_76 = arith.cmpi ne, %convert_element_type3A_74, %cond3A_75 : i32
      scf.if %cond3A_76 {
        %add3A_77 = arith.constant 1 : i32
        %add3A_78 = arith.addi %add3A_69, %add3A_77 : i32
        %add3A_79 = arith.addi %add3A_14, %add3A_78 : i32
        %mul3A_80 = arith.constant 128 : i32
        %mul3A_81 = arith.muli %add3A_79, %mul3A_80 : i32
        "tpu.region"() ({
          %run_scoped3A = tpu.sem_alloc : memref<!tpu.dma_semaphore, #tpu.memory_space<semaphore_mem>>
          %dma_start3A_88 = tpu.memref_slice %arg3[%mul3A_81] : memref<327680xi32, #tpu.memory_space<hbm>> -> memref<128xi32, #tpu.memory_space<hbm>>
          %dma_start3A_89 = tpu.memref_slice %arg3[%mul3A_81] : memref<327680xi32, #tpu.memory_space<hbm>> -> memref<128xi32, #tpu.memory_space<hbm>>
          tpu.enqueue_dma source(%dma_start3A_89 : memref<128xi32, #tpu.memory_space<hbm>>) target(%arg7 : memref<128xi32, #tpu.memory_space<vmem>>) target_semaphore(%run_scoped3A : memref<!tpu.dma_semaphore, #tpu.memory_space<semaphore_mem>>)
          %dma_wait3A_90 = tpu.memref_slice %arg3[%mul3A_81] : memref<327680xi32, #tpu.memory_space<hbm>> -> memref<128xi32, #tpu.memory_space<hbm>>
          %dma_wait3A_91 = tpu.memref_slice %arg3[%mul3A_81] : memref<327680xi32, #tpu.memory_space<hbm>> -> memref<128xi32, #tpu.memory_space<hbm>>
          tpu.wait_dma2 semaphore(%run_scoped3A : memref<!tpu.dma_semaphore, #tpu.memory_space<semaphore_mem>>) src(%dma_wait3A_91 : memref<128xi32, #tpu.memory_space<hbm>>) dst(%arg7 : memref<128xi32, #tpu.memory_space<vmem>>)
          tpu.yield
        }) : () -> ()
        %add3A_82 = arith.addi %add3A_14, %add3A_78 : i32
        %mul3A_83 = arith.constant 128 : i32
        %mul3A_84 = arith.muli %add3A_82, %mul3A_83 : i32
        "tpu.region"() ({
          %run_scoped3A = tpu.sem_alloc : memref<!tpu.dma_semaphore, #tpu.memory_space<semaphore_mem>>
          %dma_start3A_88 = tpu.memref_slice %arg4[%mul3A_84] : memref<327680xi32, #tpu.memory_space<hbm>> -> memref<128xi32, #tpu.memory_space<hbm>>
          %dma_start3A_89 = tpu.memref_slice %arg4[%mul3A_84] : memref<327680xi32, #tpu.memory_space<hbm>> -> memref<128xi32, #tpu.memory_space<hbm>>
          tpu.enqueue_dma source(%dma_start3A_89 : memref<128xi32, #tpu.memory_space<hbm>>) target(%arg8 : memref<128xi32, #tpu.memory_space<vmem>>) target_semaphore(%run_scoped3A : memref<!tpu.dma_semaphore, #tpu.memory_space<semaphore_mem>>)
          %dma_wait3A_90 = tpu.memref_slice %arg4[%mul3A_84] : memref<327680xi32, #tpu.memory_space<hbm>> -> memref<128xi32, #tpu.memory_space<hbm>>
          %dma_wait3A_91 = tpu.memref_slice %arg4[%mul3A_84] : memref<327680xi32, #tpu.memory_space<hbm>> -> memref<128xi32, #tpu.memory_space<hbm>>
          tpu.wait_dma2 semaphore(%run_scoped3A : memref<!tpu.dma_semaphore, #tpu.memory_space<semaphore_mem>>) src(%dma_wait3A_91 : memref<128xi32, #tpu.memory_space<hbm>>) dst(%arg8 : memref<128xi32, #tpu.memory_space<vmem>>)
          tpu.yield
        }) : () -> ()
        %dma_start3A_85 = arith.constant 0 : i32
        %dma_start3A_86 = arith.constant 0 : i32
        %dma_start3A_87 = tpu.memref_slice %arg2[%dma_start3A_85, %dma_start3A_86] : memref<10000x128xf32, #tpu.memory_space<hbm>> -> memref<10000x128xf32, #tpu.memory_space<hbm>>
        tpu.enqueue_indirect_dma source(%dma_start3A_87 : memref<10000x128xf32, #tpu.memory_space<hbm>>) target(%arg9 : memref<128x128xf32, #tpu.memory_space<vmem>>) offsets(%arg7 : memref<128xi32, #tpu.memory_space<vmem>>) semaphore(%arg11 : memref<!tpu.dma_semaphore, #tpu.memory_space<semaphore_mem>>)
      } else {
      }
    }
    %while3A_49 = arith.constant 1 : i32
    scf.for %while3A_65 = %while3A_47 to %while3A_43 step %while3A_49  : i32 {
      %mul3A_66 = arith.constant 1 : i32
      %mul3A_67 = arith.muli %while3A_65, %mul3A_66 : i32
      %add3A_68 = arith.constant 0 : i32
      %add3A_69 = arith.addi %mul3A_67, %add3A_68 : i32
      %dma_wait3A = arith.constant 0 : i32
      %dma_wait3A_70 = arith.constant 0 : i32
      %dma_wait3A_71 = tpu.memref_slice %arg2[%dma_wait3A, %dma_wait3A_70] : memref<10000x128xf32, #tpu.memory_space<hbm>> -> memref<10000x128xf32, #tpu.memory_space<hbm>>
      tpu.wait_indirect_dma semaphore(%arg11 : memref<!tpu.dma_semaphore, #tpu.memory_space<semaphore_mem>>) src(%dma_wait3A_71 : memref<10000x128xf32, #tpu.memory_space<hbm>>) dst(%arg9 : memref<128x128xf32, #tpu.memory_space<vmem>>)
      "tpu.region"() ({
        %run_scoped3A = tpu.sem_alloc : memref<!tpu.dma_semaphore, #tpu.memory_space<semaphore_mem>>
        %dma_start3A_77 = arith.constant 0 : i32
        %dma_start3A_78 = arith.constant 0 : i32
        %dma_start3A_79 = tpu.memref_slice %arg10[%dma_start3A_77, %dma_start3A_78] : memref<10016x128xf32, #tpu.memory_space<vmem_shared>> -> memref<10016x128xf32, #tpu.memory_space<vmem_shared>>
        tpu.enqueue_indirect_dma source(%arg9 : memref<128x128xf32, #tpu.memory_space<vmem>>) target(%dma_start3A_79 : memref<10016x128xf32, #tpu.memory_space<vmem_shared>>) offsets(%arg8 : memref<128xi32, #tpu.memory_space<vmem>>) semaphore(%run_scoped3A : memref<!tpu.dma_semaphore, #tpu.memory_space<semaphore_mem>>) {add = true}
        %dma_wait3A_80 = arith.constant 0 : i32
        %dma_wait3A_81 = arith.constant 0 : i32
        %dma_wait3A_82 = tpu.memref_slice %arg10[%dma_wait3A_80, %dma_wait3A_81] : memref<10016x128xf32, #tpu.memory_space<vmem_shared>> -> memref<10016x128xf32, #tpu.memory_space<vmem_shared>>
        tpu.wait_indirect_dma semaphore(%run_scoped3A : memref<!tpu.dma_semaphore, #tpu.memory_space<semaphore_mem>>) src(%arg9 : memref<128x128xf32, #tpu.memory_space<vmem>>) dst(%dma_wait3A_82 : memref<10016x128xf32, #tpu.memory_space<vmem_shared>>)
        tpu.yield
      }) : () -> ()
      %add3A_72 = arith.constant 1 : i32
      %add3A_73 = arith.addi %add3A_69, %add3A_72 : i32
      %lt3A = arith.cmpi slt, %add3A_73, %add3A_8 : i32
      %convert_element_type3A_74 = arith.extui %lt3A : i1 to i32
      %cond3A_75 = arith.constant 0 : i32
      %cond3A_76 = arith.cmpi ne, %convert_element_type3A_74, %cond3A_75 : i32
      scf.if %cond3A_76 {
        %add3A_77 = arith.constant 1 : i32
        %add3A_78 = arith.addi %add3A_69, %add3A_77 : i32
        %add3A_79 = arith.addi %add3A_14, %add3A_78 : i32
        %mul3A_80 = arith.constant 128 : i32
        %mul3A_81 = arith.muli %add3A_79, %mul3A_80 : i32
        "tpu.region"() ({
          %run_scoped3A = tpu.sem_alloc : memref<!tpu.dma_semaphore, #tpu.memory_space<semaphore_mem>>
          %dma_start3A_88 = tpu.memref_slice %arg3[%mul3A_81] : memref<327680xi32, #tpu.memory_space<hbm>> -> memref<128xi32, #tpu.memory_space<hbm>>
          %dma_start3A_89 = tpu.memref_slice %arg3[%mul3A_81] : memref<327680xi32, #tpu.memory_space<hbm>> -> memref<128xi32, #tpu.memory_space<hbm>>
          tpu.enqueue_dma source(%dma_start3A_89 : memref<128xi32, #tpu.memory_space<hbm>>) target(%arg7 : memref<128xi32, #tpu.memory_space<vmem>>) target_semaphore(%run_scoped3A : memref<!tpu.dma_semaphore, #tpu.memory_space<semaphore_mem>>)
          %dma_wait3A_90 = tpu.memref_slice %arg3[%mul3A_81] : memref<327680xi32, #tpu.memory_space<hbm>> -> memref<128xi32, #tpu.memory_space<hbm>>
          %dma_wait3A_91 = tpu.memref_slice %arg3[%mul3A_81] : memref<327680xi32, #tpu.memory_space<hbm>> -> memref<128xi32, #tpu.memory_space<hbm>>
          tpu.wait_dma2 semaphore(%run_scoped3A : memref<!tpu.dma_semaphore, #tpu.memory_space<semaphore_mem>>) src(%dma_wait3A_91 : memref<128xi32, #tpu.memory_space<hbm>>) dst(%arg7 : memref<128xi32, #tpu.memory_space<vmem>>)
          tpu.yield
        }) : () -> ()
        %add3A_82 = arith.addi %add3A_14, %add3A_78 : i32
        %mul3A_83 = arith.constant 128 : i32
        %mul3A_84 = arith.muli %add3A_82, %mul3A_83 : i32
        "tpu.region"() ({
          %run_scoped3A = tpu.sem_alloc : memref<!tpu.dma_semaphore, #tpu.memory_space<semaphore_mem>>
          %dma_start3A_88 = tpu.memref_slice %arg4[%mul3A_84] : memref<327680xi32, #tpu.memory_space<hbm>> -> memref<128xi32, #tpu.memory_space<hbm>>
          %dma_start3A_89 = tpu.memref_slice %arg4[%mul3A_84] : memref<327680xi32, #tpu.memory_space<hbm>> -> memref<128xi32, #tpu.memory_space<hbm>>
          tpu.enqueue_dma source(%dma_start3A_89 : memref<128xi32, #tpu.memory_space<hbm>>) target(%arg8 : memref<128xi32, #tpu.memory_space<vmem>>) target_semaphore(%run_scoped3A : memref<!tpu.dma_semaphore, #tpu.memory_space<semaphore_mem>>)
          %dma_wait3A_90 = tpu.memref_slice %arg4[%mul3A_84] : memref<327680xi32, #tpu.memory_space<hbm>> -> memref<128xi32, #tpu.memory_space<hbm>>
          %dma_wait3A_91 = tpu.memref_slice %arg4[%mul3A_84] : memref<327680xi32, #tpu.memory_space<hbm>> -> memref<128xi32, #tpu.memory_space<hbm>>
          tpu.wait_dma2 semaphore(%run_scoped3A : memref<!tpu.dma_semaphore, #tpu.memory_space<semaphore_mem>>) src(%dma_wait3A_91 : memref<128xi32, #tpu.memory_space<hbm>>) dst(%arg8 : memref<128xi32, #tpu.memory_space<vmem>>)
          tpu.yield
        }) : () -> ()
        %dma_start3A_85 = arith.constant 0 : i32
        %dma_start3A_86 = arith.constant 0 : i32
        %dma_start3A_87 = tpu.memref_slice %arg2[%dma_start3A_85, %dma_start3A_86] : memref<10000x128xf32, #tpu.memory_space<hbm>> -> memref<10000x128xf32, #tpu.memory_space<hbm>>
        tpu.enqueue_indirect_dma source(%dma_start3A_87 : memref<10000x128xf32, #tpu.memory_space<hbm>>) target(%arg9 : memref<128x128xf32, #tpu.memory_space<vmem>>) offsets(%arg7 : memref<128xi32, #tpu.memory_space<vmem>>) semaphore(%arg11 : memref<!tpu.dma_semaphore, #tpu.memory_space<semaphore_mem>>)
      } else {
      }
    }
    %barrier3A_50 = arith.constant 0 : index
    tpu.barrier barrier_id(%barrier3A_50)
    %mul3A_51 = arith.constant 10000 : i32
    %mul3A_52 = arith.muli %arg0, %mul3A_51 : i32
    %mul3A_53 = arith.constant 624 : i32
    %mul3A_54 = arith.muli %arg1, %mul3A_53 : i32
    %add3A_55 = arith.constant 0 : i32
    %add3A_56 = arith.addi %add3A_55, %mul3A_54 : i32
    %mul3A_57 = arith.constant 624 : i32
    %mul3A_58 = arith.muli %arg1, %mul3A_57 : i32
    %add3A_59 = arith.addi %mul3A_52, %mul3A_58 : i32
    "tpu.region"() ({
      %run_scoped3A = tpu.sem_alloc : memref<!tpu.dma_semaphore, #tpu.memory_space<semaphore_mem>>
      %dma_start3A_65 = arith.constant 0 : i32
      %dma_start3A_66 = tpu.memref_slice %arg6[%add3A_59, %dma_start3A_65] : memref<20000x128xf32, #tpu.memory_space<hbm>> -> memref<624x128xf32, #tpu.memory_space<hbm>>
      %dma_start3A_67 = arith.constant 0 : i32
      %dma_start3A_68 = tpu.memref_slice %arg10[%add3A_56, %dma_start3A_67] : memref<10016x128xf32, #tpu.memory_space<vmem_shared>> -> memref<624x128xf32, #tpu.memory_space<vmem_shared>>
      tpu.enqueue_dma source(%dma_start3A_68 : memref<624x128xf32, #tpu.memory_space<vmem_shared>>) target(%dma_start3A_66 : memref<624x128xf32, #tpu.memory_space<hbm>>) target_semaphore(%run_scoped3A : memref<!tpu.dma_semaphore, #tpu.memory_space<semaphore_mem>>)
      %dma_wait3A = arith.constant 0 : i32
      %dma_wait3A_69 = tpu.memref_slice %arg6[%add3A_59, %dma_wait3A] : memref<20000x128xf32, #tpu.memory_space<hbm>> -> memref<624x128xf32, #tpu.memory_space<hbm>>
      %dma_wait3A_70 = arith.constant 0 : i32
      %dma_wait3A_71 = tpu.memref_slice %arg10[%add3A_56, %dma_wait3A_70] : memref<10016x128xf32, #tpu.memory_space<vmem_shared>> -> memref<624x128xf32, #tpu.memory_space<vmem_shared>>
      tpu.wait_dma2 semaphore(%run_scoped3A : memref<!tpu.dma_semaphore, #tpu.memory_space<semaphore_mem>>) src(%dma_wait3A_71 : memref<624x128xf32, #tpu.memory_space<vmem_shared>>) dst(%dma_wait3A_69 : memref<624x128xf32, #tpu.memory_space<hbm>>)
      tpu.yield
    }) : () -> ()
    %eq3A_60 = arith.constant 15 : i32
    %eq3A_61 = arith.cmpi eq, %arg1, %eq3A_60 : i32
    %convert_element_type3A_62 = arith.extui %eq3A_61 : i1 to i32
    %cond3A_63 = arith.constant 0 : i32
    %cond3A_64 = arith.cmpi ne, %convert_element_type3A_62, %cond3A_63 : i32
    scf.if %cond3A_64 {
      %add3A_65 = arith.constant 9984 : i32
      %add3A_66 = arith.addi %mul3A_52, %add3A_65 : i32
      "tpu.region"() ({
        %run_scoped3A = tpu.sem_alloc : memref<!tpu.dma_semaphore, #tpu.memory_space<semaphore_mem>>
        %dma_start3A_67 = arith.constant 0 : i32
        %dma_start3A_68 = tpu.memref_slice %arg6[%add3A_66, %dma_start3A_67] : memref<20000x128xf32, #tpu.memory_space<hbm>> -> memref<16x128xf32, #tpu.memory_space<hbm>>
        %dma_start3A_69 = arith.constant 9984 : i32
        %dma_start3A_70 = arith.constant 0 : i32
        %dma_start3A_71 = tpu.memref_slice %arg10[%dma_start3A_69, %dma_start3A_70] : memref<10016x128xf32, #tpu.memory_space<vmem_shared>> -> memref<16x128xf32, #tpu.memory_space<vmem_shared>>
        tpu.enqueue_dma source(%dma_start3A_71 : memref<16x128xf32, #tpu.memory_space<vmem_shared>>) target(%dma_start3A_68 : memref<16x128xf32, #tpu.memory_space<hbm>>) target_semaphore(%run_scoped3A : memref<!tpu.dma_semaphore, #tpu.memory_space<semaphore_mem>>)
        %dma_wait3A = arith.constant 0 : i32
        %dma_wait3A_72 = tpu.memref_slice %arg6[%add3A_66, %dma_wait3A] : memref<20000x128xf32, #tpu.memory_space<hbm>> -> memref<16x128xf32, #tpu.memory_space<hbm>>
        %dma_wait3A_73 = arith.constant 9984 : i32
        %dma_wait3A_74 = arith.constant 0 : i32
        %dma_wait3A_75 = tpu.memref_slice %arg10[%dma_wait3A_73, %dma_wait3A_74] : memref<10016x128xf32, #tpu.memory_space<vmem_shared>> -> memref<16x128xf32, #tpu.memory_space<vmem_shared>>
        tpu.wait_dma2 semaphore(%run_scoped3A : memref<!tpu.dma_semaphore, #tpu.memory_space<semaphore_mem>>) src(%dma_wait3A_75 : memref<16x128xf32, #tpu.memory_space<vmem_shared>>) dst(%dma_wait3A_72 : memref<16x128xf32, #tpu.memory_space<hbm>>)
        tpu.yield
      }) : () -> ()
    } else {
    }
    return
  }
}

#map = affine_map<(d0, d1) -> (0)>
#map1 = affine_map<(d0, d1) -> (0, 0)>
module attributes {stable_mosaic.version = 14 : i64} {
  func.func @k(%arg0: i32, %arg1: i32, %arg2: memref<327680xi32, #tpu.memory_space<hbm>>, %arg3: memref<128x128xf32, #tpu.memory_space<hbm>>, %arg4: memref<10000x128xf32, #tpu.memory_space<hbm>>, %arg5: memref<20000x128xf32, #tpu.memory_space<hbm>>, %arg6: memref<128xi32, #tpu.memory_space<vmem>>, %arg7: memref<128x128xf32, #tpu.memory_space<vmem>>, %arg8: memref<10016x128xf32, #tpu.memory_space<vmem_shared>>) attributes {dimension_semantics = [#tpu.dimension_semantics<core_parallel>, #tpu.dimension_semantics<subcore_parallel>], iteration_bounds = array<i64: 2, 16>, scalar_prefetch = 0 : i64, scratch_operands = 3 : i64, tpu.core_type = #tpu.core_type<sc_vector_subcore>, window_params = [{transform_indices = #map}, {transform_indices = #map1}, {transform_indices = #map1}, {transform_indices = #map1}]} {
    "tpu.region"() ({
      %run_scoped3A = tpu.sem_alloc : memref<!tpu.dma_semaphore, #tpu.memory_space<semaphore_mem>>
      tpu.enqueue_dma source(%arg3 : memref<128x128xf32, #tpu.memory_space<hbm>>) target(%arg7 : memref<128x128xf32, #tpu.memory_space<vmem>>) target_semaphore(%run_scoped3A : memref<!tpu.dma_semaphore, #tpu.memory_space<semaphore_mem>>)
      tpu.wait_dma2 semaphore(%run_scoped3A : memref<!tpu.dma_semaphore, #tpu.memory_space<semaphore_mem>>) src(%arg3 : memref<128x128xf32, #tpu.memory_space<hbm>>) dst(%arg7 : memref<128x128xf32, #tpu.memory_space<vmem>>)
      tpu.yield
    }) : () -> ()
    %mul3A = arith.constant 624 : i32
    %mul3A_0 = arith.muli %arg1, %mul3A : i32
    %add3A = arith.constant 0 : i32
    %add3A_1 = arith.addi %add3A, %mul3A_0 : i32
    %mul3A_2 = arith.constant 624 : i32
    %mul3A_3 = arith.muli %arg1, %mul3A_2 : i32
    %add3A_4 = arith.constant 0 : i32
    %add3A_5 = arith.addi %add3A_4, %mul3A_3 : i32
    "tpu.region"() ({
      %run_scoped3A = tpu.sem_alloc : memref<!tpu.dma_semaphore, #tpu.memory_space<semaphore_mem>>
      %dma_start3A = arith.constant 0 : i32
      %dma_start3A_33 = tpu.memref_slice %arg8[%add3A_5, %dma_start3A] : memref<10016x128xf32, #tpu.memory_space<vmem_shared>> -> memref<624x128xf32, #tpu.memory_space<vmem_shared>>
      %dma_start3A_34 = arith.constant 0 : i32
      %dma_start3A_35 = tpu.memref_slice %arg4[%add3A_1, %dma_start3A_34] : memref<10000x128xf32, #tpu.memory_space<hbm>> -> memref<624x128xf32, #tpu.memory_space<hbm>>
      tpu.enqueue_dma source(%dma_start3A_35 : memref<624x128xf32, #tpu.memory_space<hbm>>) target(%dma_start3A_33 : memref<624x128xf32, #tpu.memory_space<vmem_shared>>) target_semaphore(%run_scoped3A : memref<!tpu.dma_semaphore, #tpu.memory_space<semaphore_mem>>)
      %dma_wait3A = arith.constant 0 : i32
      %dma_wait3A_36 = tpu.memref_slice %arg8[%add3A_5, %dma_wait3A] : memref<10016x128xf32, #tpu.memory_space<vmem_shared>> -> memref<624x128xf32, #tpu.memory_space<vmem_shared>>
      %dma_wait3A_37 = arith.constant 0 : i32
      %dma_wait3A_38 = tpu.memref_slice %arg4[%add3A_1, %dma_wait3A_37] : memref<10000x128xf32, #tpu.memory_space<hbm>> -> memref<624x128xf32, #tpu.memory_space<hbm>>
      tpu.wait_dma2 semaphore(%run_scoped3A : memref<!tpu.dma_semaphore, #tpu.memory_space<semaphore_mem>>) src(%dma_wait3A_38 : memref<624x128xf32, #tpu.memory_space<hbm>>) dst(%dma_wait3A_36 : memref<624x128xf32, #tpu.memory_space<vmem_shared>>)
      tpu.yield
    }) : () -> ()
    %eq3A = arith.constant 15 : i32
    %eq3A_6 = arith.cmpi eq, %arg1, %eq3A : i32
    %convert_element_type3A = arith.extui %eq3A_6 : i1 to i32
    %cond3A = arith.constant 0 : i32
    %cond3A_7 = arith.cmpi ne, %convert_element_type3A, %cond3A : i32
    scf.if %cond3A_7 {
      "tpu.region"() ({
        %run_scoped3A = tpu.sem_alloc : memref<!tpu.dma_semaphore, #tpu.memory_space<semaphore_mem>>
        %dma_start3A = arith.constant 9984 : i32
        %dma_start3A_33 = arith.constant 0 : i32
        %dma_start3A_34 = tpu.memref_slice %arg8[%dma_start3A, %dma_start3A_33] : memref<10016x128xf32, #tpu.memory_space<vmem_shared>> -> memref<16x128xf32, #tpu.memory_space<vmem_shared>>
        %dma_start3A_35 = arith.constant 9984 : i32
        %dma_start3A_36 = arith.constant 0 : i32
        %dma_start3A_37 = tpu.memref_slice %arg4[%dma_start3A_35, %dma_start3A_36] : memref<10000x128xf32, #tpu.memory_space<hbm>> -> memref<16x128xf32, #tpu.memory_space<hbm>>
        tpu.enqueue_dma source(%dma_start3A_37 : memref<16x128xf32, #tpu.memory_space<hbm>>) target(%dma_start3A_34 : memref<16x128xf32, #tpu.memory_space<vmem_shared>>) target_semaphore(%run_scoped3A : memref<!tpu.dma_semaphore, #tpu.memory_space<semaphore_mem>>)
        %dma_wait3A = arith.constant 9984 : i32
        %dma_wait3A_38 = arith.constant 0 : i32
        %dma_wait3A_39 = tpu.memref_slice %arg8[%dma_wait3A, %dma_wait3A_38] : memref<10016x128xf32, #tpu.memory_space<vmem_shared>> -> memref<16x128xf32, #tpu.memory_space<vmem_shared>>
        %dma_wait3A_40 = arith.constant 9984 : i32
        %dma_wait3A_41 = arith.constant 0 : i32
        %dma_wait3A_42 = tpu.memref_slice %arg4[%dma_wait3A_40, %dma_wait3A_41] : memref<10000x128xf32, #tpu.memory_space<hbm>> -> memref<16x128xf32, #tpu.memory_space<hbm>>
        tpu.wait_dma2 semaphore(%run_scoped3A : memref<!tpu.dma_semaphore, #tpu.memory_space<semaphore_mem>>) src(%dma_wait3A_42 : memref<16x128xf32, #tpu.memory_space<hbm>>) dst(%dma_wait3A_39 : memref<16x128xf32, #tpu.memory_space<vmem_shared>>)
        tpu.yield
      }) : () -> ()
    } else {
    }
    %barrier3A = arith.constant 0 : index
    tpu.barrier barrier_id(%barrier3A)
    %mul3A_8 = arith.constant 16 : i32
    %mul3A_9 = arith.muli %arg0, %mul3A_8 : i32
    %add3A_10 = arith.addi %mul3A_9, %arg1 : i32
    %mul3A_11 = arith.constant 80 : i32
    %mul3A_12 = arith.muli %add3A_10, %mul3A_11 : i32
    %scan3A = arith.constant 0 : i32
    %scan3A_13 = arith.constant 0 : i32
    %scan3A_14 = arith.constant 80 : i32
    %scan3A_15 = arith.addi %scan3A_13, %scan3A_14 : i32
    %scan3A_16 = arith.constant 1 : i32
    scf.for %scan3A_33 = %scan3A_13 to %scan3A_15 step %scan3A_16  : i32 {
      %add3A_34 = arith.addi %mul3A_12, %scan3A_33 : i32
      %mul3A_35 = arith.constant 128 : i32
      %mul3A_36 = arith.muli %add3A_34, %mul3A_35 : i32
      "tpu.region"() ({
        %run_scoped3A = tpu.sem_alloc : memref<!tpu.dma_semaphore, #tpu.memory_space<semaphore_mem>>
        %dma_start3A = tpu.memref_slice %arg2[%mul3A_36] : memref<327680xi32, #tpu.memory_space<hbm>> -> memref<128xi32, #tpu.memory_space<hbm>>
        %dma_start3A_37 = tpu.memref_slice %arg2[%mul3A_36] : memref<327680xi32, #tpu.memory_space<hbm>> -> memref<128xi32, #tpu.memory_space<hbm>>
        tpu.enqueue_dma source(%dma_start3A_37 : memref<128xi32, #tpu.memory_space<hbm>>) target(%arg6 : memref<128xi32, #tpu.memory_space<vmem>>) target_semaphore(%run_scoped3A : memref<!tpu.dma_semaphore, #tpu.memory_space<semaphore_mem>>)
        %dma_wait3A = tpu.memref_slice %arg2[%mul3A_36] : memref<327680xi32, #tpu.memory_space<hbm>> -> memref<128xi32, #tpu.memory_space<hbm>>
        %dma_wait3A_38 = tpu.memref_slice %arg2[%mul3A_36] : memref<327680xi32, #tpu.memory_space<hbm>> -> memref<128xi32, #tpu.memory_space<hbm>>
        tpu.wait_dma2 semaphore(%run_scoped3A : memref<!tpu.dma_semaphore, #tpu.memory_space<semaphore_mem>>) src(%dma_wait3A_38 : memref<128xi32, #tpu.memory_space<hbm>>) dst(%arg6 : memref<128xi32, #tpu.memory_space<vmem>>)
        tpu.yield
      }) : () -> ()
      "tpu.region"() ({
        %run_scoped3A = tpu.sem_alloc : memref<!tpu.dma_semaphore, #tpu.memory_space<semaphore_mem>>
        %dma_start3A = arith.constant 0 : i32
        %dma_start3A_37 = arith.constant 0 : i32
        %dma_start3A_38 = tpu.memref_slice %arg8[%dma_start3A, %dma_start3A_37] : memref<10016x128xf32, #tpu.memory_space<vmem_shared>> -> memref<10016x128xf32, #tpu.memory_space<vmem_shared>>
        tpu.enqueue_indirect_dma source(%arg7 : memref<128x128xf32, #tpu.memory_space<vmem>>) target(%dma_start3A_38 : memref<10016x128xf32, #tpu.memory_space<vmem_shared>>) offsets(%arg6 : memref<128xi32, #tpu.memory_space<vmem>>) semaphore(%run_scoped3A : memref<!tpu.dma_semaphore, #tpu.memory_space<semaphore_mem>>) {add = true}
        %dma_wait3A = arith.constant 0 : i32
        %dma_wait3A_39 = arith.constant 0 : i32
        %dma_wait3A_40 = tpu.memref_slice %arg8[%dma_wait3A, %dma_wait3A_39] : memref<10016x128xf32, #tpu.memory_space<vmem_shared>> -> memref<10016x128xf32, #tpu.memory_space<vmem_shared>>
        tpu.wait_indirect_dma semaphore(%run_scoped3A : memref<!tpu.dma_semaphore, #tpu.memory_space<semaphore_mem>>) src(%arg7 : memref<128x128xf32, #tpu.memory_space<vmem>>) dst(%dma_wait3A_40 : memref<10016x128xf32, #tpu.memory_space<vmem_shared>>)
        tpu.yield
      }) : () -> ()
    }
    %scan3A_17 = arith.constant 80 : i32
    %barrier3A_18 = arith.constant 0 : index
    tpu.barrier barrier_id(%barrier3A_18)
    %mul3A_19 = arith.constant 10000 : i32
    %mul3A_20 = arith.muli %arg0, %mul3A_19 : i32
    %mul3A_21 = arith.constant 624 : i32
    %mul3A_22 = arith.muli %arg1, %mul3A_21 : i32
    %add3A_23 = arith.constant 0 : i32
    %add3A_24 = arith.addi %add3A_23, %mul3A_22 : i32
    %mul3A_25 = arith.constant 624 : i32
    %mul3A_26 = arith.muli %arg1, %mul3A_25 : i32
    %add3A_27 = arith.addi %mul3A_20, %mul3A_26 : i32
    "tpu.region"() ({
      %run_scoped3A = tpu.sem_alloc : memref<!tpu.dma_semaphore, #tpu.memory_space<semaphore_mem>>
      %dma_start3A = arith.constant 0 : i32
      %dma_start3A_33 = tpu.memref_slice %arg5[%add3A_27, %dma_start3A] : memref<20000x128xf32, #tpu.memory_space<hbm>> -> memref<624x128xf32, #tpu.memory_space<hbm>>
      %dma_start3A_34 = arith.constant 0 : i32
      %dma_start3A_35 = tpu.memref_slice %arg8[%add3A_24, %dma_start3A_34] : memref<10016x128xf32, #tpu.memory_space<vmem_shared>> -> memref<624x128xf32, #tpu.memory_space<vmem_shared>>
      tpu.enqueue_dma source(%dma_start3A_35 : memref<624x128xf32, #tpu.memory_space<vmem_shared>>) target(%dma_start3A_33 : memref<624x128xf32, #tpu.memory_space<hbm>>) target_semaphore(%run_scoped3A : memref<!tpu.dma_semaphore, #tpu.memory_space<semaphore_mem>>)
      %dma_wait3A = arith.constant 0 : i32
      %dma_wait3A_36 = tpu.memref_slice %arg5[%add3A_27, %dma_wait3A] : memref<20000x128xf32, #tpu.memory_space<hbm>> -> memref<624x128xf32, #tpu.memory_space<hbm>>
      %dma_wait3A_37 = arith.constant 0 : i32
      %dma_wait3A_38 = tpu.memref_slice %arg8[%add3A_24, %dma_wait3A_37] : memref<10016x128xf32, #tpu.memory_space<vmem_shared>> -> memref<624x128xf32, #tpu.memory_space<vmem_shared>>
      tpu.wait_dma2 semaphore(%run_scoped3A : memref<!tpu.dma_semaphore, #tpu.memory_space<semaphore_mem>>) src(%dma_wait3A_38 : memref<624x128xf32, #tpu.memory_space<vmem_shared>>) dst(%dma_wait3A_36 : memref<624x128xf32, #tpu.memory_space<hbm>>)
      tpu.yield
    }) : () -> ()
    %eq3A_28 = arith.constant 15 : i32
    %eq3A_29 = arith.cmpi eq, %arg1, %eq3A_28 : i32
    %convert_element_type3A_30 = arith.extui %eq3A_29 : i1 to i32
    %cond3A_31 = arith.constant 0 : i32
    %cond3A_32 = arith.cmpi ne, %convert_element_type3A_30, %cond3A_31 : i32
    scf.if %cond3A_32 {
      %add3A_33 = arith.constant 9984 : i32
      %add3A_34 = arith.addi %mul3A_20, %add3A_33 : i32
      "tpu.region"() ({
        %run_scoped3A = tpu.sem_alloc : memref<!tpu.dma_semaphore, #tpu.memory_space<semaphore_mem>>
        %dma_start3A = arith.constant 0 : i32
        %dma_start3A_35 = tpu.memref_slice %arg5[%add3A_34, %dma_start3A] : memref<20000x128xf32, #tpu.memory_space<hbm>> -> memref<16x128xf32, #tpu.memory_space<hbm>>
        %dma_start3A_36 = arith.constant 9984 : i32
        %dma_start3A_37 = arith.constant 0 : i32
        %dma_start3A_38 = tpu.memref_slice %arg8[%dma_start3A_36, %dma_start3A_37] : memref<10016x128xf32, #tpu.memory_space<vmem_shared>> -> memref<16x128xf32, #tpu.memory_space<vmem_shared>>
        tpu.enqueue_dma source(%dma_start3A_38 : memref<16x128xf32, #tpu.memory_space<vmem_shared>>) target(%dma_start3A_35 : memref<16x128xf32, #tpu.memory_space<hbm>>) target_semaphore(%run_scoped3A : memref<!tpu.dma_semaphore, #tpu.memory_space<semaphore_mem>>)
        %dma_wait3A = arith.constant 0 : i32
        %dma_wait3A_39 = tpu.memref_slice %arg5[%add3A_34, %dma_wait3A] : memref<20000x128xf32, #tpu.memory_space<hbm>> -> memref<16x128xf32, #tpu.memory_space<hbm>>
        %dma_wait3A_40 = arith.constant 9984 : i32
        %dma_wait3A_41 = arith.constant 0 : i32
        %dma_wait3A_42 = tpu.memref_slice %arg8[%dma_wait3A_40, %dma_wait3A_41] : memref<10016x128xf32, #tpu.memory_space<vmem_shared>> -> memref<16x128xf32, #tpu.memory_space<vmem_shared>>
        tpu.wait_dma2 semaphore(%run_scoped3A : memref<!tpu.dma_semaphore, #tpu.memory_space<semaphore_mem>>) src(%dma_wait3A_42 : memref<16x128xf32, #tpu.memory_space<vmem_shared>>) dst(%dma_wait3A_39 : memref<16x128xf32, #tpu.memory_space<hbm>>)
        tpu.yield
      }) : () -> ()
    } else {
    }
    return
  }
}

#map = affine_map<(d0, d1) -> (0, 0)>
#map1 = affine_map<(d0, d1) -> (0)>
module attributes {stable_mosaic.version = 14 : i64} {
  func.func @k(%arg0: i32, %arg1: i32, %arg2: memref<10000x128xf32, #tpu.memory_space<hbm>>, %arg3: memref<327680xi32, #tpu.memory_space<hbm>>, %arg4: memref<327680xi32, #tpu.memory_space<hbm>>, %arg5: memref<10000x128xf32, #tpu.memory_space<hbm>>, %arg6: memref<20000x128xf32, #tpu.memory_space<hbm>>, %arg7: memref<128xi32, #tpu.memory_space<vmem>>, %arg8: memref<128xi32, #tpu.memory_space<vmem>>, %arg9: memref<128x128xf32, #tpu.memory_space<vmem>>, %arg10: memref<10016x128xf32, #tpu.memory_space<vmem_shared>>, %arg11: memref<!tpu.dma_semaphore, #tpu.memory_space<semaphore_mem>>) attributes {dimension_semantics = [#tpu.dimension_semantics<core_parallel>, #tpu.dimension_semantics<subcore_parallel>], iteration_bounds = array<i64: 2, 16>, scalar_prefetch = 0 : i64, scratch_operands = 5 : i64, tpu.core_type = #tpu.core_type<sc_vector_subcore>, window_params = [{transform_indices = #map}, {transform_indices = #map1}, {transform_indices = #map1}, {transform_indices = #map}, {transform_indices = #map}]} {
    %eq3A = arith.constant 0 : i32
    %eq3A_0 = arith.cmpi eq, %arg0, %eq3A : i32
    %convert_element_type3A = arith.extui %eq3A_0 : i1 to i32
    %cond3A = arith.constant 0 : i32
    %cond3A_1 = arith.cmpi ne, %convert_element_type3A, %cond3A : i32
    scf.if %cond3A_1 {
      %mul3A_65 = arith.constant 624 : i32
      %mul3A_66 = arith.muli %arg1, %mul3A_65 : i32
      %add3A_67 = arith.constant 0 : i32
      %add3A_68 = arith.addi %add3A_67, %mul3A_66 : i32
      %mul3A_69 = arith.constant 624 : i32
      %mul3A_70 = arith.muli %arg1, %mul3A_69 : i32
      %add3A_71 = arith.constant 0 : i32
      %add3A_72 = arith.addi %add3A_71, %mul3A_70 : i32
      "tpu.region"() ({
        %run_scoped3A = tpu.sem_alloc : memref<!tpu.dma_semaphore, #tpu.memory_space<semaphore_mem>>
        %dma_start3A_78 = arith.constant 0 : i32
        %dma_start3A_79 = tpu.memref_slice %arg10[%add3A_72, %dma_start3A_78] : memref<10016x128xf32, #tpu.memory_space<vmem_shared>> -> memref<624x128xf32, #tpu.memory_space<vmem_shared>>
        %dma_start3A_80 = arith.constant 0 : i32
        %dma_start3A_81 = tpu.memref_slice %arg2[%add3A_68, %dma_start3A_80] : memref<10000x128xf32, #tpu.memory_space<hbm>> -> memref<624x128xf32, #tpu.memory_space<hbm>>
        tpu.enqueue_dma source(%dma_start3A_81 : memref<624x128xf32, #tpu.memory_space<hbm>>) target(%dma_start3A_79 : memref<624x128xf32, #tpu.memory_space<vmem_shared>>) target_semaphore(%run_scoped3A : memref<!tpu.dma_semaphore, #tpu.memory_space<semaphore_mem>>)
        %dma_wait3A = arith.constant 0 : i32
        %dma_wait3A_82 = tpu.memref_slice %arg10[%add3A_72, %dma_wait3A] : memref<10016x128xf32, #tpu.memory_space<vmem_shared>> -> memref<624x128xf32, #tpu.memory_space<vmem_shared>>
        %dma_wait3A_83 = arith.constant 0 : i32
        %dma_wait3A_84 = tpu.memref_slice %arg2[%add3A_68, %dma_wait3A_83] : memref<10000x128xf32, #tpu.memory_space<hbm>> -> memref<624x128xf32, #tpu.memory_space<hbm>>
        tpu.wait_dma2 semaphore(%run_scoped3A : memref<!tpu.dma_semaphore, #tpu.memory_space<semaphore_mem>>) src(%dma_wait3A_84 : memref<624x128xf32, #tpu.memory_space<hbm>>) dst(%dma_wait3A_82 : memref<624x128xf32, #tpu.memory_space<vmem_shared>>)
        tpu.yield
      }) : () -> ()
      %eq3A_73 = arith.constant 15 : i32
      %eq3A_74 = arith.cmpi eq, %arg1, %eq3A_73 : i32
      %convert_element_type3A_75 = arith.extui %eq3A_74 : i1 to i32
      %cond3A_76 = arith.constant 0 : i32
      %cond3A_77 = arith.cmpi ne, %convert_element_type3A_75, %cond3A_76 : i32
      scf.if %cond3A_77 {
        "tpu.region"() ({
          %run_scoped3A = tpu.sem_alloc : memref<!tpu.dma_semaphore, #tpu.memory_space<semaphore_mem>>
          %dma_start3A_78 = arith.constant 9984 : i32
          %dma_start3A_79 = arith.constant 0 : i32
          %dma_start3A_80 = tpu.memref_slice %arg10[%dma_start3A_78, %dma_start3A_79] : memref<10016x128xf32, #tpu.memory_space<vmem_shared>> -> memref<16x128xf32, #tpu.memory_space<vmem_shared>>
          %dma_start3A_81 = arith.constant 9984 : i32
          %dma_start3A_82 = arith.constant 0 : i32
          %dma_start3A_83 = tpu.memref_slice %arg2[%dma_start3A_81, %dma_start3A_82] : memref<10000x128xf32, #tpu.memory_space<hbm>> -> memref<16x128xf32, #tpu.memory_space<hbm>>
          tpu.enqueue_dma source(%dma_start3A_83 : memref<16x128xf32, #tpu.memory_space<hbm>>) target(%dma_start3A_80 : memref<16x128xf32, #tpu.memory_space<vmem_shared>>) target_semaphore(%run_scoped3A : memref<!tpu.dma_semaphore, #tpu.memory_space<semaphore_mem>>)
          %dma_wait3A = arith.constant 9984 : i32
          %dma_wait3A_84 = arith.constant 0 : i32
          %dma_wait3A_85 = tpu.memref_slice %arg10[%dma_wait3A, %dma_wait3A_84] : memref<10016x128xf32, #tpu.memory_space<vmem_shared>> -> memref<16x128xf32, #tpu.memory_space<vmem_shared>>
          %dma_wait3A_86 = arith.constant 9984 : i32
          %dma_wait3A_87 = arith.constant 0 : i32
          %dma_wait3A_88 = tpu.memref_slice %arg2[%dma_wait3A_86, %dma_wait3A_87] : memref<10000x128xf32, #tpu.memory_space<hbm>> -> memref<16x128xf32, #tpu.memory_space<hbm>>
          tpu.wait_dma2 semaphore(%run_scoped3A : memref<!tpu.dma_semaphore, #tpu.memory_space<semaphore_mem>>) src(%dma_wait3A_88 : memref<16x128xf32, #tpu.memory_space<hbm>>) dst(%dma_wait3A_85 : memref<16x128xf32, #tpu.memory_space<vmem_shared>>)
          tpu.yield
        }) : () -> ()
      } else {
      }
    } else {
    }
    %eq3A_2 = arith.constant 1 : i32
    %eq3A_3 = arith.cmpi eq, %arg0, %eq3A_2 : i32
    %convert_element_type3A_4 = arith.extui %eq3A_3 : i1 to i32
    %cond3A_5 = arith.constant 0 : i32
    %cond3A_6 = arith.cmpi ne, %convert_element_type3A_4, %cond3A_5 : i32
    scf.if %cond3A_6 {
      %mul3A_65 = arith.constant 624 : i32
      %mul3A_66 = arith.muli %arg1, %mul3A_65 : i32
      %add3A_67 = arith.constant 0 : i32
      %add3A_68 = arith.addi %add3A_67, %mul3A_66 : i32
      %mul3A_69 = arith.constant 624 : i32
      %mul3A_70 = arith.muli %arg1, %mul3A_69 : i32
      %add3A_71 = arith.constant 0 : i32
      %add3A_72 = arith.addi %add3A_71, %mul3A_70 : i32
      "tpu.region"() ({
        %run_scoped3A = tpu.sem_alloc : memref<!tpu.dma_semaphore, #tpu.memory_space<semaphore_mem>>
        %dma_start3A_78 = arith.constant 0 : i32
        %dma_start3A_79 = tpu.memref_slice %arg10[%add3A_72, %dma_start3A_78] : memref<10016x128xf32, #tpu.memory_space<vmem_shared>> -> memref<624x128xf32, #tpu.memory_space<vmem_shared>>
        %dma_start3A_80 = arith.constant 0 : i32
        %dma_start3A_81 = tpu.memref_slice %arg5[%add3A_68, %dma_start3A_80] : memref<10000x128xf32, #tpu.memory_space<hbm>> -> memref<624x128xf32, #tpu.memory_space<hbm>>
        tpu.enqueue_dma source(%dma_start3A_81 : memref<624x128xf32, #tpu.memory_space<hbm>>) target(%dma_start3A_79 : memref<624x128xf32, #tpu.memory_space<vmem_shared>>) target_semaphore(%run_scoped3A : memref<!tpu.dma_semaphore, #tpu.memory_space<semaphore_mem>>)
        %dma_wait3A = arith.constant 0 : i32
        %dma_wait3A_82 = tpu.memref_slice %arg10[%add3A_72, %dma_wait3A] : memref<10016x128xf32, #tpu.memory_space<vmem_shared>> -> memref<624x128xf32, #tpu.memory_space<vmem_shared>>
        %dma_wait3A_83 = arith.constant 0 : i32
        %dma_wait3A_84 = tpu.memref_slice %arg5[%add3A_68, %dma_wait3A_83] : memref<10000x128xf32, #tpu.memory_space<hbm>> -> memref<624x128xf32, #tpu.memory_space<hbm>>
        tpu.wait_dma2 semaphore(%run_scoped3A : memref<!tpu.dma_semaphore, #tpu.memory_space<semaphore_mem>>) src(%dma_wait3A_84 : memref<624x128xf32, #tpu.memory_space<hbm>>) dst(%dma_wait3A_82 : memref<624x128xf32, #tpu.memory_space<vmem_shared>>)
        tpu.yield
      }) : () -> ()
      %eq3A_73 = arith.constant 15 : i32
      %eq3A_74 = arith.cmpi eq, %arg1, %eq3A_73 : i32
      %convert_element_type3A_75 = arith.extui %eq3A_74 : i1 to i32
      %cond3A_76 = arith.constant 0 : i32
      %cond3A_77 = arith.cmpi ne, %convert_element_type3A_75, %cond3A_76 : i32
      scf.if %cond3A_77 {
        "tpu.region"() ({
          %run_scoped3A = tpu.sem_alloc : memref<!tpu.dma_semaphore, #tpu.memory_space<semaphore_mem>>
          %dma_start3A_78 = arith.constant 9984 : i32
          %dma_start3A_79 = arith.constant 0 : i32
          %dma_start3A_80 = tpu.memref_slice %arg10[%dma_start3A_78, %dma_start3A_79] : memref<10016x128xf32, #tpu.memory_space<vmem_shared>> -> memref<16x128xf32, #tpu.memory_space<vmem_shared>>
          %dma_start3A_81 = arith.constant 9984 : i32
          %dma_start3A_82 = arith.constant 0 : i32
          %dma_start3A_83 = tpu.memref_slice %arg5[%dma_start3A_81, %dma_start3A_82] : memref<10000x128xf32, #tpu.memory_space<hbm>> -> memref<16x128xf32, #tpu.memory_space<hbm>>
          tpu.enqueue_dma source(%dma_start3A_83 : memref<16x128xf32, #tpu.memory_space<hbm>>) target(%dma_start3A_80 : memref<16x128xf32, #tpu.memory_space<vmem_shared>>) target_semaphore(%run_scoped3A : memref<!tpu.dma_semaphore, #tpu.memory_space<semaphore_mem>>)
          %dma_wait3A = arith.constant 9984 : i32
          %dma_wait3A_84 = arith.constant 0 : i32
          %dma_wait3A_85 = tpu.memref_slice %arg10[%dma_wait3A, %dma_wait3A_84] : memref<10016x128xf32, #tpu.memory_space<vmem_shared>> -> memref<16x128xf32, #tpu.memory_space<vmem_shared>>
          %dma_wait3A_86 = arith.constant 9984 : i32
          %dma_wait3A_87 = arith.constant 0 : i32
          %dma_wait3A_88 = tpu.memref_slice %arg5[%dma_wait3A_86, %dma_wait3A_87] : memref<10000x128xf32, #tpu.memory_space<hbm>> -> memref<16x128xf32, #tpu.memory_space<hbm>>
          tpu.wait_dma2 semaphore(%run_scoped3A : memref<!tpu.dma_semaphore, #tpu.memory_space<semaphore_mem>>) src(%dma_wait3A_88 : memref<16x128xf32, #tpu.memory_space<hbm>>) dst(%dma_wait3A_85 : memref<16x128xf32, #tpu.memory_space<vmem_shared>>)
          tpu.yield
        }) : () -> ()
      } else {
      }
    } else {
    }
    %barrier3A = arith.constant 0 : index
    tpu.barrier barrier_id(%barrier3A)
    %mul3A = arith.constant -40 : i32
    %mul3A_7 = arith.muli %arg0, %mul3A : i32
    %add3A = arith.constant 100 : i32
    %add3A_8 = arith.addi %add3A, %mul3A_7 : i32
    %mul3A_9 = arith.constant 16 : i32
    %mul3A_10 = arith.muli %arg0, %mul3A_9 : i32
    %mul3A_11 = arith.constant 100 : i32
    %mul3A_12 = arith.muli %mul3A_10, %mul3A_11 : i32
    %mul3A_13 = arith.muli %arg1, %add3A_8 : i32
    %add3A_14 = arith.addi %mul3A_12, %mul3A_13 : i32
    %add3A_15 = arith.constant 0 : i32
    %add3A_16 = arith.addi %add3A_14, %add3A_15 : i32
    %mul3A_17 = arith.constant 128 : i32
    %mul3A_18 = arith.muli %add3A_16, %mul3A_17 : i32
    "tpu.region"() ({
      %run_scoped3A = tpu.sem_alloc : memref<!tpu.dma_semaphore, #tpu.memory_space<semaphore_mem>>
      %dma_start3A_65 = tpu.memref_slice %arg3[%mul3A_18] : memref<327680xi32, #tpu.memory_space<hbm>> -> memref<128xi32, #tpu.memory_space<hbm>>
      %dma_start3A_66 = tpu.memref_slice %arg3[%mul3A_18] : memref<327680xi32, #tpu.memory_space<hbm>> -> memref<128xi32, #tpu.memory_space<hbm>>
      tpu.enqueue_dma source(%dma_start3A_66 : memref<128xi32, #tpu.memory_space<hbm>>) target(%arg7 : memref<128xi32, #tpu.memory_space<vmem>>) target_semaphore(%run_scoped3A : memref<!tpu.dma_semaphore, #tpu.memory_space<semaphore_mem>>)
      %dma_wait3A = tpu.memref_slice %arg3[%mul3A_18] : memref<327680xi32, #tpu.memory_space<hbm>> -> memref<128xi32, #tpu.memory_space<hbm>>
      %dma_wait3A_67 = tpu.memref_slice %arg3[%mul3A_18] : memref<327680xi32, #tpu.memory_space<hbm>> -> memref<128xi32, #tpu.memory_space<hbm>>
      tpu.wait_dma2 semaphore(%run_scoped3A : memref<!tpu.dma_semaphore, #tpu.memory_space<semaphore_mem>>) src(%dma_wait3A_67 : memref<128xi32, #tpu.memory_space<hbm>>) dst(%arg7 : memref<128xi32, #tpu.memory_space<vmem>>)
      tpu.yield
    }) : () -> ()
    %add3A_19 = arith.constant 0 : i32
    %add3A_20 = arith.addi %add3A_14, %add3A_19 : i32
    %mul3A_21 = arith.constant 128 : i32
    %mul3A_22 = arith.muli %add3A_20, %mul3A_21 : i32
    "tpu.region"() ({
      %run_scoped3A = tpu.sem_alloc : memref<!tpu.dma_semaphore, #tpu.memory_space<semaphore_mem>>
      %dma_start3A_65 = tpu.memref_slice %arg4[%mul3A_22] : memref<327680xi32, #tpu.memory_space<hbm>> -> memref<128xi32, #tpu.memory_space<hbm>>
      %dma_start3A_66 = tpu.memref_slice %arg4[%mul3A_22] : memref<327680xi32, #tpu.memory_space<hbm>> -> memref<128xi32, #tpu.memory_space<hbm>>
      tpu.enqueue_dma source(%dma_start3A_66 : memref<128xi32, #tpu.memory_space<hbm>>) target(%arg8 : memref<128xi32, #tpu.memory_space<vmem>>) target_semaphore(%run_scoped3A : memref<!tpu.dma_semaphore, #tpu.memory_space<semaphore_mem>>)
      %dma_wait3A = tpu.memref_slice %arg4[%mul3A_22] : memref<327680xi32, #tpu.memory_space<hbm>> -> memref<128xi32, #tpu.memory_space<hbm>>
      %dma_wait3A_67 = tpu.memref_slice %arg4[%mul3A_22] : memref<327680xi32, #tpu.memory_space<hbm>> -> memref<128xi32, #tpu.memory_space<hbm>>
      tpu.wait_dma2 semaphore(%run_scoped3A : memref<!tpu.dma_semaphore, #tpu.memory_space<semaphore_mem>>) src(%dma_wait3A_67 : memref<128xi32, #tpu.memory_space<hbm>>) dst(%arg8 : memref<128xi32, #tpu.memory_space<vmem>>)
      tpu.yield
    }) : () -> ()
    %dma_start3A = arith.constant 0 : i32
    %dma_start3A_23 = arith.constant 0 : i32
    %dma_start3A_24 = tpu.memref_slice %arg2[%dma_start3A, %dma_start3A_23] : memref<10000x128xf32, #tpu.memory_space<hbm>> -> memref<10000x128xf32, #tpu.memory_space<hbm>>
    tpu.enqueue_indirect_dma source(%dma_start3A_24 : memref<10000x128xf32, #tpu.memory_space<hbm>>) target(%arg9 : memref<128x128xf32, #tpu.memory_space<vmem>>) offsets(%arg7 : memref<128xi32, #tpu.memory_space<vmem>>) semaphore(%arg11 : memref<!tpu.dma_semaphore, #tpu.memory_space<semaphore_mem>>)
    %jit3A = arith.constant 1 : i32
    %div3A = arith.divsi %add3A_8, %jit3A : i32
    %sign3A = arith.constant 0 : i32
    %sign3A_25 = arith.cmpi sgt, %add3A_8, %sign3A : i32
    %sign3A_26 = arith.extui %sign3A_25 : i1 to i32
    %sign3A_27 = arith.constant 0 : i32
    %sign3A_28 = arith.cmpi slt, %add3A_8, %sign3A_27 : i32
    %sign3A_29 = arith.extui %sign3A_28 : i1 to i32
    %sign3A_30 = arith.subi %sign3A_26, %sign3A_29 : i32
    %sign3A_31 = arith.constant 0 : i32
    %sign3A_32 = arith.cmpi sgt, %jit3A, %sign3A_31 : i32
    %sign3A_33 = arith.extui %sign3A_32 : i1 to i32
    %sign3A_34 = arith.constant 0 : i32
    %sign3A_35 = arith.cmpi slt, %jit3A, %sign3A_34 : i32
    %sign3A_36 = arith.extui %sign3A_35 : i1 to i32
    %sign3A_37 = arith.subi %sign3A_33, %sign3A_36 : i32
    %ne3A = arith.cmpi ne, %sign3A_30, %sign3A_37 : i32
    %rem3A = arith.remsi %add3A_8, %jit3A : i32
    %ne3A_38 = arith.constant 0 : i32
    %ne3A_39 = arith.cmpi ne, %rem3A, %ne3A_38 : i32
    %and3A = arith.andi %ne3A, %ne3A_39 : i1
    %sub3A = arith.constant 1 : i32
    %sub3A_40 = arith.subi %div3A, %sub3A : i32
    %select_n3A = arith.select %and3A, %sub3A_40, %div3A : i32
    %while3A = arith.constant 0 : i32
    %while3A_41 = arith.constant 0 : i32
    %while3A_42 = arith.subi %select_n3A, %while3A_41 : i32
    %while3A_43 = arith.addi %while3A_41, %while3A_42 : i32
    %while3A_44 = arith.constant 1 : i32
    %while3A_45 = arith.divsi %while3A_42, %while3A_44 : i32
    %while3A_46 = arith.muli %while3A_45, %while3A_44 : i32
    %while3A_47 = arith.addi %while3A_41, %while3A_46 : i32
    %while3A_48 = arith.constant 1 : i32
    scf.for %while3A_65 = %while3A_41 to %while3A_47 step %while3A_48  : i32 {
      %mul3A_66 = arith.constant 1 : i32
      %mul3A_67 = arith.muli %while3A_65, %mul3A_66 : i32
      %add3A_68 = arith.constant 0 : i32
      %add3A_69 = arith.addi %mul3A_67, %add3A_68 : i32
      %dma_wait3A = arith.constant 0 : i32
      %dma_wait3A_70 = arith.constant 0 : i32
      %dma_wait3A_71 = tpu.memref_slice %arg2[%dma_wait3A, %dma_wait3A_70] : memref<10000x128xf32, #tpu.memory_space<hbm>> -> memref<10000x128xf32, #tpu.memory_space<hbm>>
      tpu.wait_indirect_dma semaphore(%arg11 : memref<!tpu.dma_semaphore, #tpu.memory_space<semaphore_mem>>) src(%dma_wait3A_71 : memref<10000x128xf32, #tpu.memory_space<hbm>>) dst(%arg9 : memref<128x128xf32, #tpu.memory_space<vmem>>)
      "tpu.region"() ({
        %run_scoped3A = tpu.sem_alloc : memref<!tpu.dma_semaphore, #tpu.memory_space<semaphore_mem>>
        %dma_start3A_77 = arith.constant 0 : i32
        %dma_start3A_78 = arith.constant 0 : i32
        %dma_start3A_79 = tpu.memref_slice %arg10[%dma_start3A_77, %dma_start3A_78] : memref<10016x128xf32, #tpu.memory_space<vmem_shared>> -> memref<10016x128xf32, #tpu.memory_space<vmem_shared>>
        tpu.enqueue_indirect_dma source(%arg9 : memref<128x128xf32, #tpu.memory_space<vmem>>) target(%dma_start3A_79 : memref<10016x128xf32, #tpu.memory_space<vmem_shared>>) offsets(%arg8 : memref<128xi32, #tpu.memory_space<vmem>>) semaphore(%run_scoped3A : memref<!tpu.dma_semaphore, #tpu.memory_space<semaphore_mem>>) {add = true}
        %dma_wait3A_80 = arith.constant 0 : i32
        %dma_wait3A_81 = arith.constant 0 : i32
        %dma_wait3A_82 = tpu.memref_slice %arg10[%dma_wait3A_80, %dma_wait3A_81] : memref<10016x128xf32, #tpu.memory_space<vmem_shared>> -> memref<10016x128xf32, #tpu.memory_space<vmem_shared>>
        tpu.wait_indirect_dma semaphore(%run_scoped3A : memref<!tpu.dma_semaphore, #tpu.memory_space<semaphore_mem>>) src(%arg9 : memref<128x128xf32, #tpu.memory_space<vmem>>) dst(%dma_wait3A_82 : memref<10016x128xf32, #tpu.memory_space<vmem_shared>>)
        tpu.yield
      }) : () -> ()
      %add3A_72 = arith.constant 1 : i32
      %add3A_73 = arith.addi %add3A_69, %add3A_72 : i32
      %lt3A = arith.cmpi slt, %add3A_73, %add3A_8 : i32
      %convert_element_type3A_74 = arith.extui %lt3A : i1 to i32
      %cond3A_75 = arith.constant 0 : i32
      %cond3A_76 = arith.cmpi ne, %convert_element_type3A_74, %cond3A_75 : i32
      scf.if %cond3A_76 {
        %add3A_77 = arith.constant 1 : i32
        %add3A_78 = arith.addi %add3A_69, %add3A_77 : i32
        %add3A_79 = arith.addi %add3A_14, %add3A_78 : i32
        %mul3A_80 = arith.constant 128 : i32
        %mul3A_81 = arith.muli %add3A_79, %mul3A_80 : i32
        "tpu.region"() ({
          %run_scoped3A = tpu.sem_alloc : memref<!tpu.dma_semaphore, #tpu.memory_space<semaphore_mem>>
          %dma_start3A_88 = tpu.memref_slice %arg3[%mul3A_81] : memref<327680xi32, #tpu.memory_space<hbm>> -> memref<128xi32, #tpu.memory_space<hbm>>
          %dma_start3A_89 = tpu.memref_slice %arg3[%mul3A_81] : memref<327680xi32, #tpu.memory_space<hbm>> -> memref<128xi32, #tpu.memory_space<hbm>>
          tpu.enqueue_dma source(%dma_start3A_89 : memref<128xi32, #tpu.memory_space<hbm>>) target(%arg7 : memref<128xi32, #tpu.memory_space<vmem>>) target_semaphore(%run_scoped3A : memref<!tpu.dma_semaphore, #tpu.memory_space<semaphore_mem>>)
          %dma_wait3A_90 = tpu.memref_slice %arg3[%mul3A_81] : memref<327680xi32, #tpu.memory_space<hbm>> -> memref<128xi32, #tpu.memory_space<hbm>>
          %dma_wait3A_91 = tpu.memref_slice %arg3[%mul3A_81] : memref<327680xi32, #tpu.memory_space<hbm>> -> memref<128xi32, #tpu.memory_space<hbm>>
          tpu.wait_dma2 semaphore(%run_scoped3A : memref<!tpu.dma_semaphore, #tpu.memory_space<semaphore_mem>>) src(%dma_wait3A_91 : memref<128xi32, #tpu.memory_space<hbm>>) dst(%arg7 : memref<128xi32, #tpu.memory_space<vmem>>)
          tpu.yield
        }) : () -> ()
        %add3A_82 = arith.addi %add3A_14, %add3A_78 : i32
        %mul3A_83 = arith.constant 128 : i32
        %mul3A_84 = arith.muli %add3A_82, %mul3A_83 : i32
        "tpu.region"() ({
          %run_scoped3A = tpu.sem_alloc : memref<!tpu.dma_semaphore, #tpu.memory_space<semaphore_mem>>
          %dma_start3A_88 = tpu.memref_slice %arg4[%mul3A_84] : memref<327680xi32, #tpu.memory_space<hbm>> -> memref<128xi32, #tpu.memory_space<hbm>>
          %dma_start3A_89 = tpu.memref_slice %arg4[%mul3A_84] : memref<327680xi32, #tpu.memory_space<hbm>> -> memref<128xi32, #tpu.memory_space<hbm>>
          tpu.enqueue_dma source(%dma_start3A_89 : memref<128xi32, #tpu.memory_space<hbm>>) target(%arg8 : memref<128xi32, #tpu.memory_space<vmem>>) target_semaphore(%run_scoped3A : memref<!tpu.dma_semaphore, #tpu.memory_space<semaphore_mem>>)
          %dma_wait3A_90 = tpu.memref_slice %arg4[%mul3A_84] : memref<327680xi32, #tpu.memory_space<hbm>> -> memref<128xi32, #tpu.memory_space<hbm>>
          %dma_wait3A_91 = tpu.memref_slice %arg4[%mul3A_84] : memref<327680xi32, #tpu.memory_space<hbm>> -> memref<128xi32, #tpu.memory_space<hbm>>
          tpu.wait_dma2 semaphore(%run_scoped3A : memref<!tpu.dma_semaphore, #tpu.memory_space<semaphore_mem>>) src(%dma_wait3A_91 : memref<128xi32, #tpu.memory_space<hbm>>) dst(%arg8 : memref<128xi32, #tpu.memory_space<vmem>>)
          tpu.yield
        }) : () -> ()
        %dma_start3A_85 = arith.constant 0 : i32
        %dma_start3A_86 = arith.constant 0 : i32
        %dma_start3A_87 = tpu.memref_slice %arg2[%dma_start3A_85, %dma_start3A_86] : memref<10000x128xf32, #tpu.memory_space<hbm>> -> memref<10000x128xf32, #tpu.memory_space<hbm>>
        tpu.enqueue_indirect_dma source(%dma_start3A_87 : memref<10000x128xf32, #tpu.memory_space<hbm>>) target(%arg9 : memref<128x128xf32, #tpu.memory_space<vmem>>) offsets(%arg7 : memref<128xi32, #tpu.memory_space<vmem>>) semaphore(%arg11 : memref<!tpu.dma_semaphore, #tpu.memory_space<semaphore_mem>>)
      } else {
      }
    }
    %while3A_49 = arith.constant 1 : i32
    scf.for %while3A_65 = %while3A_47 to %while3A_43 step %while3A_49  : i32 {
      %mul3A_66 = arith.constant 1 : i32
      %mul3A_67 = arith.muli %while3A_65, %mul3A_66 : i32
      %add3A_68 = arith.constant 0 : i32
      %add3A_69 = arith.addi %mul3A_67, %add3A_68 : i32
      %dma_wait3A = arith.constant 0 : i32
      %dma_wait3A_70 = arith.constant 0 : i32
      %dma_wait3A_71 = tpu.memref_slice %arg2[%dma_wait3A, %dma_wait3A_70] : memref<10000x128xf32, #tpu.memory_space<hbm>> -> memref<10000x128xf32, #tpu.memory_space<hbm>>
      tpu.wait_indirect_dma semaphore(%arg11 : memref<!tpu.dma_semaphore, #tpu.memory_space<semaphore_mem>>) src(%dma_wait3A_71 : memref<10000x128xf32, #tpu.memory_space<hbm>>) dst(%arg9 : memref<128x128xf32, #tpu.memory_space<vmem>>)
      "tpu.region"() ({
        %run_scoped3A = tpu.sem_alloc : memref<!tpu.dma_semaphore, #tpu.memory_space<semaphore_mem>>
        %dma_start3A_77 = arith.constant 0 : i32
        %dma_start3A_78 = arith.constant 0 : i32
        %dma_start3A_79 = tpu.memref_slice %arg10[%dma_start3A_77, %dma_start3A_78] : memref<10016x128xf32, #tpu.memory_space<vmem_shared>> -> memref<10016x128xf32, #tpu.memory_space<vmem_shared>>
        tpu.enqueue_indirect_dma source(%arg9 : memref<128x128xf32, #tpu.memory_space<vmem>>) target(%dma_start3A_79 : memref<10016x128xf32, #tpu.memory_space<vmem_shared>>) offsets(%arg8 : memref<128xi32, #tpu.memory_space<vmem>>) semaphore(%run_scoped3A : memref<!tpu.dma_semaphore, #tpu.memory_space<semaphore_mem>>) {add = true}
        %dma_wait3A_80 = arith.constant 0 : i32
        %dma_wait3A_81 = arith.constant 0 : i32
        %dma_wait3A_82 = tpu.memref_slice %arg10[%dma_wait3A_80, %dma_wait3A_81] : memref<10016x128xf32, #tpu.memory_space<vmem_shared>> -> memref<10016x128xf32, #tpu.memory_space<vmem_shared>>
        tpu.wait_indirect_dma semaphore(%run_scoped3A : memref<!tpu.dma_semaphore, #tpu.memory_space<semaphore_mem>>) src(%arg9 : memref<128x128xf32, #tpu.memory_space<vmem>>) dst(%dma_wait3A_82 : memref<10016x128xf32, #tpu.memory_space<vmem_shared>>)
        tpu.yield
      }) : () -> ()
      %add3A_72 = arith.constant 1 : i32
      %add3A_73 = arith.addi %add3A_69, %add3A_72 : i32
      %lt3A = arith.cmpi slt, %add3A_73, %add3A_8 : i32
      %convert_element_type3A_74 = arith.extui %lt3A : i1 to i32
      %cond3A_75 = arith.constant 0 : i32
      %cond3A_76 = arith.cmpi ne, %convert_element_type3A_74, %cond3A_75 : i32
      scf.if %cond3A_76 {
        %add3A_77 = arith.constant 1 : i32
        %add3A_78 = arith.addi %add3A_69, %add3A_77 : i32
        %add3A_79 = arith.addi %add3A_14, %add3A_78 : i32
        %mul3A_80 = arith.constant 128 : i32
        %mul3A_81 = arith.muli %add3A_79, %mul3A_80 : i32
        "tpu.region"() ({
          %run_scoped3A = tpu.sem_alloc : memref<!tpu.dma_semaphore, #tpu.memory_space<semaphore_mem>>
          %dma_start3A_88 = tpu.memref_slice %arg3[%mul3A_81] : memref<327680xi32, #tpu.memory_space<hbm>> -> memref<128xi32, #tpu.memory_space<hbm>>
          %dma_start3A_89 = tpu.memref_slice %arg3[%mul3A_81] : memref<327680xi32, #tpu.memory_space<hbm>> -> memref<128xi32, #tpu.memory_space<hbm>>
          tpu.enqueue_dma source(%dma_start3A_89 : memref<128xi32, #tpu.memory_space<hbm>>) target(%arg7 : memref<128xi32, #tpu.memory_space<vmem>>) target_semaphore(%run_scoped3A : memref<!tpu.dma_semaphore, #tpu.memory_space<semaphore_mem>>)
          %dma_wait3A_90 = tpu.memref_slice %arg3[%mul3A_81] : memref<327680xi32, #tpu.memory_space<hbm>> -> memref<128xi32, #tpu.memory_space<hbm>>
          %dma_wait3A_91 = tpu.memref_slice %arg3[%mul3A_81] : memref<327680xi32, #tpu.memory_space<hbm>> -> memref<128xi32, #tpu.memory_space<hbm>>
          tpu.wait_dma2 semaphore(%run_scoped3A : memref<!tpu.dma_semaphore, #tpu.memory_space<semaphore_mem>>) src(%dma_wait3A_91 : memref<128xi32, #tpu.memory_space<hbm>>) dst(%arg7 : memref<128xi32, #tpu.memory_space<vmem>>)
          tpu.yield
        }) : () -> ()
        %add3A_82 = arith.addi %add3A_14, %add3A_78 : i32
        %mul3A_83 = arith.constant 128 : i32
        %mul3A_84 = arith.muli %add3A_82, %mul3A_83 : i32
        "tpu.region"() ({
          %run_scoped3A = tpu.sem_alloc : memref<!tpu.dma_semaphore, #tpu.memory_space<semaphore_mem>>
          %dma_start3A_88 = tpu.memref_slice %arg4[%mul3A_84] : memref<327680xi32, #tpu.memory_space<hbm>> -> memref<128xi32, #tpu.memory_space<hbm>>
          %dma_start3A_89 = tpu.memref_slice %arg4[%mul3A_84] : memref<327680xi32, #tpu.memory_space<hbm>> -> memref<128xi32, #tpu.memory_space<hbm>>
          tpu.enqueue_dma source(%dma_start3A_89 : memref<128xi32, #tpu.memory_space<hbm>>) target(%arg8 : memref<128xi32, #tpu.memory_space<vmem>>) target_semaphore(%run_scoped3A : memref<!tpu.dma_semaphore, #tpu.memory_space<semaphore_mem>>)
          %dma_wait3A_90 = tpu.memref_slice %arg4[%mul3A_84] : memref<327680xi32, #tpu.memory_space<hbm>> -> memref<128xi32, #tpu.memory_space<hbm>>
          %dma_wait3A_91 = tpu.memref_slice %arg4[%mul3A_84] : memref<327680xi32, #tpu.memory_space<hbm>> -> memref<128xi32, #tpu.memory_space<hbm>>
          tpu.wait_dma2 semaphore(%run_scoped3A : memref<!tpu.dma_semaphore, #tpu.memory_space<semaphore_mem>>) src(%dma_wait3A_91 : memref<128xi32, #tpu.memory_space<hbm>>) dst(%arg8 : memref<128xi32, #tpu.memory_space<vmem>>)
          tpu.yield
        }) : () -> ()
        %dma_start3A_85 = arith.constant 0 : i32
        %dma_start3A_86 = arith.constant 0 : i32
        %dma_start3A_87 = tpu.memref_slice %arg2[%dma_start3A_85, %dma_start3A_86] : memref<10000x128xf32, #tpu.memory_space<hbm>> -> memref<10000x128xf32, #tpu.memory_space<hbm>>
        tpu.enqueue_indirect_dma source(%dma_start3A_87 : memref<10000x128xf32, #tpu.memory_space<hbm>>) target(%arg9 : memref<128x128xf32, #tpu.memory_space<vmem>>) offsets(%arg7 : memref<128xi32, #tpu.memory_space<vmem>>) semaphore(%arg11 : memref<!tpu.dma_semaphore, #tpu.memory_space<semaphore_mem>>)
      } else {
      }
    }
    %barrier3A_50 = arith.constant 0 : index
    tpu.barrier barrier_id(%barrier3A_50)
    %mul3A_51 = arith.constant 10000 : i32
    %mul3A_52 = arith.muli %arg0, %mul3A_51 : i32
    %mul3A_53 = arith.constant 624 : i32
    %mul3A_54 = arith.muli %arg1, %mul3A_53 : i32
    %add3A_55 = arith.constant 0 : i32
    %add3A_56 = arith.addi %add3A_55, %mul3A_54 : i32
    %mul3A_57 = arith.constant 624 : i32
    %mul3A_58 = arith.muli %arg1, %mul3A_57 : i32
    %add3A_59 = arith.addi %mul3A_52, %mul3A_58 : i32
    "tpu.region"() ({
      %run_scoped3A = tpu.sem_alloc : memref<!tpu.dma_semaphore, #tpu.memory_space<semaphore_mem>>
      %dma_start3A_65 = arith.constant 0 : i32
      %dma_start3A_66 = tpu.memref_slice %arg6[%add3A_59, %dma_start3A_65] : memref<20000x128xf32, #tpu.memory_space<hbm>> -> memref<624x128xf32, #tpu.memory_space<hbm>>
      %dma_start3A_67 = arith.constant 0 : i32
      %dma_start3A_68 = tpu.memref_slice %arg10[%add3A_56, %dma_start3A_67] : memref<10016x128xf32, #tpu.memory_space<vmem_shared>> -> memref<624x128xf32, #tpu.memory_space<vmem_shared>>
      tpu.enqueue_dma source(%dma_start3A_68 : memref<624x128xf32, #tpu.memory_space<vmem_shared>>) target(%dma_start3A_66 : memref<624x128xf32, #tpu.memory_space<hbm>>) target_semaphore(%run_scoped3A : memref<!tpu.dma_semaphore, #tpu.memory_space<semaphore_mem>>)
      %dma_wait3A = arith.constant 0 : i32
      %dma_wait3A_69 = tpu.memref_slice %arg6[%add3A_59, %dma_wait3A] : memref<20000x128xf32, #tpu.memory_space<hbm>> -> memref<624x128xf32, #tpu.memory_space<hbm>>
      %dma_wait3A_70 = arith.constant 0 : i32
      %dma_wait3A_71 = tpu.memref_slice %arg10[%add3A_56, %dma_wait3A_70] : memref<10016x128xf32, #tpu.memory_space<vmem_shared>> -> memref<624x128xf32, #tpu.memory_space<vmem_shared>>
      tpu.wait_dma2 semaphore(%run_scoped3A : memref<!tpu.dma_semaphore, #tpu.memory_space<semaphore_mem>>) src(%dma_wait3A_71 : memref<624x128xf32, #tpu.memory_space<vmem_shared>>) dst(%dma_wait3A_69 : memref<624x128xf32, #tpu.memory_space<hbm>>)
      tpu.yield
    }) : () -> ()
    %eq3A_60 = arith.constant 15 : i32
    %eq3A_61 = arith.cmpi eq, %arg1, %eq3A_60 : i32
    %convert_element_type3A_62 = arith.extui %eq3A_61 : i1 to i32
    %cond3A_63 = arith.constant 0 : i32
    %cond3A_64 = arith.cmpi ne, %convert_element_type3A_62, %cond3A_63 : i32
    scf.if %cond3A_64 {
      %add3A_65 = arith.constant 9984 : i32
      %add3A_66 = arith.addi %mul3A_52, %add3A_65 : i32
      "tpu.region"() ({
        %run_scoped3A = tpu.sem_alloc : memref<!tpu.dma_semaphore, #tpu.memory_space<semaphore_mem>>
        %dma_start3A_67 = arith.constant 0 : i32
        %dma_start3A_68 = tpu.memref_slice %arg6[%add3A_66, %dma_start3A_67] : memref<20000x128xf32, #tpu.memory_space<hbm>> -> memref<16x128xf32, #tpu.memory_space<hbm>>
        %dma_start3A_69 = arith.constant 9984 : i32
        %dma_start3A_70 = arith.constant 0 : i32
        %dma_start3A_71 = tpu.memref_slice %arg10[%dma_start3A_69, %dma_start3A_70] : memref<10016x128xf32, #tpu.memory_space<vmem_shared>> -> memref<16x128xf32, #tpu.memory_space<vmem_shared>>
        tpu.enqueue_dma source(%dma_start3A_71 : memref<16x128xf32, #tpu.memory_space<vmem_shared>>) target(%dma_start3A_68 : memref<16x128xf32, #tpu.memory_space<hbm>>) target_semaphore(%run_scoped3A : memref<!tpu.dma_semaphore, #tpu.memory_space<semaphore_mem>>)
        %dma_wait3A = arith.constant 0 : i32
        %dma_wait3A_72 = tpu.memref_slice %arg6[%add3A_66, %dma_wait3A] : memref<20000x128xf32, #tpu.memory_space<hbm>> -> memref<16x128xf32, #tpu.memory_space<hbm>>
        %dma_wait3A_73 = arith.constant 9984 : i32
        %dma_wait3A_74 = arith.constant 0 : i32
        %dma_wait3A_75 = tpu.memref_slice %arg10[%dma_wait3A_73, %dma_wait3A_74] : memref<10016x128xf32, #tpu.memory_space<vmem_shared>> -> memref<16x128xf32, #tpu.memory_space<vmem_shared>>
        tpu.wait_dma2 semaphore(%run_scoped3A : memref<!tpu.dma_semaphore, #tpu.memory_space<semaphore_mem>>) src(%dma_wait3A_75 : memref<16x128xf32, #tpu.memory_space<vmem_shared>>) dst(%dma_wait3A_72 : memref<16x128xf32, #tpu.memory_space<hbm>>)
        tpu.yield
      }) : () -> ()
    } else {
    }
    return
  }
}

module attributes {stable_mosaic.version = 14 : i64} {
  func.func @body(%arg0: i32, %arg1: memref<2x1000x128xf32, #tpu.memory_space<vmem>>, %arg2: memref<1000x128xf32, #tpu.memory_space<vmem>>, %arg3: memref<1000x128xf32, #tpu.memory_space<vmem>>, %arg4: memref<1000x128xf32, #tpu.memory_space<vmem>>) attributes {dimension_semantics = [#tpu.dimension_semantics<arbitrary>], iteration_bounds = array<i64: 10>, scalar_prefetch = 0 : i64, scratch_operands = 0 : i64, tpu.core_type = #tpu.core_type<tc>, window_params = [{transform_indices = @transform_0, window_bounds = array<i64: 2, 1000, 128>}, {transform_indices = @transform_1, window_bounds = array<i64: 1000, 128>}, {transform_indices = @transform_2, window_bounds = array<i64: 1000, 128>}, {transform_indices = @transform_3, window_bounds = array<i64: 1000, 128>}]} {
    %get3A = arith.constant 0 : index
    %get3A_0 = arith.constant 0 : index
    %get3A_1 = arith.constant 0 : index
    %get3A_2 = vector.load %arg1[%get3A, %get3A_0, %get3A_1] : memref<2x1000x128xf32, #tpu.memory_space<vmem>>, vector<1x1000x1xf32>
    %get3A_3 = vector.shape_cast %get3A_2 : vector<1x1000x1xf32> to vector<1000x1xf32>
    %get3A_4 = arith.constant 1 : index
    %get3A_5 = arith.constant 0 : index
    %get3A_6 = arith.constant 0 : index
    %get3A_7 = vector.load %arg1[%get3A_4, %get3A_5, %get3A_6] : memref<2x1000x128xf32, #tpu.memory_space<vmem>>, vector<1x1000x1xf32>
    %get3A_8 = vector.shape_cast %get3A_7 : vector<1x1000x1xf32> to vector<1000x1xf32>
    %add3A = arith.addf %get3A_3, %get3A_8 : vector<1000x1xf32>
    %add3A_9 = arith.constant 1.000000e+00 : f32
    %add3A_10 = vector.broadcast %add3A_9 : f32 to vector<1000x1xf32>
    %add3A_11 = arith.addf %add3A, %add3A_10 : vector<1000x1xf32>
    %rsqrt3A = math.rsqrt %add3A_11 : vector<1000x1xf32>
    %broadcast_in_dim3A = vector.shape_cast %rsqrt3A : vector<1000x1xf32> to vector<1000x1xf32>
    %broadcast_in_dim3A_12 = vector.broadcast %broadcast_in_dim3A : vector<1000x1xf32> to vector<1000x128xf32>
    %swap3A = arith.constant 0 : index
    %swap3A_13 = arith.constant 0 : index
    %swap3A_14 = vector.load %arg3[%swap3A, %swap3A_13] : memref<1000x128xf32, #tpu.memory_space<vmem>>, vector<1000x128xf32>
    tpu.vector_store %arg3[%swap3A, %swap3A_13], %broadcast_in_dim3A_12 {strides = array<i32>} : memref<1000x128xf32, #tpu.memory_space<vmem>>, vector<1000x128xf32>,
    %get3A_15 = arith.constant 0 : index
    %get3A_16 = arith.constant 0 : index
    %get3A_17 = vector.load %arg2[%get3A_15, %get3A_16] : memref<1000x128xf32, #tpu.memory_space<vmem>>, vector<1000x128xf32>
    %mul3A = arith.mulf %get3A_17, %broadcast_in_dim3A_12 : vector<1000x128xf32>
    %swap3A_18 = arith.constant 0 : index
    %swap3A_19 = arith.constant 0 : index
    %swap3A_20 = vector.load %arg4[%swap3A_18, %swap3A_19] : memref<1000x128xf32, #tpu.memory_space<vmem>>, vector<1000x128xf32>
    tpu.vector_store %arg4[%swap3A_18, %swap3A_19], %mul3A {strides = array<i32>} : memref<1000x128xf32, #tpu.memory_space<vmem>>, vector<1000x128xf32>,
    return
  }
  func.func @transform_0(%arg0: i32) -> (i32, i32, i32) {
    %c0_i32 = arith.constant 0 : i32
    %c0_i32_0 = arith.constant 0 : i32
    %c0_i32_1 = arith.constant 0 : i32
    return %c0_i32, %arg0, %c0_i32_0 : i32, i32, i32
  }
  func.func @transform_1(%arg0: i32) -> (i32, i32) {
    %c0_i32 = arith.constant 0 : i32
    %c0_i32_0 = arith.constant 0 : i32
    return %arg0, %c0_i32 : i32, i32
  }
  func.func @transform_2(%arg0: i32) -> (i32, i32) {
    %c0_i32 = arith.constant 0 : i32
    %c0_i32_0 = arith.constant 0 : i32
    return %arg0, %c0_i32 : i32, i32
  }
  func.func @transform_3(%arg0: i32) -> (i32, i32) {
    %c0_i32 = arith.constant 0 : i32
    %c0_i32_0 = arith.constant 0 : i32
    return %arg0, %c0_i32 : i32, i32
  }
}

module attributes {stable_mosaic.version = 14 : i64} {
  func.func @body(%arg0: i32, %arg1: memref<1000x128xf32, #tpu.memory_space<vmem>>, %arg2: memref<128x128xf32, #tpu.memory_space<vmem>>, %arg3: memref<1000x128xf32, #tpu.memory_space<vmem>>) attributes {dimension_semantics = [#tpu.dimension_semantics<arbitrary>], iteration_bounds = array<i64: 10>, scalar_prefetch = 0 : i64, scratch_operands = 0 : i64, tpu.core_type = #tpu.core_type<tc>, window_params = [{transform_indices = @transform_0, window_bounds = array<i64: 1000, 128>}, {pipeline_mode = #tpu.pipeline_mode<synchronous>, transform_indices = @transform_1, window_bounds = array<i64: 128, 128>}, {transform_indices = @transform_2, window_bounds = array<i64: 1000, 128>}]} {
    %get3A = arith.constant 0 : index
    %get3A_0 = arith.constant 0 : index
    %get3A_1 = vector.load %arg1[%get3A, %get3A_0] : memref<1000x128xf32, #tpu.memory_space<vmem>>, vector<1000x128xf32>
    %get3A_2 = arith.constant 0 : index
    %get3A_3 = arith.constant 0 : index
    %get3A_4 = vector.load %arg2[%get3A_2, %get3A_3] : memref<128x128xf32, #tpu.memory_space<vmem>>, vector<128x128xf32>
    %dot_general3A = arith.constant dense<0.000000e+00> : vector<1000x128xf32>
    %dot_general3A_5 = tpu.matmul %get3A_1, %get3A_4, %dot_general3A {dimension_numbers = #tpu.dot_dimension_numbers<[1], [0], [0], [1], [0, 0, 1, 1], [], []>, transpose_lhs_hint = false} : vector<1000x128xf32>, vector<128x128xf32>, vector<1000x128xf32> -> vector<1000x128xf32>
    %swap3A = arith.constant 0 : index
    %swap3A_6 = arith.constant 0 : index
    %swap3A_7 = vector.load %arg3[%swap3A, %swap3A_6] : memref<1000x128xf32, #tpu.memory_space<vmem>>, vector<1000x128xf32>
    tpu.vector_store %arg3[%swap3A, %swap3A_6], %dot_general3A_5 {strides = array<i32>} : memref<1000x128xf32, #tpu.memory_space<vmem>>, vector<1000x128xf32>,
    return
  }
  func.func @transform_0(%arg0: i32) -> (i32, i32) {
    %c0_i32 = arith.constant 0 : i32
    %c0_i32_0 = arith.constant 0 : i32
    return %arg0, %c0_i32 : i32, i32
  }
  func.func @transform_1(%arg0: i32) -> (i32, i32) {
    %c0_i32 = arith.constant 0 : i32
    %c0_i32_0 = arith.constant 0 : i32
    %c0_i32_1 = arith.constant 0 : i32
    return %c0_i32, %c0_i32_0 : i32, i32
  }
  func.func @transform_2(%arg0: i32) -> (i32, i32) {
    %c0_i32 = arith.constant 0 : i32
    %c0_i32_0 = arith.constant 0 : i32
    return %arg0, %c0_i32 : i32, i32
  }
}

module attributes {stable_mosaic.version = 14 : i64} {
  func.func @body(%arg0: i32, %arg1: memref<2x1000x128xf32, #tpu.memory_space<vmem>>, %arg2: memref<1000x128xf32, #tpu.memory_space<vmem>>, %arg3: memref<128x128xf32, #tpu.memory_space<vmem>>, %arg4: memref<1x128xf32, #tpu.memory_space<vmem>>, %arg5: memref<1000x128xf32, #tpu.memory_space<vmem>>) attributes {dimension_semantics = [#tpu.dimension_semantics<arbitrary>], iteration_bounds = array<i64: 10>, scalar_prefetch = 0 : i64, scratch_operands = 0 : i64, tpu.core_type = #tpu.core_type<tc>, window_params = [{transform_indices = @transform_0, window_bounds = array<i64: 2, 1000, 128>}, {transform_indices = @transform_1, window_bounds = array<i64: 1000, 128>}, {pipeline_mode = #tpu.pipeline_mode<synchronous>, transform_indices = @transform_2, window_bounds = array<i64: 128, 128>}, {pipeline_mode = #tpu.pipeline_mode<synchronous>, transform_indices = @transform_3, window_bounds = array<i64: 1, 128>}, {transform_indices = @transform_4, window_bounds = array<i64: 1000, 128>}]} {
    %get3A = arith.constant 0 : index
    %get3A_0 = arith.constant 0 : index
    %get3A_1 = vector.load %arg2[%get3A, %get3A_0] : memref<1000x128xf32, #tpu.memory_space<vmem>>, vector<1000x128xf32>
    %get3A_2 = arith.constant 0 : index
    %get3A_3 = arith.constant 0 : index
    %get3A_4 = arith.constant 0 : index
    %get3A_5 = vector.load %arg1[%get3A_2, %get3A_3, %get3A_4] : memref<2x1000x128xf32, #tpu.memory_space<vmem>>, vector<1x1000x128xf32>
    %get3A_6 = vector.shape_cast %get3A_5 : vector<1x1000x128xf32> to vector<1000x128xf32>
    %get3A_7 = arith.constant 1 : index
    %get3A_8 = arith.constant 0 : index
    %get3A_9 = arith.constant 0 : index
    %get3A_10 = vector.load %arg1[%get3A_7, %get3A_8, %get3A_9] : memref<2x1000x128xf32, #tpu.memory_space<vmem>>, vector<1x1000x128xf32>
    %get3A_11 = vector.shape_cast %get3A_10 : vector<1x1000x128xf32> to vector<1000x128xf32>
    %add3A = arith.addf %get3A_6, %get3A_11 : vector<1000x128xf32>
    %mul3A = arith.mulf %add3A, %get3A_1 : vector<1000x128xf32>
    %get3A_12 = arith.constant 0 : index
    %get3A_13 = arith.constant 0 : index
    %get3A_14 = vector.load %arg4[%get3A_12, %get3A_13] : memref<1x128xf32, #tpu.memory_space<vmem>>, vector<1x128xf32>
    %add3A_15 = vector.broadcast %get3A_14 : vector<1x128xf32> to vector<1000x128xf32>
    %add3A_16 = arith.addf %mul3A, %add3A_15 : vector<1000x128xf32>
    %max3A = arith.constant 0.000000e+00 : f32
    %max3A_17 = vector.broadcast %max3A : f32 to vector<1000x128xf32>
    %max3A_18 = arith.maximumf %add3A_16, %max3A_17 : vector<1000x128xf32>
    %get3A_19 = arith.constant 0 : index
    %get3A_20 = arith.constant 0 : index
    %get3A_21 = vector.load %arg3[%get3A_19, %get3A_20] : memref<128x128xf32, #tpu.memory_space<vmem>>, vector<128x128xf32>
    %dot_general3A = arith.constant dense<0.000000e+00> : vector<1000x128xf32>
    %dot_general3A_22 = tpu.matmul %max3A_18, %get3A_21, %dot_general3A {dimension_numbers = #tpu.dot_dimension_numbers<[1], [0], [0], [1], [0, 0, 1, 1], [], []>, transpose_lhs_hint = false} : vector<1000x128xf32>, vector<128x128xf32>, vector<1000x128xf32> -> vector<1000x128xf32>
    %mul3A_23 = arith.mulf %dot_general3A_22, %get3A_1 : vector<1000x128xf32>
    %swap3A = arith.constant 0 : index
    %swap3A_24 = arith.constant 0 : index
    %swap3A_25 = vector.load %arg5[%swap3A, %swap3A_24] : memref<1000x128xf32, #tpu.memory_space<vmem>>, vector<1000x128xf32>
    tpu.vector_store %arg5[%swap3A, %swap3A_24], %mul3A_23 {strides = array<i32>} : memref<1000x128xf32, #tpu.memory_space<vmem>>, vector<1000x128xf32>,
    return
  }
  func.func @transform_0(%arg0: i32) -> (i32, i32, i32) {
    %c0_i32 = arith.constant 0 : i32
    %c0_i32_0 = arith.constant 0 : i32
    %c0_i32_1 = arith.constant 0 : i32
    return %c0_i32, %arg0, %c0_i32_0 : i32, i32, i32
  }
  func.func @transform_1(%arg0: i32) -> (i32, i32) {
    %c0_i32 = arith.constant 0 : i32
    %c0_i32_0 = arith.constant 0 : i32
    return %arg0, %c0_i32 : i32, i32
  }
  func.func @transform_2(%arg0: i32) -> (i32, i32) {
    %c0_i32 = arith.constant 0 : i32
    %c0_i32_0 = arith.constant 0 : i32
    %c0_i32_1 = arith.constant 0 : i32
    return %c0_i32, %c0_i32_0 : i32, i32
  }
  func.func @transform_3(%arg0: i32) -> (i32, i32) {
    %c0_i32 = arith.constant 0 : i32
    %c0_i32_0 = arith.constant 0 : i32
    %c0_i32_1 = arith.constant 0 : i32
    return %c0_i32, %c0_i32_0 : i32, i32
  }
  func.func @transform_4(%arg0: i32) -> (i32, i32) {
    %c0_i32 = arith.constant 0 : i32
    %c0_i32_0 = arith.constant 0 : i32
    return %arg0, %c0_i32 : i32, i32
  }
}

module attributes {stable_mosaic.version = 14 : i64} {
  func.func @body(%arg0: i32, %arg1: memref<2x1000x128xf32, #tpu.memory_space<vmem>>, %arg2: memref<1000x128xf32, #tpu.memory_space<vmem>>, %arg3: memref<1x128xf32, #tpu.memory_space<vmem>>, %arg4: memref<1000x128xf32, #tpu.memory_space<vmem>>) attributes {dimension_semantics = [#tpu.dimension_semantics<arbitrary>], iteration_bounds = array<i64: 10>, scalar_prefetch = 0 : i64, scratch_operands = 0 : i64, tpu.core_type = #tpu.core_type<tc>, window_params = [{transform_indices = @transform_0, window_bounds = array<i64: 2, 1000, 128>}, {transform_indices = @transform_1, window_bounds = array<i64: 1000, 128>}, {pipeline_mode = #tpu.pipeline_mode<synchronous>, transform_indices = @transform_2, window_bounds = array<i64: 1, 128>}, {transform_indices = @transform_3, window_bounds = array<i64: 1000, 128>}]} {
    %get3A = arith.constant 0 : index
    %get3A_0 = arith.constant 0 : index
    %get3A_1 = arith.constant 0 : index
    %get3A_2 = vector.load %arg1[%get3A, %get3A_0, %get3A_1] : memref<2x1000x128xf32, #tpu.memory_space<vmem>>, vector<1x1000x128xf32>
    %get3A_3 = vector.shape_cast %get3A_2 : vector<1x1000x128xf32> to vector<1000x128xf32>
    %get3A_4 = arith.constant 1 : index
    %get3A_5 = arith.constant 0 : index
    %get3A_6 = arith.constant 0 : index
    %get3A_7 = vector.load %arg1[%get3A_4, %get3A_5, %get3A_6] : memref<2x1000x128xf32, #tpu.memory_space<vmem>>, vector<1x1000x128xf32>
    %get3A_8 = vector.shape_cast %get3A_7 : vector<1x1000x128xf32> to vector<1000x128xf32>
    %add3A = arith.addf %get3A_3, %get3A_8 : vector<1000x128xf32>
    %get3A_9 = arith.constant 0 : index
    %get3A_10 = arith.constant 0 : index
    %get3A_11 = vector.load %arg2[%get3A_9, %get3A_10] : memref<1000x128xf32, #tpu.memory_space<vmem>>, vector<1000x128xf32>
    %mul3A = arith.mulf %add3A, %get3A_11 : vector<1000x128xf32>
    %get3A_12 = arith.constant 0 : index
    %get3A_13 = arith.constant 0 : index
    %get3A_14 = vector.load %arg3[%get3A_12, %get3A_13] : memref<1x128xf32, #tpu.memory_space<vmem>>, vector<1x128xf32>
    %add3A_15 = vector.broadcast %get3A_14 : vector<1x128xf32> to vector<1000x128xf32>
    %add3A_16 = arith.addf %mul3A, %add3A_15 : vector<1000x128xf32>
    %swap3A = arith.constant 0 : index
    %swap3A_17 = arith.constant 0 : index
    %swap3A_18 = vector.load %arg4[%swap3A, %swap3A_17] : memref<1000x128xf32, #tpu.memory_space<vmem>>, vector<1000x128xf32>
    tpu.vector_store %arg4[%swap3A, %swap3A_17], %add3A_16 {strides = array<i32>} : memref<1000x128xf32, #tpu.memory_space<vmem>>, vector<1000x128xf32>,
    return
  }
  func.func @transform_0(%arg0: i32) -> (i32, i32, i32) {
    %c0_i32 = arith.constant 0 : i32
    %c0_i32_0 = arith.constant 0 : i32
    %c0_i32_1 = arith.constant 0 : i32
    return %c0_i32, %arg0, %c0_i32_0 : i32, i32, i32
  }
  func.func @transform_1(%arg0: i32) -> (i32, i32) {
    %c0_i32 = arith.constant 0 : i32
    %c0_i32_0 = arith.constant 0 : i32
    return %arg0, %c0_i32 : i32, i32
  }
  func.func @transform_2(%arg0: i32) -> (i32, i32) {
    %c0_i32 = arith.constant 0 : i32
    %c0_i32_0 = arith.constant 0 : i32
    %c0_i32_1 = arith.constant 0 : i32
    return %c0_i32, %c0_i32_0 : i32, i32
  }
  func.func @transform_3(%arg0: i32) -> (i32, i32) {
    %c0_i32 = arith.constant 0 : i32
    %c0_i32_0 = arith.constant 0 : i32
    return %arg0, %c0_i32 : i32, i32
  }
}

</mosaic_0001>

<sc_bundles>
// kernel: kernel.11.cloned.1.call-start
scs
__scs_entry_jumppad:
0x0: {  	(pc) =	sbr.rel $0x88, $3  }
0x1: {  	(tag) =	ssettag $0x0;
	lr =	simm.s32 $0x1  }
0x2: {  	[smem:$0x3F99] =	sst lr;
	_ =	strace $0xD0000000  }
0x3: {  	_ = 	snop  }
0x4: {  	_ = 	snop  }
0x5: {  	_ = 	snop  }
0x6: {  	_ = 	snop  }
0x7: {  	_ = 	snop  }
__scs_overlays_trampoline_lowered:
0x8: {  	[smem:$0x3FA8] =	sst s0  }
0x9: {  	[smem:$0x3FA9] =	sst s1  }
0xa: {  	[smem:$0x3FAA] =	sst s2  }
0xb: {  	[smem:$0x3FAB] =	sst s3  }
0xc: {  	[smem:$0x3FAC] =	sst s4  }
0xd: {  	[smem:$0x3FAD] =	sst s5  }
0xe: {  	[smem:$0x3FAE] =	sst s6  }
0xf: {  	[smem:$0x3FAF] =	sst s7  }
0x10: {  	[smem:$0x3FB0] =	sst s8  }
0x11: {  	[smem:$0x3FB1] =	sst s9;
	s0 =	simm.s32 @!p0 $0x0  }
0x12: {  	s1 =	sld [smem:$0x3F97];
	s0 =	simm.s32 @p0 $0x1  }
0x13: {  	[smem:$0x3FB2] =	sst s0;
	s0 =	simm.s32 @!p1 $0x0  }
0x14: {  	s2 =	sld [smem:$0x3F96];
	s0 =	simm.s32 @p1 $0x1  }
0x15: {  	[smem:$0x3FB3] =	sst s0;
	s0 =	simm.s32 @!p2 $0x0  }
0x16: {  	s3 =	sld [smem:$0x3FDB];
	s0 =	simm.s32 @p2 $0x1  }
0x17: {  	s4 =	simm.s32 $0x1BF5;
	[smem:$0x3FB5] =	sst s0  }
0x18: {  	s0 =	sld [smem:$0x3F98];
	_ =	swait.ge [sflag:s4], $0x0  }
0x19: {  	s7 =	sld [smem:$0x3F99]  }
0x1a: {  	s8 =	sadd.s32 $0xFFFFE003, lr  }
0x1b: {  	s9 =	sadd.s32 $0xFFFFFEF7, lr;
	s5 =	simm.s32 $0xFFFFFFFF;
	p2 =	slt.u32 s8, $0xFFFFF086  }
0x1c: {  	p1 =	slt.u32 s9, $0xF7A;
	s5 =	simm.s32 @!p2 $0x0  }
0x1d: {  	s5 =	simm.s32 @p1 $0x1;
	p0 =	seq.s32 s7, s2  }
0x1e: {  	s7 =	smul.u32 @!p0 $0xF7A, s2;
	p2 =	seq.s32 @!p0 s5, $0x0  }
0x1f: {  	s9 =	smul.u32 $0xF7A, s1;
	s8 =	simm.s32 @!p0 $0x1BF5;
	p2 =	por !p2, p0  }
0x20: {  	[sflag:s8] =	ssyncset.s32 @!p0 $0xFFFFF086;
	s6 =	sadd.s32 @!p0 s3, s7;
	s7 =	simm.s32 @!p0 $0x108  }
0x21: {  	s3 =	sadd.s32 s3, s9;
	s6 =	sadd.s32 @!p0 $0x88, s6;
	s7 =	simm.s32 @p2 $0x1082  }
0x22: {  	[simem:s7], [sflag:s8] =	dma.local @!p0 [hbm:s6], $0xF7A  }
0x23: {  	s9 =	sor.u32 $0xD0000000, s2;
	s6 =	simm.s32 $0x108;
	_ =	swait.ge @!p0 [sflag:s8], $0x0  }
0x24: {  	s3 =	sadd.s32 $0x88, s3;
	s6 =	simm.s32 @!p1 $0x1082;
	[sflag:s4] =	ssyncset.s32 $0xFFFFF086  }
0x25: {  	[simem:s6], [sflag:s4] =	dma.local [hbm:s3], $0xF7A  }
0x26: {  	[smem:$0x3F99] =	sst s1;
	(tag) =	ssettag s2;
	_ =	strace s9  }
0x27: {  	s1 =	sld [smem:$0x3FA9]  }
0x28: {  	s2 =	sld [smem:$0x3FAA]  }
0x29: {  	s4 =	sld [smem:$0x3FAC]  }
0x2a: {  	p0 =	seq.s32 s5, $0x0;
	s5 =	sld [smem:$0x3FAD]  }
0x2b: {  	s6 =	sld [smem:$0x3FAE]  }
0x2c: {  	s7 =	sld [smem:$0x3FAF]  }
0x2d: {  	s3 =	simm.s32 $0x108;
	s8 =	sld [smem:$0x3FB0]  }
0x2e: {  	s3 =	simm.s32 @!p0 $0x1082;
	s9 =	sld [smem:$0x3FB1]  }
0x2f: {  	lr =	sadd.s32 s0, s3;
	s0 =	sld [smem:$0x3FA8]  }
0x30: {  	s3 =	sld [smem:$0x3FAB]  }
0x31: {  	[smem:$0x3FB4] =	sst s10  }
0x32: {  	s10 =	sld [smem:$0x3FB2];
	_ =	sdelay $0x3  }
0x33: {  	p0 =	seq.s32 s10, $0x1;
	s10 =	sld [smem:$0x3FB4];
	_ =	sdelay $0x3  }
0x34: {  	[smem:$0x3FB4] =	sst s10  }
0x35: {  	s10 =	sld [smem:$0x3FB3];
	_ =	sdelay $0x3  }
0x36: {  	p1 =	seq.s32 s10, $0x1;
	s10 =	sld [smem:$0x3FB4];
	_ =	sdelay $0x3  }
0x37: {  	[smem:$0x3FB4] =	sst s10  }
0x38: {  	s10 =	sld [smem:$0x3FB5]  }
0x39: {  	_ = 	snop;
	(pc) =	sbr.ind lr, $3  }
0x3a: {  	_ = 	snop  }
0x3b: {  	_ = 	snop  }
0x3c: {  	p2 =	seq.s32 s10, $0x1;
	s10 =	sld [smem:$0x3FB4]  }
0x3d: {  	_ =	shalt  }
0x3e: {  	_ =	shalt  }
0x3f: {  	_ =	shalt  }
0x40: {  	_ =	shalt  }
0x41: {  	_ =	shalt  }
0x42: {  	_ =	shalt  }
0x43: {  	_ =	shalt  }
0x44: {  	_ =	shalt  }
0x45: {  	_ =	shalt  }
0x46: {  	_ =	shalt  }
0x47: {  	_ =	shalt  }
0x48: {  	_ =	shalt  }
0x49: {  	_ =	shalt  }
0x4a: {  	_ =	shalt  }
0x4b: {  	_ =	shalt  }
0x4c: {  	_ =	shalt  }
0x4d: {  	_ =	shalt  }
0x4e: {  	_ =	shalt  }
0x4f: {  	_ =	shalt  }
0x50: {  	_ =	shalt  }
0x51: {  	_ =	shalt  }
0x52: {  	_ =	shalt  }
0x53: {  	_ =	shalt  }
0x54: {  	_ =	shalt  }
0x55: {  	_ =	shalt  }
0x56: {  	_ =	shalt  }
0x57: {  	_ =	shalt  }
0x58: {  	_ =	shalt  }
0x59: {  	_ =	shalt  }
0x5a: {  	_ =	shalt  }
0x5b: {  	_ =	shalt  }
0x5c: {  	_ =	shalt  }
0x5d: {  	_ =	shalt  }
0x5e: {  	_ =	shalt  }
0x5f: {  	_ =	shalt  }
0x60: {  	_ =	shalt  }
0x61: {  	_ =	shalt  }
0x62: {  	_ =	shalt  }
0x63: {  	_ =	shalt  }
0x64: {  	_ =	shalt  }
0x65: {  	_ =	shalt  }
0x66: {  	_ =	shalt  }
0x67: {  	_ =	shalt  }
0x68: {  	_ =	shalt  }
0x69: {  	_ =	shalt  }
0x6a: {  	_ =	shalt  }
0x6b: {  	_ =	shalt  }
0x6c: {  	_ =	shalt  }
0x6d: {  	_ =	shalt  }
0x6e: {  	_ =	shalt  }
0x6f: {  	_ =	shalt  }
0x70: {  	_ =	shalt  }
0x71: {  	_ =	shalt  }
0x72: {  	_ =	shalt  }
0x73: {  	_ =	shalt  }
0x74: {  	_ =	shalt  }
0x75: {  	_ =	shalt  }
0x76: {  	_ =	shalt  }
0x77: {  	_ =	shalt  }
0x78: {  	_ =	shalt  }
0x79: {  	_ =	shalt  }
0x7a: {  	_ =	shalt  }
0x7b: {  	_ =	shalt  }
0x7c: {  	_ =	shalt  }
0x7d: {  	_ =	shalt  }
0x7e: {  	_ =	shalt  }
0x7f: {  	_ =	shalt  }
0x80: {  	_ =	shalt  }
0x81: {  	_ =	shalt  }
0x82: {  	_ =	shalt  }
0x83: {  	_ =	shalt  }
0x84: {  	_ =	shalt  }
0x85: {  	_ =	shalt  }
0x86: {  	_ =	shalt  }
0x87: {  	_ =	shalt  }
.Lfunc_end0:
.L_simem_size_0:
called_computation_lowered:
.L_overlay_start_0:
0x88: {  	s2 =	sld [smem:$0x3FD9]  }
0x89: {  	s3 =	sld [smem:$0x3FFE];
	_ =	sdelay $0x1  }
0x8a: {  	s1 =	srdreg.scid  }
0x8b: {  	s0 =	sand.u32 $0x1, s1  }
0x8c: {  	s17 =	sshll.u32 s0, $0xA;
	s2 =	sadd.s32 s3, s2  }
0x8d: {  	s2 =	sadd.s32 s2, s17  }
0x8e: {  	[smem:$0x3FC0] =	sst s2  }
0x8f: {  	_ = 	snop  }
0x90: {  	s2 =	sld [smem:$0x3FD0];
	(tm) =	ssettm $0x1  }
0x91: {  	s18 =	sld [smem:$0x3FFB];
	_ =	sdelay $0x3  }
0x92: {  	_ =	strace s18  }
0x93: {  	s3 =	sld [smem:$0x3FFC];
	_ =	sdelay $0x3  }
0x94: {  	_ =	strace s3  }
0x95: {  	s3 =	sld [smem:$0x3FFD];
	_ =	sdelay $0x3  }
0x96: {  	_ =	strace s3  }
0x97: {  	_ =	strace $0x8FFFFFFF  }
0x98: {  	s19 =	sld [smem:$0x3FDB];
	_ =	sdelay $0x1  }
0x99: {  	s4 =	simm.s32 $_scs_section_size  }
0x9a: {  	s5 =	simm.s32 $_size__tile_overlayer_lowered;
	s6 =	simm.s32 $_tile_overlayer_lowered  }
0x9b: {  	s22 =	simm.s32 $0x1BFF;
	s21 =	sshll.u32 s6, $0x1;
	s3 =	sadd.s32 s4, s19  }
0x9c: {  	s7 =	simm.s32 $0x0;
	s20 =	sshll.u32 s5, $0x1;
	s5 =	sadd.s32 s21, s3  }
0x9d: {  	[timem:s7], [sflag:s22] =	dma.local [hbm:s5], s20  }
0x9e: {  	_ =	swait.ge [sflag:s22], s20  }
0x9f: {  	s4 =	ssub.s32 $0x0, s20;
	[sflag:s22] =	ssyncset.done $0x0  }
0xa0: {  	[sflag:s22] =	ssyncadd.s32 s4;
	_ =	sdelay $0x1  }
0xa1: {  	s23 =	simm.s32 $0x1B8B  }
0xa2: {  	_ =	swait.ge [sflag:s23], $0x1  }
0xa3: {  	[sflag:s23] =	ssyncset.done $0x0  }
0xa4: {  	s25 =	simm.s32 $0x1B8E;
	s24 =	sld [smem:$0x3FFE];
	[sflag:s23] =	ssyncadd.s32 $0xFFFFFFFF  }
0xa5: {  	s26 =	simm.s32 $execute0_lowered;
	[smem:$0x3FD2] =	sst s25  }
0xa6: {  	s5 =	sshll.u32 s26, $0x1;
	_ =	strace $0x80000046;
	[dreg:$0x1] =	wrdreg $0xFFFFFFFF  }
0xa7: {  	s28 =	simm.s32 $_size_execute0_lowered;
	s3 =	sadd.s32 s3, s5;
	[dreg:$0x0] =	wrdreg $0x0  }
0xa8: {  	s5 =	sshll.u32 s28, $0x1;
	[dreg:$0x2] =	wrdreg s3  }
0xa9: {  	[dreg:$0x3] =	wrdreg s5  }
0xaa: {  	[dreg:$0x4] =	wrdreg $0xC0  }
0xab: {  	_ =	task [dreg:s7], $0x5FFFF  }
0xac: {  	[dreg:$0x1] =	wrdreg $0xFFFFFFFF  }
0xad: {  	[dreg:$0x0] =	wrdreg $0x60  }
0xae: {  	[dreg:$0x2] =	wrdreg s2  }
0xaf: {  	[dreg:$0x3] =	wrdreg s24  }
0xb0: {  	[dreg:$0x4] =	wrdreg $0x40800  }
0xb1: {  	[dreg:$0x5] =	wrdreg $0x9  }
0xb2: {  	_ =	task.clear_ibuf [dreg:s7], $0x6FFFF;
	_ =	strace $0x90000046  }
0xb3: {  	s29 =	simm.s32 $0x9;
	_ =	strace $0x80000048  }
0xb4: {  	_ =	swait.ge [sflag:s29], $0x1  }
0xb5: {  	[sflag:s29] =	ssyncadd.s32 $0xFFFFFFFF  }
0xb6: {  	_ =	strace $0x90000048  }
0xb7: {  	_ =	sfence  }
0xb8: {  	s30 =	sld [smem:$0x0];
	_ =	sdelay $0x2  }
0xb9: {  	s31 =	sshll.u32 s1, $0xD;
	s1 =	sshrl.u32 s1, $0x2  }
0xba: {  	s3 =	sand.u32 $0x4000, s31;
	s1 =	sadd.s32 s1, s30  }
0xbb: {  	s0 =	sor.u32 s3, s0;
	s1 =	sshll.u32 s1, $0x11  }
0xbc: {  	s0 =	sor.u32 s1, s0  }
0xbd: {  	s0 =	sadd.s32 $0x8F2B, s0  }
0xbe: {  	[sflag:s0] =	ssyncadd.remote.s32 $0x1  }
0xbf: {  	_ =	sfence.sel $0xFFFF  }
0xc0: {  	[dreg:$0x0] =	wrdreg $0xFFFFFFFF;
	(pc) =	sbr.abs _section_cstart, $3  }
0xc1: {  	[dreg:$0x1] =	wrdreg $0xFFFFFFFF  }
0xc2: {  	_ =	task.clear_ibuf [dreg:s7], $0x2FFFF;
	_ =	strace $0x9FFFFFFF  }
0xc3: {  	(tm) =	ssettm $0x7FFFFFFF  }
tec
execute0_lowered:
.L_overlay_start_1:
0x0: {  	(tag) =	ssettag $0x1  }
0x1: {  	s10 =	rddreg [dreg:$0x0]  }
0x2: {  	s6 =	rddreg [dreg:$0x1]  }
0x3: {  	s2 =	rddreg [dreg:$0x2]  }
0x4: {  	s0 =	rddreg [dreg:$0x3];
	s1 =	stileid.u32  }
0x5: {  	s3 =	simm.s32 $0x0;
	s5 =	srdreg.scid;
	s7 =	smul.u32 $0x2700, s1  }
0x6: {  	[smem:$0x7FF] =	sst s3;
	s24 =	smul.u32 $0x4E000, s1  }
0x7: {  	s4 =	sadd.s32 $0x29C00, s6;
	s8 =	sand.u32 $0x1, s5;
	s30 =	smul.u32 $0x500, s1  }
0x8: {  	s11 =	sadd.s32 $0x2A400, s6;
	s16 =	sadd.s32 $0x138000, s2;
	s14 =	smul.u32 $0x27100, s8  }
0x9: {  	p0 =	sne.s32 s1, $0xF;
	s31 =	sshll.u32 s1, $0x6;
	s25 =	smul.u32 $0x138800, s8  }
0xa: {  	_ =	strace $0x80000047;
	s12 =	ssub.s32 $0x2, s8;
	s28 =	smul.u32 $0x5000, s8  }
0xb: {  	s9 =	sadd.s32 s7, s6;
	s13 =	sshrl.u32 s12, $0x1;
	s5 =	sshrl.u32 s24, $0x2  }
0xc: {  	s6 =	sadd.s32 $0x29A00, s6;
	s12 =	ssub.s32 s12, s13;
	s15 =	sadd.s32 s5, s2  }
0xd: {  	s5 =	sadd.s32 $0x2A00, s9;
	s7 =	sadd.s32 s7, s14;
	s26 =	sshrl.u32 s25, $0x3  }
0xe: {  	s10 =	sadd.s32 s28, s10;
	s13 =	sor.u32 $0x1C01, s31;
	s7 =	sadd.s32 s11, s7  }
0xf: {  	s29 =	sadd.s32 s11, s26;
	s9 =	smax.u32 s12, $0x1;
	s10 =	sadd.s32 s30, s10  }
0x10: {  	s11 =	simm.s32 $0x80;
	s12 =	simm.s32 $0x1;
	s14 =	sshrl.u32 s15, $0x3  }
0x11: {  	s15 =	sshrl.u32 @!p0 s16, $0x3;
	s16 =	simm.s32 $0x0;
	s8 =	sadd.s32 $0x27000, s29  }
.LBB2_1:
0x12: {  	[tilespmem:s11], [sflag:$0x1] =	stream.linear.gather [hbm4b:s4+s3], $0x4000, $0x38;
	[tilespmem:$0x17980] =	vst v63  }
0x13: {  	_ =	swait.ge [sflag:s12], $0x4000  }
0x14: {  	[sflag:s12] =	ssyncset.done $0x0  }
0x15: {  	[sflag:s12] =	ssyncadd.s32 $0xFFFFC000  }
0x16: {  	[spmem:s14], [sflag:s13] =	dma.local [hbm:s5], $0x2700  }
0x17: {  	_ =	swait.ge [sflag:s12], $0x2700  }
0x18: {  	[sflag:s12] =	ssyncset.done $0x0  }
0x19: {  	s17 =	simm.s32 @!p0 $0x1;
	[sflag:s12] =	ssyncadd.s32 $0xFFFFD900  }
0x1a: {  	[spmem:s15], [sflag:s13] =	dma.local @!p0 [hbm:s6], $0x100  }
0x1b: {  	_ =	swait.ge @!p0 [sflag:s17], $0x100  }
0x1c: {  	[sflag:s17] =	ssyncset.done @!p0 $0x0  }
0x1d: {  	[sflag:s17] =	ssyncadd.s32 @!p0 $0xFFFFFF00  }
0x1e: {  	s31 =	sadd.s32 $0x0, s10;
	[bflag:$0x0] =	sbarrier.arrive $0xFFFF  }
0x1f: {  	[tilespmem:s3], [sflag:$0x1] =	stream.linear.gather [hbm4b:s31+s3], $0x80, $0x38;
	[tilespmem:$0x17980] =	vst v63  }
0x20: {  	_ =	swait.ge [sflag:s12], $0x80  }
0x21: {  	[sflag:s12] =	ssyncset.done $0x0  }
0x22: {  	[sflag:s12] =	ssyncadd.s32 $0xFFFFFF80  }
0x23: {  	[spmem:s2] =	stream.indirect.scatter.add.f32 [tilespmem:s11], [sflag:$0x1], $0x80, s3, s11, $0xb8;
	[tilespmem:$0x17980] =	vst v63  }
0x24: {  	_ =	swait.ge [sflag:s12], $0x4000  }
0x25: {  	s18 =	simm.s32 $0x20;
	s17 =	simm.s32 $0x10;
	[sflag:s12] =	ssyncset.done $0x0  }
.LBB2_2:
0x26: {  	s19 =	sadd.s32 s17, s10  }
0x27: {  	[sflag:s12] =	ssyncadd.s32 $0xFFFFC000;
	s17 =	smov.u32 s18;
	s20 =	sadd.s32 $0x10, s18  }
0x28: {  	[tilespmem:s3], [sflag:$0x1] =	stream.linear.gather [hbm4b:s19+s3], $0x80, $0x38;
	[tilespmem:$0x17980] =	vst v63  }
0x29: {  	p1 =	sne.s32 s18, $0x4F0;
	_ =	swait.ge [sflag:s12], $0x80  }
.Ltmp0:
0x2a: {  	[sflag:s12] =	ssyncset.done $0x0;
	(pc) =	sbr.rel @p1 .LBB2_2-.Ltmp0, $4  }
0x2b: {  	[sflag:s12] =	ssyncadd.s32 $0xFFFFFF80  }
0x2c: {  	[spmem:s2] =	stream.indirect.scatter.add.f32 [tilespmem:s11], [sflag:$0x1], $0x80, s3, s11, $0xb8;
	[tilespmem:$0x17980] =	vst v63  }
0x2d: {  	_ =	swait.ge [sflag:s12], $0x4000  }
0x2e: {  	s18 =	smov.u32 s20;
	[sflag:s12] =	ssyncset.done $0x0  }
0x2f: {  	s17 =	sadd.s32 s17, s10;
	[sflag:s12] =	ssyncadd.s32 $0xFFFFC000  }
0x30: {  	[tilespmem:s3], [sflag:$0x1] =	stream.linear.gather [hbm4b:s17+s3], $0x80, $0x38;
	[tilespmem:$0x17980] =	vst v63  }
0x31: {  	_ =	swait.ge [sflag:s12], $0x80  }
0x32: {  	[sflag:s12] =	ssyncset.done $0x0  }
0x33: {  	[sflag:s12] =	ssyncadd.s32 $0xFFFFFF80  }
0x34: {  	[spmem:s2] =	stream.indirect.scatter.add.f32 [tilespmem:s11], [sflag:$0x1], $0x80, s3, s11, $0xb8;
	[tilespmem:$0x17980] =	vst v63  }
0x35: {  	_ =	swait.ge [sflag:s12], $0x4000  }
0x36: {  	[sflag:s12] =	ssyncset.done $0x0  }
0x37: {  	[sflag:s12] =	ssyncadd.s32 $0xFFFFC000  }
0x38: {  	[bflag:$0x0] =	sbarrier.arrive $0xFFFF  }
0x39: {  	[hbm:s7], [sflag:s13] =	dma.local [spmem:s14], $0x2700  }
0x3a: {  	s16 =	sadd.s32 $0x1, s16;
	_ =	swait.ge [sflag:s12], $0x2700  }
0x3b: {  	p1 =	sne.s32 s16, s9;
	[sflag:s12] =	ssyncset.done $0x0  }
.Ltmp1:
0x3c: {  	s17 =	simm.s32 @!p0 $0x1;
	[sflag:s12] =	ssyncadd.s32 $0xFFFFD900;
	(pc) =	sbr.rel @p1 .LBB2_1-.Ltmp1, $4  }
0x3d: {  	[hbm:s8], [sflag:s13] =	dma.local @!p0 [spmem:s15], $0x100  }
0x3e: {  	_ =	swait.ge @!p0 [sflag:s17], $0x100  }
0x3f: {  	[sflag:s17] =	ssyncset.done @!p0 $0x0  }
0x40: {  	[sflag:s17] =	ssyncadd.s32 @!p0 $0xFFFFFF00  }
0x41: {  	_ =	sfence.sel $0x180000  }
0x42: {  	[bflag:$0x0] =	sbarrier.arrive $0xFFFF  }
0x43: {  	p0 =	sne.s32 s1, $0x0;
	_ =	strace $0x90000047  }
0x44: {  	s0 =	sadd.s32 @!p0 $0x100000, s0;
	[bflag:$0x2] =	sbarrier.arrive $0xFFFF  }
0x45: {  	[sflag:s0] =	ssyncadd.tile.s32 @!p0 $0x1;
	_ =	shalt  }
.Lfunc_end2:
_tile_overlayer_lowered:
.L_overlay_start_2:
0x46: {  	(tag) =	ssettag $0x2  }
0x47: {  	s0 =	rddreg [dreg:$0x0];
	s2 =	stileid.u32  }
0x48: {  	s1 =	rddreg [dreg:$0x1];
	p0 =	sne.s32 s2, $0x0  }
0x49: {  	s3 =	rddreg [dreg:$0x2];
	[bflag:$0x3] =	sbarrier.arrive $0xFFFF;
	s2 =	simm.s32 @!p0 $0x1C01  }
0x4a: {  	[timem:s3], [sflag:s2] =	dma.local @!p0 [hbm:s0], s1  }
0x4b: {  	s0 =	simm.s32 @!p0 $0x1  }
0x4c: {  	_ =	swait.ge @!p0 [sflag:s0], s1  }
0x4d: {  	s1 =	ssub.s32 @!p0 $0x0, s1;
	[sflag:s0] =	ssyncset.done @!p0 $0x0  }
0x4e: {  	[sflag:s0] =	ssyncadd.s32 @!p0 s1  }
0x4f: {  	[bflag:$0x3] =	sbarrier.arrive $0xFFFF  }
0x50: {  	_ =	shalt  }

// kernel: kernel.14.cloned.1.call-start
scs
__scs_entry_jumppad:
0x0: {  	(pc) =	sbr.rel $0x88, $3  }
0x1: {  	(tag) =	ssettag $0x0;
	lr =	simm.s32 $0x1  }
0x2: {  	[smem:$0x3F99] =	sst lr;
	_ =	strace $0xD0000000  }
0x3: {  	_ = 	snop  }
0x4: {  	_ = 	snop  }
0x5: {  	_ = 	snop  }
0x6: {  	_ = 	snop  }
0x7: {  	_ = 	snop  }
__scs_overlays_trampoline_lowered:
0x8: {  	[smem:$0x3FA8] =	sst s0  }
0x9: {  	[smem:$0x3FA9] =	sst s1  }
0xa: {  	[smem:$0x3FAA] =	sst s2  }
0xb: {  	[smem:$0x3FAB] =	sst s3  }
0xc: {  	[smem:$0x3FAC] =	sst s4  }
0xd: {  	[smem:$0x3FAD] =	sst s5  }
0xe: {  	[smem:$0x3FAE] =	sst s6  }
0xf: {  	[smem:$0x3FAF] =	sst s7  }
0x10: {  	[smem:$0x3FB0] =	sst s8  }
0x11: {  	[smem:$0x3FB1] =	sst s9;
	s0 =	simm.s32 @!p0 $0x0  }
0x12: {  	s1 =	sld [smem:$0x3F97];
	s0 =	simm.s32 @p0 $0x1  }
0x13: {  	[smem:$0x3FB2] =	sst s0;
	s0 =	simm.s32 @!p1 $0x0  }
0x14: {  	s2 =	sld [smem:$0x3F96];
	s0 =	simm.s32 @p1 $0x1  }
0x15: {  	[smem:$0x3FB3] =	sst s0;
	s0 =	simm.s32 @!p2 $0x0  }
0x16: {  	s3 =	sld [smem:$0x3FDB];
	s0 =	simm.s32 @p2 $0x1  }
0x17: {  	s4 =	simm.s32 $0x1BF5;
	[smem:$0x3FB5] =	sst s0  }
0x18: {  	s0 =	sld [smem:$0x3F98];
	_ =	swait.ge [sflag:s4], $0x0  }
0x19: {  	s7 =	sld [smem:$0x3F99]  }
0x1a: {  	s8 =	sadd.s32 $0xFFFFE003, lr  }
0x1b: {  	s9 =	sadd.s32 $0xFFFFFEF7, lr;
	s5 =	simm.s32 $0xFFFFFFFF;
	p2 =	slt.u32 s8, $0xFFFFF086  }
0x1c: {  	p1 =	slt.u32 s9, $0xF7A;
	s5 =	simm.s32 @!p2 $0x0  }
0x1d: {  	s5 =	simm.s32 @p1 $0x1;
	p0 =	seq.s32 s7, s2  }
0x1e: {  	s7 =	smul.u32 @!p0 $0xF7A, s2;
	p2 =	seq.s32 @!p0 s5, $0x0  }
0x1f: {  	s9 =	smul.u32 $0xF7A, s1;
	s8 =	simm.s32 @!p0 $0x1BF5;
	p2 =	por !p2, p0  }
0x20: {  	[sflag:s8] =	ssyncset.s32 @!p0 $0xFFFFF086;
	s6 =	sadd.s32 @!p0 s3, s7;
	s7 =	simm.s32 @!p0 $0x108  }
0x21: {  	s3 =	sadd.s32 s3, s9;
	s6 =	sadd.s32 @!p0 $0x88, s6;
	s7 =	simm.s32 @p2 $0x1082  }
0x22: {  	[simem:s7], [sflag:s8] =	dma.local @!p0 [hbm:s6], $0xF7A  }
0x23: {  	s9 =	sor.u32 $0xD0000000, s2;
	s6 =	simm.s32 $0x108;
	_ =	swait.ge @!p0 [sflag:s8], $0x0  }
0x24: {  	s3 =	sadd.s32 $0x88, s3;
	s6 =	simm.s32 @!p1 $0x1082;
	[sflag:s4] =	ssyncset.s32 $0xFFFFF086  }
0x25: {  	[simem:s6], [sflag:s4] =	dma.local [hbm:s3], $0xF7A  }
0x26: {  	[smem:$0x3F99] =	sst s1;
	(tag) =	ssettag s2;
	_ =	strace s9  }
0x27: {  	s1 =	sld [smem:$0x3FA9]  }
0x28: {  	s2 =	sld [smem:$0x3FAA]  }
0x29: {  	s4 =	sld [smem:$0x3FAC]  }
0x2a: {  	p0 =	seq.s32 s5, $0x0;
	s5 =	sld [smem:$0x3FAD]  }
0x2b: {  	s6 =	sld [smem:$0x3FAE]  }
0x2c: {  	s7 =	sld [smem:$0x3FAF]  }
0x2d: {  	s3 =	simm.s32 $0x108;
	s8 =	sld [smem:$0x3FB0]  }
0x2e: {  	s3 =	simm.s32 @!p0 $0x1082;
	s9 =	sld [smem:$0x3FB1]  }
0x2f: {  	lr =	sadd.s32 s0, s3;
	s0 =	sld [smem:$0x3FA8]  }
0x30: {  	s3 =	sld [smem:$0x3FAB]  }
0x31: {  	[smem:$0x3FB4] =	sst s10  }
0x32: {  	s10 =	sld [smem:$0x3FB2];
	_ =	sdelay $0x3  }
0x33: {  	p0 =	seq.s32 s10, $0x1;
	s10 =	sld [smem:$0x3FB4];
	_ =	sdelay $0x3  }
0x34: {  	[smem:$0x3FB4] =	sst s10  }
0x35: {  	s10 =	sld [smem:$0x3FB3];
	_ =	sdelay $0x3  }
0x36: {  	p1 =	seq.s32 s10, $0x1;
	s10 =	sld [smem:$0x3FB4];
	_ =	sdelay $0x3  }
0x37: {  	[smem:$0x3FB4] =	sst s10  }
0x38: {  	s10 =	sld [smem:$0x3FB5]  }
0x39: {  	_ = 	snop;
	(pc) =	sbr.ind lr, $3  }
0x3a: {  	_ = 	snop  }
0x3b: {  	_ = 	snop  }
0x3c: {  	p2 =	seq.s32 s10, $0x1;
	s10 =	sld [smem:$0x3FB4]  }
0x3d: {  	_ =	shalt  }
0x3e: {  	_ =	shalt  }
0x3f: {  	_ =	shalt  }
0x40: {  	_ =	shalt  }
0x41: {  	_ =	shalt  }
0x42: {  	_ =	shalt  }
0x43: {  	_ =	shalt  }
0x44: {  	_ =	shalt  }
0x45: {  	_ =	shalt  }
0x46: {  	_ =	shalt  }
0x47: {  	_ =	shalt  }
0x48: {  	_ =	shalt  }
0x49: {  	_ =	shalt  }
0x4a: {  	_ =	shalt  }
0x4b: {  	_ =	shalt  }
0x4c: {  	_ =	shalt  }
0x4d: {  	_ =	shalt  }
0x4e: {  	_ =	shalt  }
0x4f: {  	_ =	shalt  }
0x50: {  	_ =	shalt  }
0x51: {  	_ =	shalt  }
0x52: {  	_ =	shalt  }
0x53: {  	_ =	shalt  }
0x54: {  	_ =	shalt  }
0x55: {  	_ =	shalt  }
0x56: {  	_ =	shalt  }
0x57: {  	_ =	shalt  }
0x58: {  	_ =	shalt  }
0x59: {  	_ =	shalt  }
0x5a: {  	_ =	shalt  }
0x5b: {  	_ =	shalt  }
0x5c: {  	_ =	shalt  }
0x5d: {  	_ =	shalt  }
0x5e: {  	_ =	shalt  }
0x5f: {  	_ =	shalt  }
0x60: {  	_ =	shalt  }
0x61: {  	_ =	shalt  }
0x62: {  	_ =	shalt  }
0x63: {  	_ =	shalt  }
0x64: {  	_ =	shalt  }
0x65: {  	_ =	shalt  }
0x66: {  	_ =	shalt  }
0x67: {  	_ =	shalt  }
0x68: {  	_ =	shalt  }
0x69: {  	_ =	shalt  }
0x6a: {  	_ =	shalt  }
0x6b: {  	_ =	shalt  }
0x6c: {  	_ =	shalt  }
0x6d: {  	_ =	shalt  }
0x6e: {  	_ =	shalt  }
0x6f: {  	_ =	shalt  }
0x70: {  	_ =	shalt  }
0x71: {  	_ =	shalt  }
0x72: {  	_ =	shalt  }
0x73: {  	_ =	shalt  }
0x74: {  	_ =	shalt  }
0x75: {  	_ =	shalt  }
0x76: {  	_ =	shalt  }
0x77: {  	_ =	shalt  }
0x78: {  	_ =	shalt  }
0x79: {  	_ =	shalt  }
0x7a: {  	_ =	shalt  }
0x7b: {  	_ =	shalt  }
0x7c: {  	_ =	shalt  }
0x7d: {  	_ =	shalt  }
0x7e: {  	_ =	shalt  }
0x7f: {  	_ =	shalt  }
0x80: {  	_ =	shalt  }
0x81: {  	_ =	shalt  }
0x82: {  	_ =	shalt  }
0x83: {  	_ =	shalt  }
0x84: {  	_ =	shalt  }
0x85: {  	_ =	shalt  }
0x86: {  	_ =	shalt  }
0x87: {  	_ =	shalt  }
.Lfunc_end0:
.L_simem_size_0:
called_computation.1_lowered:
.L_overlay_start_0:
0x88: {  	s2 =	sld [smem:$0x3FD9]  }
0x89: {  	s3 =	sld [smem:$0x3FFE];
	_ =	sdelay $0x1  }
0x8a: {  	s1 =	srdreg.scid  }
0x8b: {  	s0 =	sand.u32 $0x1, s1  }
0x8c: {  	s17 =	sshll.u32 s0, $0xA;
	s2 =	sadd.s32 s3, s2  }
0x8d: {  	s2 =	sadd.s32 s2, s17  }
0x8e: {  	[smem:$0x3FC0] =	sst s2  }
0x8f: {  	_ = 	snop  }
0x90: {  	s2 =	sld [smem:$0x3FD0];
	(tm) =	ssettm $0x1  }
0x91: {  	s18 =	sld [smem:$0x3FFB];
	_ =	sdelay $0x3  }
0x92: {  	_ =	strace s18  }
0x93: {  	s3 =	sld [smem:$0x3FFC];
	_ =	sdelay $0x3  }
0x94: {  	_ =	strace s3  }
0x95: {  	s3 =	sld [smem:$0x3FFD];
	_ =	sdelay $0x3  }
0x96: {  	_ =	strace s3  }
0x97: {  	_ =	strace $0x8FFFFFFF  }
0x98: {  	s19 =	sld [smem:$0x3FDB];
	_ =	sdelay $0x1  }
0x99: {  	s4 =	simm.s32 $_scs_section_size  }
0x9a: {  	s5 =	simm.s32 $_size__tile_overlayer_lowered;
	s6 =	simm.s32 $_tile_overlayer_lowered  }
0x9b: {  	s22 =	simm.s32 $0x1BFF;
	s21 =	sshll.u32 s6, $0x1;
	s3 =	sadd.s32 s4, s19  }
0x9c: {  	s7 =	simm.s32 $0x0;
	s20 =	sshll.u32 s5, $0x1;
	s5 =	sadd.s32 s21, s3  }
0x9d: {  	[timem:s7], [sflag:s22] =	dma.local [hbm:s5], s20  }
0x9e: {  	_ =	swait.ge [sflag:s22], s20  }
0x9f: {  	s4 =	ssub.s32 $0x0, s20;
	[sflag:s22] =	ssyncset.done $0x0  }
0xa0: {  	[sflag:s22] =	ssyncadd.s32 s4;
	_ =	sdelay $0x1  }
0xa1: {  	s23 =	simm.s32 $0x1B8B  }
0xa2: {  	_ =	swait.ge [sflag:s23], $0x1  }
0xa3: {  	[sflag:s23] =	ssyncset.done $0x0  }
0xa4: {  	s25 =	simm.s32 $0x1B8E;
	s24 =	sld [smem:$0x3FFE];
	[sflag:s23] =	ssyncadd.s32 $0xFFFFFFFF  }
0xa5: {  	s26 =	simm.s32 $execute0_lowered;
	[smem:$0x3FD2] =	sst s25  }
0xa6: {  	s5 =	sshll.u32 s26, $0x1;
	_ =	strace $0x80000049;
	[dreg:$0x1] =	wrdreg $0xFFFFFFFF  }
0xa7: {  	s28 =	simm.s32 $_size_execute0_lowered;
	s3 =	sadd.s32 s3, s5;
	[dreg:$0x0] =	wrdreg $0x0  }
0xa8: {  	s5 =	sshll.u32 s28, $0x1;
	[dreg:$0x2] =	wrdreg s3  }
0xa9: {  	[dreg:$0x3] =	wrdreg s5  }
0xaa: {  	[dreg:$0x4] =	wrdreg $0xC0  }
0xab: {  	_ =	task [dreg:s7], $0x5FFFF  }
0xac: {  	[dreg:$0x1] =	wrdreg $0xFFFFFFFF  }
0xad: {  	[dreg:$0x0] =	wrdreg $0x60  }
0xae: {  	[dreg:$0x2] =	wrdreg s24  }
0xaf: {  	[dreg:$0x3] =	wrdreg s2  }
0xb0: {  	[dreg:$0x4] =	wrdreg $0x41000  }
0xb1: {  	[dreg:$0x5] =	wrdreg $0x9  }
0xb2: {  	_ =	task.clear_ibuf [dreg:s7], $0x6FFFF;
	_ =	strace $0x90000049  }
0xb3: {  	s29 =	simm.s32 $0x9;
	_ =	strace $0x8000004B  }
0xb4: {  	_ =	swait.ge [sflag:s29], $0x1  }
0xb5: {  	[sflag:s29] =	ssyncadd.s32 $0xFFFFFFFF  }
0xb6: {  	_ =	strace $0x9000004B  }
0xb7: {  	_ =	sfence  }
0xb8: {  	s30 =	sld [smem:$0x0];
	_ =	sdelay $0x2  }
0xb9: {  	s31 =	sshll.u32 s1, $0xD;
	s1 =	sshrl.u32 s1, $0x2  }
0xba: {  	s3 =	sand.u32 $0x4000, s31;
	s1 =	sadd.s32 s1, s30  }
0xbb: {  	s0 =	sor.u32 s3, s0;
	s1 =	sshll.u32 s1, $0x11  }
0xbc: {  	s0 =	sor.u32 s1, s0  }
0xbd: {  	s0 =	sadd.s32 $0x8F2B, s0  }
0xbe: {  	[sflag:s0] =	ssyncadd.remote.s32 $0x1  }
0xbf: {  	_ =	sfence.sel $0xFFFF  }
0xc0: {  	[dreg:$0x0] =	wrdreg $0xFFFFFFFF;
	(pc) =	sbr.abs _section_cstart, $3  }
0xc1: {  	[dreg:$0x1] =	wrdreg $0xFFFFFFFF  }
0xc2: {  	_ =	task.clear_ibuf [dreg:s7], $0x2FFFF;
	_ =	strace $0x9FFFFFFF  }
0xc3: {  	(tm) =	ssettm $0x7FFFFFFF  }
tec
execute0_lowered:
.L_overlay_start_1:
0x0: {  	(tag) =	ssettag $0x1  }
0x1: {  	s0 =	rddreg [dreg:$0x0]  }
0x2: {  	s1 =	rddreg [dreg:$0x1]  }
0x3: {  	s2 =	rddreg [dreg:$0x2];
	s4 =	simm.s32 $0x0  }
0x4: {  	s5 =	srdreg.scid;
	s3 =	stileid.u32;
	s22 =	simm.s32 $0x2  }
0x5: {  	s23 =	simm.s32 $0x80;
	s24 =	simm.s32 $0x100;
	s25 =	simm.s32 $0x1  }
0x6: {  	[smem:$0x7FF] =	sst s4;
	s12 =	sand.u32 $0x1, s5;
	s10 =	smul.u32 $0x4E000, s3  }
0x7: {  	s5 =	sadd.s32 $0x29C00, s0;
	s6 =	sadd.s32 $0x78600, s0;
	s14 =	smul.u32 $0x2700, s3  }
0x8: {  	s8 =	sadd.s32 $0x2A00, s0;
	s0 =	sadd.s32 $0x82600, s0;
	s7 =	smul.u32 $0xFFFFFFD8, s12  }
0x9: {  	p1 =	sne.s32 s3, $0xF;
	p2 =	seq.s32 s3, $0xF;
	s13 =	smul.u32 $0x640, s12  }
0xa: {  	s26 =	simm.s32 $0x0;
	_ =	strace $0x8000004A;
	s30 =	smul.u32 $0x138800, s12  }
0xb: {  	s11 =	ssub.s32 $0x2, s12;
	p0 =	seq.s32 s12, $0x1;
	s31 =	smul.u32 $0x27100, s12  }
0xc: {  	s15 =	sshrl.u32 s11, $0x1;
	s10 =	sshrl.u32 s10, $0x2;
	s9 =	sadd.s32 $0x64, s7  }
0xd: {  	s12 =	sadd.s32 s8, s14;
	s17 =	ssub.s32 s11, s15;
	s16 =	smul.u32 s3, s9  }
0xe: {  	s21 =	sadd.s32 s10, s2;
	s10 =	sadd.s32 s5, s14;
	s15 =	sshrl.u32 s30, $0x3  }
0xf: {  	s11 =	sadd.s32 $0x138000, s2;
	s20 =	sadd.s32 s0, s15;
	s13 =	sadd.s32 s13, s16  }
0x10: {  	s17 =	smax.u32 s17, $0x1;
	s16 =	sadd.s32 s14, s31;
	s18 =	sshll.u32 s13, $0x4  }
0x11: {  	s21 =	sshrl.u32 s21, $0x3;
	s15 =	sadd.s32 s0, s16;
	s19 =	sand.u32 $0x1FFFFFC0, s18  }
0x12: {  	s13 =	sadd.s32 s6, s19;
	s14 =	sadd.s32 s1, s19;
	s19 =	sshll.u32 s3, $0x6  }
0x13: {  	s16 =	sadd.s32 $0x27000, s20;
	s18 =	sor.u32 $0x10, s18;
	s20 =	sor.u32 $0x1C02, s19  }
.LBB2_1:
.Ltmp0:
0x14: {  	(pc) =	sbr.rel @!p0 .LBB2_2-.Ltmp0, $1  }
0x15: {  	_ =	sdelay $0x3  }
0x16: {  	[spmem:s21], [sflag:s20] =	dma.local [hbm:s12], $0x2700  }
.Ltmp1:
0x17: {  	_ = 	snop;
	(pc) =	sbr.rel @p1 .LBB2_5-.Ltmp1, $4  }
.Ltmp2:
0x18: {  	_ = 	snop;
	(pc) =	sbr.rel @!p1 .LBB2_4-.Ltmp2, $4  }
0x19: {  	_ =	swait.ge [sflag:s22], $0x2700  }
0x1a: {  	[sflag:s22] =	ssyncset.done $0x0  }
0x1b: {  	s0 =	smov.u32 s8;
	s28 =	smov.u32 s20;
	[sflag:s22] =	ssyncadd.s32 $0xFFFFD900  }
0x1c: {  	_ = 	snop  }
.LBB2_2:
.Ltmp3:
0x1d: {  	s28 =	sor.u32 $0x1C02, s19;
	(pc) =	sbr.rel @!p2 .LBB2_5-.Ltmp3, $4  }
0x1e: {  	[spmem:s21], [sflag:s28] =	dma.local [hbm:s10], $0x2700  }
0x1f: {  	_ =	swait.ge [sflag:s22], $0x2700  }
0x20: {  	[sflag:s22] =	ssyncset.done $0x0  }
0x21: {  	s0 =	smov.u32 s5;
	[sflag:s22] =	ssyncadd.s32 $0xFFFFD900  }
.LBB2_4:
0x22: {  	s0 =	sadd.s32 $0x27000, s0;
	s29 =	sshrl.u32 s11, $0x3  }
0x23: {  	[spmem:s29], [sflag:s28] =	dma.local [hbm:s0], $0x100  }
0x24: {  	_ =	swait.ge [sflag:s22], $0x100  }
0x25: {  	[sflag:s22] =	ssyncset.done $0x0  }
0x26: {  	[sflag:s22] =	ssyncadd.s32 $0xFFFFFF00  }
.LBB2_5:
0x27: {  	[bflag:$0x0] =	sbarrier.arrive $0xFFFF  }
0x28: {  	[tilespmem:s4], [sflag:$0x2] =	stream.linear.gather [hbm4b:s13+s4], $0x80, $0x38;
	[tilespmem:$0x17A00] =	vst v63  }
0x29: {  	_ =	swait.ge [sflag:s22], $0x80  }
0x2a: {  	[sflag:s22] =	ssyncset.done $0x0  }
0x2b: {  	[sflag:s22] =	ssyncadd.s32 $0xFFFFFF80  }
0x2c: {  	[tilespmem:s23], [sflag:$0x2] =	stream.linear.gather [hbm4b:s14+s4], $0x80, $0x38;
	[tilespmem:$0x17A00] =	vst v63  }
0x2d: {  	_ =	swait.ge [sflag:s22], $0x80  }
0x2e: {  	[sflag:s22] =	ssyncset.done $0x0  }
0x2f: {  	[sflag:s22] =	ssyncadd.s32 $0xFFFFFF80  }
0x30: {  	[tilespmem:s24], [sflag:$0x1] =	stream.indirect.gather [hbm4b:s5+s23], $0x80, s4, s23, $0xb8;
	[tilespmem:$0x17A00] =	vst v63  }
0x31: {  	_ =	swait.ge [sflag:s25], $0x4000  }
0x32: {  	[sflag:s25] =	ssyncset.done $0x0  }
0x33: {  	[sflag:s25] =	ssyncadd.s32 $0xFFFFC000  }
0x34: {  	[spmem:s2] =	stream.indirect.scatter.add.f32 [tilespmem:s24], [sflag:$0x2], $0x80, s23, s23, $0xb8;
	[tilespmem:$0x17A00] =	vst v63  }
0x35: {  	p3 =	sle.u32 s9, $0x1;
	_ =	swait.ge [sflag:s22], $0x4000  }
0x36: {  	s0 =	sand.u32 @!p3 $0x1FFFFFF0, s18;
	s29 =	simm.s32 @!p3 $0x2;
	[sflag:s22] =	ssyncset.done $0x0  }
0x37: {  	s30 =	simm.s32 @!p3 $0x0;
	s28 =	sadd.s32 @!p3 s6, s0;
	[sflag:s22] =	ssyncadd.s32 $0xFFFFC000  }
0x38: {  	[tilespmem:s30], [sflag:$0x2] =	stream.linear.gather @!p3 [hbm4b:s28+s30], $0x80, $0x38;
	[tilespmem:$0x17A00] =	vst v63  }
0x39: {  	_ =	swait.ge @!p3 [sflag:s29], $0x80  }
0x3a: {  	p4 =	sne.s32 s7, $0xFFFFFF9D;
	s31 =	simm.s32 @!p3 $0x80;
	[sflag:s29] =	ssyncset.done @!p3 $0x0  }
.Ltmp4:
0x3b: {  	s0 =	sadd.s32 @!p3 s1, s0;
	[sflag:s29] =	ssyncadd.s32 @!p3 $0xFFFFFF80;
	(pc) =	sbr.rel @!p4 .LBB2_7-.Ltmp4, $4  }
0x3c: {  	[tilespmem:s31], [sflag:$0x2] =	stream.linear.gather @!p3 [hbm4b:s0+s30], $0x80, $0x38;
	[tilespmem:$0x17A00] =	vst v63  }
0x3d: {  	_ =	swait.ge @!p3 [sflag:s29], $0x80  }
0x3e: {  	s28 =	simm.s32 $0xFFFFFF9D;
	[sflag:s29] =	ssyncset.done @!p3 $0x0  }
0x3f: {  	s0 =	simm.s32 @!p3 $0x100;
	[sflag:s29] =	ssyncadd.s32 @!p3 $0xFFFFFF80;
	s29 =	sadd.s32 $0x10, s18  }
.LBB2_6:
0x40: {  	[tilespmem:s0], [sflag:$0x1] =	stream.indirect.gather @!p3 [hbm4b:s5+s31], $0x80, s30, s31, $0xb8;
	[tilespmem:$0x17A00] =	vst v63  }
0x41: {  	s0 =	smov.u32 s28;
	s28 =	sadd.s32 $0x1, s28;
	_ =	swait.ge [sflag:s25], $0x4000  }
0x42: {  	p4 =	sne.s32 s7, s28;
	[sflag:s25] =	ssyncset.done $0x0  }
0x43: {  	s0 =	sadd.s32 $0x65, s0;
	[sflag:s25] =	ssyncadd.s32 $0xFFFFC000  }
0x44: {  	[spmem:s2] =	stream.indirect.scatter.add.f32 [tilespmem:s24], [sflag:$0x2], $0x80, s23, s23, $0xb8;
	[tilespmem:$0x17A00] =	vst v63  }
0x45: {  	p3 =	sge.u32 s0, s9;
	_ =	swait.ge [sflag:s22], $0x4000  }
0x46: {  	s0 =	sand.u32 @!p3 $0x1FFFFFF0, s29;
	s3 =	simm.s32 @!p3 $0x2;
	[sflag:s22] =	ssyncset.done $0x0  }
0x47: {  	s30 =	simm.s32 @!p3 $0x0;
	s31 =	sadd.s32 @!p3 s6, s0;
	[sflag:s22] =	ssyncadd.s32 $0xFFFFC000  }
0x48: {  	[tilespmem:s30], [sflag:$0x2] =	stream.linear.gather @!p3 [hbm4b:s31+s30], $0x80, $0x38;
	[tilespmem:$0x17A00] =	vst v63  }
0x49: {  	s0 =	sadd.s32 @!p3 s1, s0;
	_ =	swait.ge @!p3 [sflag:s3], $0x80  }
0x4a: {  	[sflag:s3] =	ssyncset.done @!p3 $0x0  }
.Ltmp5:
0x4b: {  	s31 =	simm.s32 @!p3 $0x80;
	[sflag:s3] =	ssyncadd.s32 @!p3 $0xFFFFFF80;
	(pc) =	sbr.rel @p4 .LBB2_6-.Ltmp5, $4  }
0x4c: {  	[tilespmem:s31], [sflag:$0x2] =	stream.linear.gather @!p3 [hbm4b:s0+s30], $0x80, $0x38;
	[tilespmem:$0x17A00] =	vst v63  }
0x4d: {  	_ =	swait.ge @!p3 [sflag:s3], $0x80  }
0x4e: {  	[sflag:s3] =	ssyncset.done @!p3 $0x0  }
0x4f: {  	s29 =	sadd.s32 $0x10, s29;
	s0 =	simm.s32 @!p3 $0x100;
	[sflag:s3] =	ssyncadd.s32 @!p3 $0xFFFFFF80  }
.LBB2_7:
0x50: {  	[tilespmem:s0], [sflag:$0x1] =	stream.indirect.gather @!p3 [hbm4b:s5+s31], $0x80, s30, s31, $0xb8;
	[tilespmem:$0x17A00] =	vst v63  }
0x51: {  	s0 =	sor.u32 $0x1C02, s19;
	[bflag:$0x0] =	sbarrier.arrive $0xFFFF  }
0x52: {  	[hbm:s15], [sflag:s0] =	dma.local [spmem:s21], $0x2700  }
0x53: {  	_ =	swait.ge [sflag:s22], $0x2700  }
0x54: {  	s26 =	sadd.s32 $0x1, s26;
	[sflag:s22] =	ssyncset.done $0x0  }
0x55: {  	s3 =	sshrl.u32 @!p1 s11, $0x3;
	p3 =	sne.s32 s26, s17;
	[sflag:s22] =	ssyncadd.s32 $0xFFFFD900  }
0x56: {  	[hbm:s16], [sflag:s0] =	dma.local @!p1 [spmem:s3], $0x100  }
.Ltmp6:
0x57: {  	_ = 	snop;
	(pc) =	sbr.rel @p3 .LBB2_1-.Ltmp6, $4  }
0x58: {  	s0 =	simm.s32 @!p1 $0x2  }
0x59: {  	_ =	swait.ge @!p1 [sflag:s0], $0x100  }
0x5a: {  	[sflag:s0] =	ssyncset.done @!p1 $0x0  }
0x5b: {  	[sflag:s0] =	ssyncadd.s32 @!p1 $0xFFFFFF00  }
0x5c: {  	_ =	sfence.sel $0x180000  }
0x5d: {  	[bflag:$0x0] =	sbarrier.arrive $0xFFFF  }
0x5e: {  	_ =	strace $0x9000004A  }
0x5f: {  	s0 =	stileid.u32;
	[bflag:$0x2] =	sbarrier.arrive $0xFFFF  }
0x60: {  	p0 =	sne.s32 s0, $0x0;
	s0 =	rddreg [dreg:$0x3]  }
0x61: {  	s0 =	sadd.s32 @!p0 $0x100000, s0  }
0x62: {  	[sflag:s0] =	ssyncadd.tile.s32 @!p0 $0x1;
	_ =	shalt  }
.Lfunc_end2:
_tile_overlayer_lowered:
.L_overlay_start_2:
0x63: {  	(tag) =	ssettag $0x2  }
0x64: {  	s0 =	rddreg [dreg:$0x0];
	s2 =	stileid.u32  }
0x65: {  	s1 =	rddreg [dreg:$0x1];
	p0 =	sne.s32 s2, $0x0  }
0x66: {  	s3 =	rddreg [dreg:$0x2];
	[bflag:$0x3] =	sbarrier.arrive $0xFFFF;
	s2 =	simm.s32 @!p0 $0x1C02  }
0x67: {  	[timem:s3], [sflag:s2] =	dma.local @!p0 [hbm:s0], s1  }
0x68: {  	s0 =	simm.s32 @!p0 $0x2  }
0x69: {  	_ =	swait.ge @!p0 [sflag:s0], s1  }
0x6a: {  	s1 =	ssub.s32 @!p0 $0x0, s1;
	[sflag:s0] =	ssyncset.done @!p0 $0x0  }
0x6b: {  	[sflag:s0] =	ssyncadd.s32 @!p0 s1  }
0x6c: {  	[bflag:$0x3] =	sbarrier.arrive $0xFFFF  }
0x6d: {  	_ =	shalt  }

// kernel: kernel.17.cloned.1.call-start
scs
__scs_entry_jumppad:
0x0: {  	(pc) =	sbr.rel $0x88, $3  }
0x1: {  	(tag) =	ssettag $0x0;
	lr =	simm.s32 $0x1  }
0x2: {  	[smem:$0x3F99] =	sst lr;
	_ =	strace $0xD0000000  }
0x3: {  	_ = 	snop  }
0x4: {  	_ = 	snop  }
0x5: {  	_ = 	snop  }
0x6: {  	_ = 	snop  }
0x7: {  	_ = 	snop  }
__scs_overlays_trampoline_lowered:
0x8: {  	[smem:$0x3FA8] =	sst s0  }
0x9: {  	[smem:$0x3FA9] =	sst s1  }
0xa: {  	[smem:$0x3FAA] =	sst s2  }
0xb: {  	[smem:$0x3FAB] =	sst s3  }
0xc: {  	[smem:$0x3FAC] =	sst s4  }
0xd: {  	[smem:$0x3FAD] =	sst s5  }
0xe: {  	[smem:$0x3FAE] =	sst s6  }
0xf: {  	[smem:$0x3FAF] =	sst s7  }
0x10: {  	[smem:$0x3FB0] =	sst s8  }
0x11: {  	[smem:$0x3FB1] =	sst s9;
	s0 =	simm.s32 @!p0 $0x0  }
0x12: {  	s1 =	sld [smem:$0x3F97];
	s0 =	simm.s32 @p0 $0x1  }
0x13: {  	[smem:$0x3FB2] =	sst s0;
	s0 =	simm.s32 @!p1 $0x0  }
0x14: {  	s2 =	sld [smem:$0x3F96];
	s0 =	simm.s32 @p1 $0x1  }
0x15: {  	[smem:$0x3FB3] =	sst s0;
	s0 =	simm.s32 @!p2 $0x0  }
0x16: {  	s3 =	sld [smem:$0x3FDB];
	s0 =	simm.s32 @p2 $0x1  }
0x17: {  	s4 =	simm.s32 $0x1BF5;
	[smem:$0x3FB5] =	sst s0  }
0x18: {  	s0 =	sld [smem:$0x3F98];
	_ =	swait.ge [sflag:s4], $0x0  }
0x19: {  	s7 =	sld [smem:$0x3F99]  }
0x1a: {  	s8 =	sadd.s32 $0xFFFFE003, lr  }
0x1b: {  	s9 =	sadd.s32 $0xFFFFFEF7, lr;
	s5 =	simm.s32 $0xFFFFFFFF;
	p2 =	slt.u32 s8, $0xFFFFF086  }
0x1c: {  	p1 =	slt.u32 s9, $0xF7A;
	s5 =	simm.s32 @!p2 $0x0  }
0x1d: {  	s5 =	simm.s32 @p1 $0x1;
	p0 =	seq.s32 s7, s2  }
0x1e: {  	s7 =	smul.u32 @!p0 $0xF7A, s2;
	p2 =	seq.s32 @!p0 s5, $0x0  }
0x1f: {  	s9 =	smul.u32 $0xF7A, s1;
	s8 =	simm.s32 @!p0 $0x1BF5;
	p2 =	por !p2, p0  }
0x20: {  	[sflag:s8] =	ssyncset.s32 @!p0 $0xFFFFF086;
	s6 =	sadd.s32 @!p0 s3, s7;
	s7 =	simm.s32 @!p0 $0x108  }
0x21: {  	s3 =	sadd.s32 s3, s9;
	s6 =	sadd.s32 @!p0 $0x88, s6;
	s7 =	simm.s32 @p2 $0x1082  }
0x22: {  	[simem:s7], [sflag:s8] =	dma.local @!p0 [hbm:s6], $0xF7A  }
0x23: {  	s9 =	sor.u32 $0xD0000000, s2;
	s6 =	simm.s32 $0x108;
	_ =	swait.ge @!p0 [sflag:s8], $0x0  }
0x24: {  	s3 =	sadd.s32 $0x88, s3;
	s6 =	simm.s32 @!p1 $0x1082;
	[sflag:s4] =	ssyncset.s32 $0xFFFFF086  }
0x25: {  	[simem:s6], [sflag:s4] =	dma.local [hbm:s3], $0xF7A  }
0x26: {  	[smem:$0x3F99] =	sst s1;
	(tag) =	ssettag s2;
	_ =	strace s9  }
0x27: {  	s1 =	sld [smem:$0x3FA9]  }
0x28: {  	s2 =	sld [smem:$0x3FAA]  }
0x29: {  	s4 =	sld [smem:$0x3FAC]  }
0x2a: {  	p0 =	seq.s32 s5, $0x0;
	s5 =	sld [smem:$0x3FAD]  }
0x2b: {  	s6 =	sld [smem:$0x3FAE]  }
0x2c: {  	s7 =	sld [smem:$0x3FAF]  }
0x2d: {  	s3 =	simm.s32 $0x108;
	s8 =	sld [smem:$0x3FB0]  }
0x2e: {  	s3 =	simm.s32 @!p0 $0x1082;
	s9 =	sld [smem:$0x3FB1]  }
0x2f: {  	lr =	sadd.s32 s0, s3;
	s0 =	sld [smem:$0x3FA8]  }
0x30: {  	s3 =	sld [smem:$0x3FAB]  }
0x31: {  	[smem:$0x3FB4] =	sst s10  }
0x32: {  	s10 =	sld [smem:$0x3FB2];
	_ =	sdelay $0x3  }
0x33: {  	p0 =	seq.s32 s10, $0x1;
	s10 =	sld [smem:$0x3FB4];
	_ =	sdelay $0x3  }
0x34: {  	[smem:$0x3FB4] =	sst s10  }
0x35: {  	s10 =	sld [smem:$0x3FB3];
	_ =	sdelay $0x3  }
0x36: {  	p1 =	seq.s32 s10, $0x1;
	s10 =	sld [smem:$0x3FB4];
	_ =	sdelay $0x3  }
0x37: {  	[smem:$0x3FB4] =	sst s10  }
0x38: {  	s10 =	sld [smem:$0x3FB5]  }
0x39: {  	_ = 	snop;
	(pc) =	sbr.ind lr, $3  }
0x3a: {  	_ = 	snop  }
0x3b: {  	_ = 	snop  }
0x3c: {  	p2 =	seq.s32 s10, $0x1;
	s10 =	sld [smem:$0x3FB4]  }
0x3d: {  	_ =	shalt  }
0x3e: {  	_ =	shalt  }
0x3f: {  	_ =	shalt  }
0x40: {  	_ =	shalt  }
0x41: {  	_ =	shalt  }
0x42: {  	_ =	shalt  }
0x43: {  	_ =	shalt  }
0x44: {  	_ =	shalt  }
0x45: {  	_ =	shalt  }
0x46: {  	_ =	shalt  }
0x47: {  	_ =	shalt  }
0x48: {  	_ =	shalt  }
0x49: {  	_ =	shalt  }
0x4a: {  	_ =	shalt  }
0x4b: {  	_ =	shalt  }
0x4c: {  	_ =	shalt  }
0x4d: {  	_ =	shalt  }
0x4e: {  	_ =	shalt  }
0x4f: {  	_ =	shalt  }
0x50: {  	_ =	shalt  }
0x51: {  	_ =	shalt  }
0x52: {  	_ =	shalt  }
0x53: {  	_ =	shalt  }
0x54: {  	_ =	shalt  }
0x55: {  	_ =	shalt  }
0x56: {  	_ =	shalt  }
0x57: {  	_ =	shalt  }
0x58: {  	_ =	shalt  }
0x59: {  	_ =	shalt  }
0x5a: {  	_ =	shalt  }
0x5b: {  	_ =	shalt  }
0x5c: {  	_ =	shalt  }
0x5d: {  	_ =	shalt  }
0x5e: {  	_ =	shalt  }
0x5f: {  	_ =	shalt  }
0x60: {  	_ =	shalt  }
0x61: {  	_ =	shalt  }
0x62: {  	_ =	shalt  }
0x63: {  	_ =	shalt  }
0x64: {  	_ =	shalt  }
0x65: {  	_ =	shalt  }
0x66: {  	_ =	shalt  }
0x67: {  	_ =	shalt  }
0x68: {  	_ =	shalt  }
0x69: {  	_ =	shalt  }
0x6a: {  	_ =	shalt  }
0x6b: {  	_ =	shalt  }
0x6c: {  	_ =	shalt  }
0x6d: {  	_ =	shalt  }
0x6e: {  	_ =	shalt  }
0x6f: {  	_ =	shalt  }
0x70: {  	_ =	shalt  }
0x71: {  	_ =	shalt  }
0x72: {  	_ =	shalt  }
0x73: {  	_ =	shalt  }
0x74: {  	_ =	shalt  }
0x75: {  	_ =	shalt  }
0x76: {  	_ =	shalt  }
0x77: {  	_ =	shalt  }
0x78: {  	_ =	shalt  }
0x79: {  	_ =	shalt  }
0x7a: {  	_ =	shalt  }
0x7b: {  	_ =	shalt  }
0x7c: {  	_ =	shalt  }
0x7d: {  	_ =	shalt  }
0x7e: {  	_ =	shalt  }
0x7f: {  	_ =	shalt  }
0x80: {  	_ =	shalt  }
0x81: {  	_ =	shalt  }
0x82: {  	_ =	shalt  }
0x83: {  	_ =	shalt  }
0x84: {  	_ =	shalt  }
0x85: {  	_ =	shalt  }
0x86: {  	_ =	shalt  }
0x87: {  	_ =	shalt  }
.Lfunc_end0:
.L_simem_size_0:
called_computation.2_lowered:
.L_overlay_start_0:
0x88: {  	s2 =	sld [smem:$0x3FD9]  }
0x89: {  	s3 =	sld [smem:$0x3FFE];
	_ =	sdelay $0x1  }
0x8a: {  	s1 =	srdreg.scid  }
0x8b: {  	s0 =	sand.u32 $0x1, s1  }
0x8c: {  	s17 =	sshll.u32 s0, $0xA;
	s2 =	sadd.s32 s3, s2  }
0x8d: {  	s2 =	sadd.s32 s2, s17  }
0x8e: {  	[smem:$0x3FC0] =	sst s2  }
0x8f: {  	_ = 	snop  }
0x90: {  	s2 =	sld [smem:$0x3FD0];
	(tm) =	ssettm $0x1  }
0x91: {  	s18 =	sld [smem:$0x3FFB];
	_ =	sdelay $0x3  }
0x92: {  	_ =	strace s18  }
0x93: {  	s3 =	sld [smem:$0x3FFC];
	_ =	sdelay $0x3  }
0x94: {  	_ =	strace s3  }
0x95: {  	s3 =	sld [smem:$0x3FFD];
	_ =	sdelay $0x3  }
0x96: {  	_ =	strace s3  }
0x97: {  	_ =	strace $0x8FFFFFFF  }
0x98: {  	s19 =	sld [smem:$0x3FDB];
	_ =	sdelay $0x1  }
0x99: {  	s4 =	simm.s32 $_scs_section_size  }
0x9a: {  	s5 =	simm.s32 $_size__tile_overlayer_lowered;
	s6 =	simm.s32 $_tile_overlayer_lowered  }
0x9b: {  	s22 =	simm.s32 $0x1BFF;
	s21 =	sshll.u32 s6, $0x1;
	s3 =	sadd.s32 s4, s19  }
0x9c: {  	s7 =	simm.s32 $0x0;
	s20 =	sshll.u32 s5, $0x1;
	s5 =	sadd.s32 s21, s3  }
0x9d: {  	[timem:s7], [sflag:s22] =	dma.local [hbm:s5], s20  }
0x9e: {  	_ =	swait.ge [sflag:s22], s20  }
0x9f: {  	s4 =	ssub.s32 $0x0, s20;
	[sflag:s22] =	ssyncset.done $0x0  }
0xa0: {  	[sflag:s22] =	ssyncadd.s32 s4;
	_ =	sdelay $0x1  }
0xa1: {  	s23 =	simm.s32 $0x1B8B  }
0xa2: {  	_ =	swait.ge [sflag:s23], $0x1  }
0xa3: {  	[sflag:s23] =	ssyncset.done $0x0  }
0xa4: {  	s25 =	simm.s32 $0x1B8E;
	s24 =	sld [smem:$0x3FFE];
	[sflag:s23] =	ssyncadd.s32 $0xFFFFFFFF  }
0xa5: {  	s26 =	simm.s32 $execute0_lowered;
	[smem:$0x3FD2] =	sst s25  }
0xa6: {  	s5 =	sshll.u32 s26, $0x1;
	_ =	strace $0x8000004C;
	[dreg:$0x1] =	wrdreg $0xFFFFFFFF  }
0xa7: {  	s28 =	simm.s32 $_size_execute0_lowered;
	s3 =	sadd.s32 s3, s5;
	[dreg:$0x0] =	wrdreg $0x0  }
0xa8: {  	s5 =	sshll.u32 s28, $0x1;
	[dreg:$0x2] =	wrdreg s3  }
0xa9: {  	[dreg:$0x3] =	wrdreg s5  }
0xaa: {  	[dreg:$0x4] =	wrdreg $0xC0  }
0xab: {  	_ =	task [dreg:s7], $0x5FFFF  }
0xac: {  	[dreg:$0x1] =	wrdreg $0xFFFFFFFF  }
0xad: {  	[dreg:$0x0] =	wrdreg $0x60  }
0xae: {  	[dreg:$0x2] =	wrdreg s24  }
0xaf: {  	[dreg:$0x3] =	wrdreg s2  }
0xb0: {  	[dreg:$0x4] =	wrdreg $0x41000  }
0xb1: {  	[dreg:$0x5] =	wrdreg $0x9  }
0xb2: {  	_ =	task.clear_ibuf [dreg:s7], $0x6FFFF;
	_ =	strace $0x9000004C  }
0xb3: {  	s29 =	simm.s32 $0x9;
	_ =	strace $0x8000004E  }
0xb4: {  	_ =	swait.ge [sflag:s29], $0x1  }
0xb5: {  	[sflag:s29] =	ssyncadd.s32 $0xFFFFFFFF  }
0xb6: {  	_ =	strace $0x9000004E  }
0xb7: {  	_ =	sfence  }
0xb8: {  	s30 =	sld [smem:$0x0];
	_ =	sdelay $0x2  }
0xb9: {  	s31 =	sshll.u32 s1, $0xD;
	s1 =	sshrl.u32 s1, $0x2  }
0xba: {  	s3 =	sand.u32 $0x4000, s31;
	s1 =	sadd.s32 s1, s30  }
0xbb: {  	s0 =	sor.u32 s3, s0;
	s1 =	sshll.u32 s1, $0x11  }
0xbc: {  	s0 =	sor.u32 s1, s0  }
0xbd: {  	s0 =	sadd.s32 $0x8F2B, s0  }
0xbe: {  	[sflag:s0] =	ssyncadd.remote.s32 $0x1  }
0xbf: {  	_ =	sfence.sel $0xFFFF  }
0xc0: {  	[dreg:$0x0] =	wrdreg $0xFFFFFFFF;
	(pc) =	sbr.abs _section_cstart, $3  }
0xc1: {  	[dreg:$0x1] =	wrdreg $0xFFFFFFFF  }
0xc2: {  	_ =	task.clear_ibuf [dreg:s7], $0x2FFFF;
	_ =	strace $0x9FFFFFFF  }
0xc3: {  	(tm) =	ssettm $0x7FFFFFFF  }
tec
execute0_lowered:
.L_overlay_start_1:
0x0: {  	(tag) =	ssettag $0x1  }
0x1: {  	s0 =	rddreg [dreg:$0x0]  }
0x2: {  	s1 =	rddreg [dreg:$0x1]  }
0x3: {  	s2 =	rddreg [dreg:$0x2];
	s4 =	simm.s32 $0x0  }
0x4: {  	s5 =	srdreg.scid;
	s3 =	stileid.u32;
	s22 =	simm.s32 $0x2  }
0x5: {  	s23 =	simm.s32 $0x80;
	s24 =	simm.s32 $0x100;
	s25 =	simm.s32 $0x1  }
0x6: {  	[smem:$0x7FF] =	sst s4;
	s12 =	sand.u32 $0x1, s5;
	s10 =	smul.u32 $0x4E000, s3  }
0x7: {  	s5 =	sadd.s32 $0x29C00, s0;
	s6 =	sadd.s32 $0x78600, s0;
	s14 =	smul.u32 $0x2700, s3  }
0x8: {  	s8 =	sadd.s32 $0x2A00, s0;
	s0 =	sadd.s32 $0x82600, s0;
	s7 =	smul.u32 $0xFFFFFFD8, s12  }
0x9: {  	p1 =	sne.s32 s3, $0xF;
	p2 =	seq.s32 s3, $0xF;
	s13 =	smul.u32 $0x640, s12  }
0xa: {  	s26 =	simm.s32 $0x0;
	_ =	strace $0x8000004D;
	s30 =	smul.u32 $0x138800, s12  }
0xb: {  	s11 =	ssub.s32 $0x2, s12;
	p0 =	seq.s32 s12, $0x1;
	s31 =	smul.u32 $0x27100, s12  }
0xc: {  	s15 =	sshrl.u32 s11, $0x1;
	s10 =	sshrl.u32 s10, $0x2;
	s9 =	sadd.s32 $0x64, s7  }
0xd: {  	s12 =	sadd.s32 s8, s14;
	s17 =	ssub.s32 s11, s15;
	s16 =	smul.u32 s3, s9  }
0xe: {  	s21 =	sadd.s32 s10, s2;
	s10 =	sadd.s32 s5, s14;
	s15 =	sshrl.u32 s30, $0x3  }
0xf: {  	s11 =	sadd.s32 $0x138000, s2;
	s20 =	sadd.s32 s0, s15;
	s13 =	sadd.s32 s13, s16  }
0x10: {  	s17 =	smax.u32 s17, $0x1;
	s16 =	sadd.s32 s14, s31;
	s18 =	sshll.u32 s13, $0x4  }
0x11: {  	s21 =	sshrl.u32 s21, $0x3;
	s15 =	sadd.s32 s0, s16;
	s19 =	sand.u32 $0x1FFFFFC0, s18  }
0x12: {  	s13 =	sadd.s32 s6, s19;
	s14 =	sadd.s32 s1, s19;
	s19 =	sshll.u32 s3, $0x6  }
0x13: {  	s16 =	sadd.s32 $0x27000, s20;
	s18 =	sor.u32 $0x10, s18;
	s20 =	sor.u32 $0x1C02, s19  }
.LBB2_1:
.Ltmp0:
0x14: {  	(pc) =	sbr.rel @!p0 .LBB2_2-.Ltmp0, $1  }
0x15: {  	_ =	sdelay $0x3  }
0x16: {  	[spmem:s21], [sflag:s20] =	dma.local [hbm:s12], $0x2700  }
.Ltmp1:
0x17: {  	_ = 	snop;
	(pc) =	sbr.rel @p1 .LBB2_5-.Ltmp1, $4  }
.Ltmp2:
0x18: {  	_ = 	snop;
	(pc) =	sbr.rel @!p1 .LBB2_4-.Ltmp2, $4  }
0x19: {  	_ =	swait.ge [sflag:s22], $0x2700  }
0x1a: {  	[sflag:s22] =	ssyncset.done $0x0  }
0x1b: {  	s0 =	smov.u32 s8;
	s28 =	smov.u32 s20;
	[sflag:s22] =	ssyncadd.s32 $0xFFFFD900  }
0x1c: {  	_ = 	snop  }
.LBB2_2:
.Ltmp3:
0x1d: {  	s28 =	sor.u32 $0x1C02, s19;
	(pc) =	sbr.rel @!p2 .LBB2_5-.Ltmp3, $4  }
0x1e: {  	[spmem:s21], [sflag:s28] =	dma.local [hbm:s10], $0x2700  }
0x1f: {  	_ =	swait.ge [sflag:s22], $0x2700  }
0x20: {  	[sflag:s22] =	ssyncset.done $0x0  }
0x21: {  	s0 =	smov.u32 s5;
	[sflag:s22] =	ssyncadd.s32 $0xFFFFD900  }
.LBB2_4:
0x22: {  	s0 =	sadd.s32 $0x27000, s0;
	s29 =	sshrl.u32 s11, $0x3  }
0x23: {  	[spmem:s29], [sflag:s28] =	dma.local [hbm:s0], $0x100  }
0x24: {  	_ =	swait.ge [sflag:s22], $0x100  }
0x25: {  	[sflag:s22] =	ssyncset.done $0x0  }
0x26: {  	[sflag:s22] =	ssyncadd.s32 $0xFFFFFF00  }
.LBB2_5:
0x27: {  	[bflag:$0x0] =	sbarrier.arrive $0xFFFF  }
0x28: {  	[tilespmem:s4], [sflag:$0x2] =	stream.linear.gather [hbm4b:s13+s4], $0x80, $0x38;
	[tilespmem:$0x17A00] =	vst v63  }
0x29: {  	_ =	swait.ge [sflag:s22], $0x80  }
0x2a: {  	[sflag:s22] =	ssyncset.done $0x0  }
0x2b: {  	[sflag:s22] =	ssyncadd.s32 $0xFFFFFF80  }
0x2c: {  	[tilespmem:s23], [sflag:$0x2] =	stream.linear.gather [hbm4b:s14+s4], $0x80, $0x38;
	[tilespmem:$0x17A00] =	vst v63  }
0x2d: {  	_ =	swait.ge [sflag:s22], $0x80  }
0x2e: {  	[sflag:s22] =	ssyncset.done $0x0  }
0x2f: {  	[sflag:s22] =	ssyncadd.s32 $0xFFFFFF80  }
0x30: {  	[tilespmem:s24], [sflag:$0x1] =	stream.indirect.gather [hbm4b:s5+s23], $0x80, s4, s23, $0xb8;
	[tilespmem:$0x17A00] =	vst v63  }
0x31: {  	_ =	swait.ge [sflag:s25], $0x4000  }
0x32: {  	[sflag:s25] =	ssyncset.done $0x0  }
0x33: {  	[sflag:s25] =	ssyncadd.s32 $0xFFFFC000  }
0x34: {  	[spmem:s2] =	stream.indirect.scatter.add.f32 [tilespmem:s24], [sflag:$0x2], $0x80, s23, s23, $0xb8;
	[tilespmem:$0x17A00] =	vst v63  }
0x35: {  	p3 =	sle.u32 s9, $0x1;
	_ =	swait.ge [sflag:s22], $0x4000  }
0x36: {  	s0 =	sand.u32 @!p3 $0x1FFFFFF0, s18;
	s29 =	simm.s32 @!p3 $0x2;
	[sflag:s22] =	ssyncset.done $0x0  }
0x37: {  	s30 =	simm.s32 @!p3 $0x0;
	s28 =	sadd.s32 @!p3 s6, s0;
	[sflag:s22] =	ssyncadd.s32 $0xFFFFC000  }
0x38: {  	[tilespmem:s30], [sflag:$0x2] =	stream.linear.gather @!p3 [hbm4b:s28+s30], $0x80, $0x38;
	[tilespmem:$0x17A00] =	vst v63  }
0x39: {  	_ =	swait.ge @!p3 [sflag:s29], $0x80  }
0x3a: {  	p4 =	sne.s32 s7, $0xFFFFFF9D;
	s31 =	simm.s32 @!p3 $0x80;
	[sflag:s29] =	ssyncset.done @!p3 $0x0  }
.Ltmp4:
0x3b: {  	s0 =	sadd.s32 @!p3 s1, s0;
	[sflag:s29] =	ssyncadd.s32 @!p3 $0xFFFFFF80;
	(pc) =	sbr.rel @!p4 .LBB2_7-.Ltmp4, $4  }
0x3c: {  	[tilespmem:s31], [sflag:$0x2] =	stream.linear.gather @!p3 [hbm4b:s0+s30], $0x80, $0x38;
	[tilespmem:$0x17A00] =	vst v63  }
0x3d: {  	_ =	swait.ge @!p3 [sflag:s29], $0x80  }
0x3e: {  	s28 =	simm.s32 $0xFFFFFF9D;
	[sflag:s29] =	ssyncset.done @!p3 $0x0  }
0x3f: {  	s0 =	simm.s32 @!p3 $0x100;
	[sflag:s29] =	ssyncadd.s32 @!p3 $0xFFFFFF80;
	s29 =	sadd.s32 $0x10, s18  }
.LBB2_6:
0x40: {  	[tilespmem:s0], [sflag:$0x1] =	stream.indirect.gather @!p3 [hbm4b:s5+s31], $0x80, s30, s31, $0xb8;
	[tilespmem:$0x17A00] =	vst v63  }
0x41: {  	s0 =	smov.u32 s28;
	s28 =	sadd.s32 $0x1, s28;
	_ =	swait.ge [sflag:s25], $0x4000  }
0x42: {  	p4 =	sne.s32 s7, s28;
	[sflag:s25] =	ssyncset.done $0x0  }
0x43: {  	s0 =	sadd.s32 $0x65, s0;
	[sflag:s25] =	ssyncadd.s32 $0xFFFFC000  }
0x44: {  	[spmem:s2] =	stream.indirect.scatter.add.f32 [tilespmem:s24], [sflag:$0x2], $0x80, s23, s23, $0xb8;
	[tilespmem:$0x17A00] =	vst v63  }
0x45: {  	p3 =	sge.u32 s0, s9;
	_ =	swait.ge [sflag:s22], $0x4000  }
0x46: {  	s0 =	sand.u32 @!p3 $0x1FFFFFF0, s29;
	s3 =	simm.s32 @!p3 $0x2;
	[sflag:s22] =	ssyncset.done $0x0  }
0x47: {  	s30 =	simm.s32 @!p3 $0x0;
	s31 =	sadd.s32 @!p3 s6, s0;
	[sflag:s22] =	ssyncadd.s32 $0xFFFFC000  }
0x48: {  	[tilespmem:s30], [sflag:$0x2] =	stream.linear.gather @!p3 [hbm4b:s31+s30], $0x80, $0x38;
	[tilespmem:$0x17A00] =	vst v63  }
0x49: {  	s0 =	sadd.s32 @!p3 s1, s0;
	_ =	swait.ge @!p3 [sflag:s3], $0x80  }
0x4a: {  	[sflag:s3] =	ssyncset.done @!p3 $0x0  }
.Ltmp5:
0x4b: {  	s31 =	simm.s32 @!p3 $0x80;
	[sflag:s3] =	ssyncadd.s32 @!p3 $0xFFFFFF80;
	(pc) =	sbr.rel @p4 .LBB2_6-.Ltmp5, $4  }
0x4c: {  	[tilespmem:s31], [sflag:$0x2] =	stream.linear.gather @!p3 [hbm4b:s0+s30], $0x80, $0x38;
	[tilespmem:$0x17A00] =	vst v63  }
0x4d: {  	_ =	swait.ge @!p3 [sflag:s3], $0x80  }
0x4e: {  	[sflag:s3] =	ssyncset.done @!p3 $0x0  }
0x4f: {  	s29 =	sadd.s32 $0x10, s29;
	s0 =	simm.s32 @!p3 $0x100;
	[sflag:s3] =	ssyncadd.s32 @!p3 $0xFFFFFF80  }
.LBB2_7:
0x50: {  	[tilespmem:s0], [sflag:$0x1] =	stream.indirect.gather @!p3 [hbm4b:s5+s31], $0x80, s30, s31, $0xb8;
	[tilespmem:$0x17A00] =	vst v63  }
0x51: {  	s0 =	sor.u32 $0x1C02, s19;
	[bflag:$0x0] =	sbarrier.arrive $0xFFFF  }
0x52: {  	[hbm:s15], [sflag:s0] =	dma.local [spmem:s21], $0x2700  }
0x53: {  	_ =	swait.ge [sflag:s22], $0x2700  }
0x54: {  	s26 =	sadd.s32 $0x1, s26;
	[sflag:s22] =	ssyncset.done $0x0  }
0x55: {  	s3 =	sshrl.u32 @!p1 s11, $0x3;
	p3 =	sne.s32 s26, s17;
	[sflag:s22] =	ssyncadd.s32 $0xFFFFD900  }
0x56: {  	[hbm:s16], [sflag:s0] =	dma.local @!p1 [spmem:s3], $0x100  }
.Ltmp6:
0x57: {  	_ = 	snop;
	(pc) =	sbr.rel @p3 .LBB2_1-.Ltmp6, $4  }
0x58: {  	s0 =	simm.s32 @!p1 $0x2  }
0x59: {  	_ =	swait.ge @!p1 [sflag:s0], $0x100  }
0x5a: {  	[sflag:s0] =	ssyncset.done @!p1 $0x0  }
0x5b: {  	[sflag:s0] =	ssyncadd.s32 @!p1 $0xFFFFFF00  }
0x5c: {  	_ =	sfence.sel $0x180000  }
0x5d: {  	[bflag:$0x0] =	sbarrier.arrive $0xFFFF  }
0x5e: {  	_ =	strace $0x9000004D  }
0x5f: {  	s0 =	stileid.u32;
	[bflag:$0x2] =	sbarrier.arrive $0xFFFF  }
0x60: {  	p0 =	sne.s32 s0, $0x0;
	s0 =	rddreg [dreg:$0x3]  }
0x61: {  	s0 =	sadd.s32 @!p0 $0x100000, s0  }
0x62: {  	[sflag:s0] =	ssyncadd.tile.s32 @!p0 $0x1;
	_ =	shalt  }
.Lfunc_end2:
_tile_overlayer_lowered:
.L_overlay_start_2:
0x63: {  	(tag) =	ssettag $0x2  }
0x64: {  	s0 =	rddreg [dreg:$0x0];
	s2 =	stileid.u32  }
0x65: {  	s1 =	rddreg [dreg:$0x1];
	p0 =	sne.s32 s2, $0x0  }
0x66: {  	s3 =	rddreg [dreg:$0x2];
	[bflag:$0x3] =	sbarrier.arrive $0xFFFF;
	s2 =	simm.s32 @!p0 $0x1C02  }
0x67: {  	[timem:s3], [sflag:s2] =	dma.local @!p0 [hbm:s0], s1  }
0x68: {  	s0 =	simm.s32 @!p0 $0x2  }
0x69: {  	_ =	swait.ge @!p0 [sflag:s0], s1  }
0x6a: {  	s1 =	ssub.s32 @!p0 $0x0, s1;
	[sflag:s0] =	ssyncset.done @!p0 $0x0  }
0x6b: {  	[sflag:s0] =	ssyncadd.s32 @!p0 s1  }
0x6c: {  	[bflag:$0x3] =	sbarrier.arrive $0xFFFF  }
0x6d: {  	_ =	shalt  }

// kernel: kernel.20.cloned.1.call-start
scs
__scs_entry_jumppad:
0x0: {  	(pc) =	sbr.rel $0x88, $3  }
0x1: {  	(tag) =	ssettag $0x0;
	lr =	simm.s32 $0x1  }
0x2: {  	[smem:$0x3F99] =	sst lr;
	_ =	strace $0xD0000000  }
0x3: {  	_ = 	snop  }
0x4: {  	_ = 	snop  }
0x5: {  	_ = 	snop  }
0x6: {  	_ = 	snop  }
0x7: {  	_ = 	snop  }
__scs_overlays_trampoline_lowered:
0x8: {  	[smem:$0x3FA8] =	sst s0  }
0x9: {  	[smem:$0x3FA9] =	sst s1  }
0xa: {  	[smem:$0x3FAA] =	sst s2  }
0xb: {  	[smem:$0x3FAB] =	sst s3  }
0xc: {  	[smem:$0x3FAC] =	sst s4  }
0xd: {  	[smem:$0x3FAD] =	sst s5  }
0xe: {  	[smem:$0x3FAE] =	sst s6  }
0xf: {  	[smem:$0x3FAF] =	sst s7  }
0x10: {  	[smem:$0x3FB0] =	sst s8  }
0x11: {  	[smem:$0x3FB1] =	sst s9;
	s0 =	simm.s32 @!p0 $0x0  }
0x12: {  	s1 =	sld [smem:$0x3F97];
	s0 =	simm.s32 @p0 $0x1  }
0x13: {  	[smem:$0x3FB2] =	sst s0;
	s0 =	simm.s32 @!p1 $0x0  }
0x14: {  	s2 =	sld [smem:$0x3F96];
	s0 =	simm.s32 @p1 $0x1  }
0x15: {  	[smem:$0x3FB3] =	sst s0;
	s0 =	simm.s32 @!p2 $0x0  }
0x16: {  	s3 =	sld [smem:$0x3FDB];
	s0 =	simm.s32 @p2 $0x1  }
0x17: {  	s4 =	simm.s32 $0x1BF5;
	[smem:$0x3FB5] =	sst s0  }
0x18: {  	s0 =	sld [smem:$0x3F98];
	_ =	swait.ge [sflag:s4], $0x0  }
0x19: {  	s7 =	sld [smem:$0x3F99]  }
0x1a: {  	s8 =	sadd.s32 $0xFFFFE003, lr  }
0x1b: {  	s9 =	sadd.s32 $0xFFFFFEF7, lr;
	s5 =	simm.s32 $0xFFFFFFFF;
	p2 =	slt.u32 s8, $0xFFFFF086  }
0x1c: {  	p1 =	slt.u32 s9, $0xF7A;
	s5 =	simm.s32 @!p2 $0x0  }
0x1d: {  	s5 =	simm.s32 @p1 $0x1;
	p0 =	seq.s32 s7, s2  }
0x1e: {  	s7 =	smul.u32 @!p0 $0xF7A, s2;
	p2 =	seq.s32 @!p0 s5, $0x0  }
0x1f: {  	s9 =	smul.u32 $0xF7A, s1;
	s8 =	simm.s32 @!p0 $0x1BF5;
	p2 =	por !p2, p0  }
0x20: {  	[sflag:s8] =	ssyncset.s32 @!p0 $0xFFFFF086;
	s6 =	sadd.s32 @!p0 s3, s7;
	s7 =	simm.s32 @!p0 $0x108  }
0x21: {  	s3 =	sadd.s32 s3, s9;
	s6 =	sadd.s32 @!p0 $0x88, s6;
	s7 =	simm.s32 @p2 $0x1082  }
0x22: {  	[simem:s7], [sflag:s8] =	dma.local @!p0 [hbm:s6], $0xF7A  }
0x23: {  	s9 =	sor.u32 $0xD0000000, s2;
	s6 =	simm.s32 $0x108;
	_ =	swait.ge @!p0 [sflag:s8], $0x0  }
0x24: {  	s3 =	sadd.s32 $0x88, s3;
	s6 =	simm.s32 @!p1 $0x1082;
	[sflag:s4] =	ssyncset.s32 $0xFFFFF086  }
0x25: {  	[simem:s6], [sflag:s4] =	dma.local [hbm:s3], $0xF7A  }
0x26: {  	[smem:$0x3F99] =	sst s1;
	(tag) =	ssettag s2;
	_ =	strace s9  }
0x27: {  	s1 =	sld [smem:$0x3FA9]  }
0x28: {  	s2 =	sld [smem:$0x3FAA]  }
0x29: {  	s4 =	sld [smem:$0x3FAC]  }
0x2a: {  	p0 =	seq.s32 s5, $0x0;
	s5 =	sld [smem:$0x3FAD]  }
0x2b: {  	s6 =	sld [smem:$0x3FAE]  }
0x2c: {  	s7 =	sld [smem:$0x3FAF]  }
0x2d: {  	s3 =	simm.s32 $0x108;
	s8 =	sld [smem:$0x3FB0]  }
0x2e: {  	s3 =	simm.s32 @!p0 $0x1082;
	s9 =	sld [smem:$0x3FB1]  }
0x2f: {  	lr =	sadd.s32 s0, s3;
	s0 =	sld [smem:$0x3FA8]  }
0x30: {  	s3 =	sld [smem:$0x3FAB]  }
0x31: {  	[smem:$0x3FB4] =	sst s10  }
0x32: {  	s10 =	sld [smem:$0x3FB2];
	_ =	sdelay $0x3  }
0x33: {  	p0 =	seq.s32 s10, $0x1;
	s10 =	sld [smem:$0x3FB4];
	_ =	sdelay $0x3  }
0x34: {  	[smem:$0x3FB4] =	sst s10  }
0x35: {  	s10 =	sld [smem:$0x3FB3];
	_ =	sdelay $0x3  }
0x36: {  	p1 =	seq.s32 s10, $0x1;
	s10 =	sld [smem:$0x3FB4];
	_ =	sdelay $0x3  }
0x37: {  	[smem:$0x3FB4] =	sst s10  }
0x38: {  	s10 =	sld [smem:$0x3FB5]  }
0x39: {  	_ = 	snop;
	(pc) =	sbr.ind lr, $3  }
0x3a: {  	_ = 	snop  }
0x3b: {  	_ = 	snop  }
0x3c: {  	p2 =	seq.s32 s10, $0x1;
	s10 =	sld [smem:$0x3FB4]  }
0x3d: {  	_ =	shalt  }
0x3e: {  	_ =	shalt  }
0x3f: {  	_ =	shalt  }
0x40: {  	_ =	shalt  }
0x41: {  	_ =	shalt  }
0x42: {  	_ =	shalt  }
0x43: {  	_ =	shalt  }
0x44: {  	_ =	shalt  }
0x45: {  	_ =	shalt  }
0x46: {  	_ =	shalt  }
0x47: {  	_ =	shalt  }
0x48: {  	_ =	shalt  }
0x49: {  	_ =	shalt  }
0x4a: {  	_ =	shalt  }
0x4b: {  	_ =	shalt  }
0x4c: {  	_ =	shalt  }
0x4d: {  	_ =	shalt  }
0x4e: {  	_ =	shalt  }
0x4f: {  	_ =	shalt  }
0x50: {  	_ =	shalt  }
0x51: {  	_ =	shalt  }
0x52: {  	_ =	shalt  }
0x53: {  	_ =	shalt  }
0x54: {  	_ =	shalt  }
0x55: {  	_ =	shalt  }
0x56: {  	_ =	shalt  }
0x57: {  	_ =	shalt  }
0x58: {  	_ =	shalt  }
0x59: {  	_ =	shalt  }
0x5a: {  	_ =	shalt  }
0x5b: {  	_ =	shalt  }
0x5c: {  	_ =	shalt  }
0x5d: {  	_ =	shalt  }
0x5e: {  	_ =	shalt  }
0x5f: {  	_ =	shalt  }
0x60: {  	_ =	shalt  }
0x61: {  	_ =	shalt  }
0x62: {  	_ =	shalt  }
0x63: {  	_ =	shalt  }
0x64: {  	_ =	shalt  }
0x65: {  	_ =	shalt  }
0x66: {  	_ =	shalt  }
0x67: {  	_ =	shalt  }
0x68: {  	_ =	shalt  }
0x69: {  	_ =	shalt  }
0x6a: {  	_ =	shalt  }
0x6b: {  	_ =	shalt  }
0x6c: {  	_ =	shalt  }
0x6d: {  	_ =	shalt  }
0x6e: {  	_ =	shalt  }
0x6f: {  	_ =	shalt  }
0x70: {  	_ =	shalt  }
0x71: {  	_ =	shalt  }
0x72: {  	_ =	shalt  }
0x73: {  	_ =	shalt  }
0x74: {  	_ =	shalt  }
0x75: {  	_ =	shalt  }
0x76: {  	_ =	shalt  }
0x77: {  	_ =	shalt  }
0x78: {  	_ =	shalt  }
0x79: {  	_ =	shalt  }
0x7a: {  	_ =	shalt  }
0x7b: {  	_ =	shalt  }
0x7c: {  	_ =	shalt  }
0x7d: {  	_ =	shalt  }
0x7e: {  	_ =	shalt  }
0x7f: {  	_ =	shalt  }
0x80: {  	_ =	shalt  }
0x81: {  	_ =	shalt  }
0x82: {  	_ =	shalt  }
0x83: {  	_ =	shalt  }
0x84: {  	_ =	shalt  }
0x85: {  	_ =	shalt  }
0x86: {  	_ =	shalt  }
0x87: {  	_ =	shalt  }
.Lfunc_end0:
.L_simem_size_0:
called_computation.3_lowered:
.L_overlay_start_0:
0x88: {  	s2 =	sld [smem:$0x3FD9]  }
0x89: {  	s3 =	sld [smem:$0x3FFE];
	_ =	sdelay $0x1  }
0x8a: {  	s1 =	srdreg.scid  }
0x8b: {  	s0 =	sand.u32 $0x1, s1  }
0x8c: {  	s17 =	sshll.u32 s0, $0xA;
	s2 =	sadd.s32 s3, s2  }
0x8d: {  	s2 =	sadd.s32 s2, s17  }
0x8e: {  	[smem:$0x3FC0] =	sst s2  }
0x8f: {  	_ = 	snop  }
0x90: {  	s2 =	sld [smem:$0x3FD0];
	(tm) =	ssettm $0x1  }
0x91: {  	s18 =	sld [smem:$0x3FFB];
	_ =	sdelay $0x3  }
0x92: {  	_ =	strace s18  }
0x93: {  	s3 =	sld [smem:$0x3FFC];
	_ =	sdelay $0x3  }
0x94: {  	_ =	strace s3  }
0x95: {  	s3 =	sld [smem:$0x3FFD];
	_ =	sdelay $0x3  }
0x96: {  	_ =	strace s3  }
0x97: {  	_ =	strace $0x8FFFFFFF  }
0x98: {  	s19 =	sld [smem:$0x3FDB];
	_ =	sdelay $0x1  }
0x99: {  	s4 =	simm.s32 $_scs_section_size  }
0x9a: {  	s5 =	simm.s32 $_size__tile_overlayer_lowered;
	s6 =	simm.s32 $_tile_overlayer_lowered  }
0x9b: {  	s22 =	simm.s32 $0x1BFF;
	s21 =	sshll.u32 s6, $0x1;
	s3 =	sadd.s32 s4, s19  }
0x9c: {  	s7 =	simm.s32 $0x0;
	s20 =	sshll.u32 s5, $0x1;
	s5 =	sadd.s32 s21, s3  }
0x9d: {  	[timem:s7], [sflag:s22] =	dma.local [hbm:s5], s20  }
0x9e: {  	_ =	swait.ge [sflag:s22], s20  }
0x9f: {  	s4 =	ssub.s32 $0x0, s20;
	[sflag:s22] =	ssyncset.done $0x0  }
0xa0: {  	[sflag:s22] =	ssyncadd.s32 s4;
	_ =	sdelay $0x1  }
0xa1: {  	s23 =	simm.s32 $0x1B8B  }
0xa2: {  	_ =	swait.ge [sflag:s23], $0x1  }
0xa3: {  	[sflag:s23] =	ssyncset.done $0x0  }
0xa4: {  	s25 =	simm.s32 $0x1B8E;
	s24 =	sld [smem:$0x3FFE];
	[sflag:s23] =	ssyncadd.s32 $0xFFFFFFFF  }
0xa5: {  	s26 =	simm.s32 $execute0_lowered;
	[smem:$0x3FD2] =	sst s25  }
0xa6: {  	s5 =	sshll.u32 s26, $0x1;
	_ =	strace $0x8000004F;
	[dreg:$0x1] =	wrdreg $0xFFFFFFFF  }
0xa7: {  	s28 =	simm.s32 $_size_execute0_lowered;
	s3 =	sadd.s32 s3, s5;
	[dreg:$0x0] =	wrdreg $0x0  }
0xa8: {  	s5 =	sshll.u32 s28, $0x1;
	[dreg:$0x2] =	wrdreg s3  }
0xa9: {  	[dreg:$0x3] =	wrdreg s5  }
0xaa: {  	[dreg:$0x4] =	wrdreg $0xC0  }
0xab: {  	_ =	task [dreg:s7], $0x5FFFF  }
0xac: {  	[dreg:$0x1] =	wrdreg $0xFFFFFFFF  }
0xad: {  	[dreg:$0x0] =	wrdreg $0x60  }
0xae: {  	[dreg:$0x2] =	wrdreg s24  }
0xaf: {  	[dreg:$0x3] =	wrdreg s2  }
0xb0: {  	[dreg:$0x4] =	wrdreg $0x41000  }
0xb1: {  	[dreg:$0x5] =	wrdreg $0x9  }
0xb2: {  	_ =	task.clear_ibuf [dreg:s7], $0x6FFFF;
	_ =	strace $0x9000004F  }
0xb3: {  	s29 =	simm.s32 $0x9;
	_ =	strace $0x80000051  }
0xb4: {  	_ =	swait.ge [sflag:s29], $0x1  }
0xb5: {  	[sflag:s29] =	ssyncadd.s32 $0xFFFFFFFF  }
0xb6: {  	_ =	strace $0x90000051  }
0xb7: {  	_ =	sfence  }
0xb8: {  	s30 =	sld [smem:$0x0];
	_ =	sdelay $0x2  }
0xb9: {  	s31 =	sshll.u32 s1, $0xD;
	s1 =	sshrl.u32 s1, $0x2  }
0xba: {  	s3 =	sand.u32 $0x4000, s31;
	s1 =	sadd.s32 s1, s30  }
0xbb: {  	s0 =	sor.u32 s3, s0;
	s1 =	sshll.u32 s1, $0x11  }
0xbc: {  	s0 =	sor.u32 s1, s0  }
0xbd: {  	s0 =	sadd.s32 $0x8F2B, s0  }
0xbe: {  	[sflag:s0] =	ssyncadd.remote.s32 $0x1  }
0xbf: {  	_ =	sfence.sel $0xFFFF  }
0xc0: {  	[dreg:$0x0] =	wrdreg $0xFFFFFFFF;
	(pc) =	sbr.abs _section_cstart, $3  }
0xc1: {  	[dreg:$0x1] =	wrdreg $0xFFFFFFFF  }
0xc2: {  	_ =	task.clear_ibuf [dreg:s7], $0x2FFFF;
	_ =	strace $0x9FFFFFFF  }
0xc3: {  	(tm) =	ssettm $0x7FFFFFFF  }
tec
execute0_lowered:
.L_overlay_start_1:
0x0: {  	(tag) =	ssettag $0x1  }
0x1: {  	s0 =	rddreg [dreg:$0x0]  }
0x2: {  	s1 =	rddreg [dreg:$0x1]  }
0x3: {  	s2 =	rddreg [dreg:$0x2];
	s4 =	simm.s32 $0x0  }
0x4: {  	s5 =	srdreg.scid;
	s3 =	stileid.u32;
	s22 =	simm.s32 $0x2  }
0x5: {  	s23 =	simm.s32 $0x80;
	s24 =	simm.s32 $0x100;
	s25 =	simm.s32 $0x1  }
0x6: {  	[smem:$0x7FF] =	sst s4;
	s12 =	sand.u32 $0x1, s5;
	s10 =	smul.u32 $0x4E000, s3  }
0x7: {  	s5 =	sadd.s32 $0x29C00, s0;
	s6 =	sadd.s32 $0x78600, s0;
	s14 =	smul.u32 $0x2700, s3  }
0x8: {  	s8 =	sadd.s32 $0x2A00, s0;
	s0 =	sadd.s32 $0x82600, s0;
	s7 =	smul.u32 $0xFFFFFFD8, s12  }
0x9: {  	p1 =	sne.s32 s3, $0xF;
	p2 =	seq.s32 s3, $0xF;
	s13 =	smul.u32 $0x640, s12  }
0xa: {  	s26 =	simm.s32 $0x0;
	_ =	strace $0x80000050;
	s30 =	smul.u32 $0x138800, s12  }
0xb: {  	s11 =	ssub.s32 $0x2, s12;
	p0 =	seq.s32 s12, $0x1;
	s31 =	smul.u32 $0x27100, s12  }
0xc: {  	s15 =	sshrl.u32 s11, $0x1;
	s10 =	sshrl.u32 s10, $0x2;
	s9 =	sadd.s32 $0x64, s7  }
0xd: {  	s12 =	sadd.s32 s8, s14;
	s17 =	ssub.s32 s11, s15;
	s16 =	smul.u32 s3, s9  }
0xe: {  	s21 =	sadd.s32 s10, s2;
	s10 =	sadd.s32 s5, s14;
	s15 =	sshrl.u32 s30, $0x3  }
0xf: {  	s11 =	sadd.s32 $0x138000, s2;
	s20 =	sadd.s32 s0, s15;
	s13 =	sadd.s32 s13, s16  }
0x10: {  	s17 =	smax.u32 s17, $0x1;
	s16 =	sadd.s32 s14, s31;
	s18 =	sshll.u32 s13, $0x4  }
0x11: {  	s21 =	sshrl.u32 s21, $0x3;
	s15 =	sadd.s32 s0, s16;
	s19 =	sand.u32 $0x1FFFFFC0, s18  }
0x12: {  	s13 =	sadd.s32 s6, s19;
	s14 =	sadd.s32 s1, s19;
	s19 =	sshll.u32 s3, $0x6  }
0x13: {  	s16 =	sadd.s32 $0x27000, s20;
	s18 =	sor.u32 $0x10, s18;
	s20 =	sor.u32 $0x1C02, s19  }
.LBB2_1:
.Ltmp0:
0x14: {  	(pc) =	sbr.rel @!p0 .LBB2_2-.Ltmp0, $1  }
0x15: {  	_ =	sdelay $0x3  }
0x16: {  	[spmem:s21], [sflag:s20] =	dma.local [hbm:s12], $0x2700  }
.Ltmp1:
0x17: {  	_ = 	snop;
	(pc) =	sbr.rel @p1 .LBB2_5-.Ltmp1, $4  }
.Ltmp2:
0x18: {  	_ = 	snop;
	(pc) =	sbr.rel @!p1 .LBB2_4-.Ltmp2, $4  }
0x19: {  	_ =	swait.ge [sflag:s22], $0x2700  }
0x1a: {  	[sflag:s22] =	ssyncset.done $0x0  }
0x1b: {  	s0 =	smov.u32 s8;
	s28 =	smov.u32 s20;
	[sflag:s22] =	ssyncadd.s32 $0xFFFFD900  }
0x1c: {  	_ = 	snop  }
.LBB2_2:
.Ltmp3:
0x1d: {  	s28 =	sor.u32 $0x1C02, s19;
	(pc) =	sbr.rel @!p2 .LBB2_5-.Ltmp3, $4  }
0x1e: {  	[spmem:s21], [sflag:s28] =	dma.local [hbm:s10], $0x2700  }
0x1f: {  	_ =	swait.ge [sflag:s22], $0x2700  }
0x20: {  	[sflag:s22] =	ssyncset.done $0x0  }
0x21: {  	s0 =	smov.u32 s5;
	[sflag:s22] =	ssyncadd.s32 $0xFFFFD900  }
.LBB2_4:
0x22: {  	s0 =	sadd.s32 $0x27000, s0;
	s29 =	sshrl.u32 s11, $0x3  }
0x23: {  	[spmem:s29], [sflag:s28] =	dma.local [hbm:s0], $0x100  }
0x24: {  	_ =	swait.ge [sflag:s22], $0x100  }
0x25: {  	[sflag:s22] =	ssyncset.done $0x0  }
0x26: {  	[sflag:s22] =	ssyncadd.s32 $0xFFFFFF00  }
.LBB2_5:
0x27: {  	[bflag:$0x0] =	sbarrier.arrive $0xFFFF  }
0x28: {  	[tilespmem:s4], [sflag:$0x2] =	stream.linear.gather [hbm4b:s13+s4], $0x80, $0x38;
	[tilespmem:$0x17A00] =	vst v63  }
0x29: {  	_ =	swait.ge [sflag:s22], $0x80  }
0x2a: {  	[sflag:s22] =	ssyncset.done $0x0  }
0x2b: {  	[sflag:s22] =	ssyncadd.s32 $0xFFFFFF80  }
0x2c: {  	[tilespmem:s23], [sflag:$0x2] =	stream.linear.gather [hbm4b:s14+s4], $0x80, $0x38;
	[tilespmem:$0x17A00] =	vst v63  }
0x2d: {  	_ =	swait.ge [sflag:s22], $0x80  }
0x2e: {  	[sflag:s22] =	ssyncset.done $0x0  }
0x2f: {  	[sflag:s22] =	ssyncadd.s32 $0xFFFFFF80  }
0x30: {  	[tilespmem:s24], [sflag:$0x1] =	stream.indirect.gather [hbm4b:s5+s23], $0x80, s4, s23, $0xb8;
	[tilespmem:$0x17A00] =	vst v63  }
0x31: {  	_ =	swait.ge [sflag:s25], $0x4000  }
0x32: {  	[sflag:s25] =	ssyncset.done $0x0  }
0x33: {  	[sflag:s25] =	ssyncadd.s32 $0xFFFFC000  }
0x34: {  	[spmem:s2] =	stream.indirect.scatter.add.f32 [tilespmem:s24], [sflag:$0x2], $0x80, s23, s23, $0xb8;
	[tilespmem:$0x17A00] =	vst v63  }
0x35: {  	p3 =	sle.u32 s9, $0x1;
	_ =	swait.ge [sflag:s22], $0x4000  }
0x36: {  	s0 =	sand.u32 @!p3 $0x1FFFFFF0, s18;
	s29 =	simm.s32 @!p3 $0x2;
	[sflag:s22] =	ssyncset.done $0x0  }
0x37: {  	s30 =	simm.s32 @!p3 $0x0;
	s28 =	sadd.s32 @!p3 s6, s0;
	[sflag:s22] =	ssyncadd.s32 $0xFFFFC000  }
0x38: {  	[tilespmem:s30], [sflag:$0x2] =	stream.linear.gather @!p3 [hbm4b:s28+s30], $0x80, $0x38;
	[tilespmem:$0x17A00] =	vst v63  }
0x39: {  	_ =	swait.ge @!p3 [sflag:s29], $0x80  }
0x3a: {  	p4 =	sne.s32 s7, $0xFFFFFF9D;
	s31 =	simm.s32 @!p3 $0x80;
	[sflag:s29] =	ssyncset.done @!p3 $0x0  }
.Ltmp4:
0x3b: {  	s0 =	sadd.s32 @!p3 s1, s0;
	[sflag:s29] =	ssyncadd.s32 @!p3 $0xFFFFFF80;
	(pc) =	sbr.rel @!p4 .LBB2_7-.Ltmp4, $4  }
0x3c: {  	[tilespmem:s31], [sflag:$0x2] =	stream.linear.gather @!p3 [hbm4b:s0+s30], $0x80, $0x38;
	[tilespmem:$0x17A00] =	vst v63  }
0x3d: {  	_ =	swait.ge @!p3 [sflag:s29], $0x80  }
0x3e: {  	s28 =	simm.s32 $0xFFFFFF9D;
	[sflag:s29] =	ssyncset.done @!p3 $0x0  }
0x3f: {  	s0 =	simm.s32 @!p3 $0x100;
	[sflag:s29] =	ssyncadd.s32 @!p3 $0xFFFFFF80;
	s29 =	sadd.s32 $0x10, s18  }
.LBB2_6:
0x40: {  	[tilespmem:s0], [sflag:$0x1] =	stream.indirect.gather @!p3 [hbm4b:s5+s31], $0x80, s30, s31, $0xb8;
	[tilespmem:$0x17A00] =	vst v63  }
0x41: {  	s0 =	smov.u32 s28;
	s28 =	sadd.s32 $0x1, s28;
	_ =	swait.ge [sflag:s25], $0x4000  }
0x42: {  	p4 =	sne.s32 s7, s28;
	[sflag:s25] =	ssyncset.done $0x0  }
0x43: {  	s0 =	sadd.s32 $0x65, s0;
	[sflag:s25] =	ssyncadd.s32 $0xFFFFC000  }
0x44: {  	[spmem:s2] =	stream.indirect.scatter.add.f32 [tilespmem:s24], [sflag:$0x2], $0x80, s23, s23, $0xb8;
	[tilespmem:$0x17A00] =	vst v63  }
0x45: {  	p3 =	sge.u32 s0, s9;
	_ =	swait.ge [sflag:s22], $0x4000  }
0x46: {  	s0 =	sand.u32 @!p3 $0x1FFFFFF0, s29;
	s3 =	simm.s32 @!p3 $0x2;
	[sflag:s22] =	ssyncset.done $0x0  }
0x47: {  	s30 =	simm.s32 @!p3 $0x0;
	s31 =	sadd.s32 @!p3 s6, s0;
	[sflag:s22] =	ssyncadd.s32 $0xFFFFC000  }
0x48: {  	[tilespmem:s30], [sflag:$0x2] =	stream.linear.gather @!p3 [hbm4b:s31+s30], $0x80, $0x38;
	[tilespmem:$0x17A00] =	vst v63  }
0x49: {  	s0 =	sadd.s32 @!p3 s1, s0;
	_ =	swait.ge @!p3 [sflag:s3], $0x80  }
0x4a: {  	[sflag:s3] =	ssyncset.done @!p3 $0x0  }
.Ltmp5:
0x4b: {  	s31 =	simm.s32 @!p3 $0x80;
	[sflag:s3] =	ssyncadd.s32 @!p3 $0xFFFFFF80;
	(pc) =	sbr.rel @p4 .LBB2_6-.Ltmp5, $4  }
0x4c: {  	[tilespmem:s31], [sflag:$0x2] =	stream.linear.gather @!p3 [hbm4b:s0+s30], $0x80, $0x38;
	[tilespmem:$0x17A00] =	vst v63  }
0x4d: {  	_ =	swait.ge @!p3 [sflag:s3], $0x80  }
0x4e: {  	[sflag:s3] =	ssyncset.done @!p3 $0x0  }
0x4f: {  	s29 =	sadd.s32 $0x10, s29;
	s0 =	simm.s32 @!p3 $0x100;
	[sflag:s3] =	ssyncadd.s32 @!p3 $0xFFFFFF80  }
.LBB2_7:
0x50: {  	[tilespmem:s0], [sflag:$0x1] =	stream.indirect.gather @!p3 [hbm4b:s5+s31], $0x80, s30, s31, $0xb8;
	[tilespmem:$0x17A00] =	vst v63  }
0x51: {  	s0 =	sor.u32 $0x1C02, s19;
	[bflag:$0x0] =	sbarrier.arrive $0xFFFF  }
0x52: {  	[hbm:s15], [sflag:s0] =	dma.local [spmem:s21], $0x2700  }
0x53: {  	_ =	swait.ge [sflag:s22], $0x2700  }
0x54: {  	s26 =	sadd.s32 $0x1, s26;
	[sflag:s22] =	ssyncset.done $0x0  }
0x55: {  	s3 =	sshrl.u32 @!p1 s11, $0x3;
	p3 =	sne.s32 s26, s17;
	[sflag:s22] =	ssyncadd.s32 $0xFFFFD900  }
0x56: {  	[hbm:s16], [sflag:s0] =	dma.local @!p1 [spmem:s3], $0x100  }
.Ltmp6:
0x57: {  	_ = 	snop;
	(pc) =	sbr.rel @p3 .LBB2_1-.Ltmp6, $4  }
0x58: {  	s0 =	simm.s32 @!p1 $0x2  }
0x59: {  	_ =	swait.ge @!p1 [sflag:s0], $0x100  }
0x5a: {  	[sflag:s0] =	ssyncset.done @!p1 $0x0  }
0x5b: {  	[sflag:s0] =	ssyncadd.s32 @!p1 $0xFFFFFF00  }
0x5c: {  	_ =	sfence.sel $0x180000  }
0x5d: {  	[bflag:$0x0] =	sbarrier.arrive $0xFFFF  }
0x5e: {  	_ =	strace $0x90000050  }
0x5f: {  	s0 =	stileid.u32;
	[bflag:$0x2] =	sbarrier.arrive $0xFFFF  }
0x60: {  	p0 =	sne.s32 s0, $0x0;
	s0 =	rddreg [dreg:$0x3]  }
0x61: {  	s0 =	sadd.s32 @!p0 $0x100000, s0  }
0x62: {  	[sflag:s0] =	ssyncadd.tile.s32 @!p0 $0x1;
	_ =	shalt  }
.Lfunc_end2:
_tile_overlayer_lowered:
.L_overlay_start_2:
0x63: {  	(tag) =	ssettag $0x2  }
0x64: {  	s0 =	rddreg [dreg:$0x0];
	s2 =	stileid.u32  }
0x65: {  	s1 =	rddreg [dreg:$0x1];
	p0 =	sne.s32 s2, $0x0  }
0x66: {  	s3 =	rddreg [dreg:$0x2];
	[bflag:$0x3] =	sbarrier.arrive $0xFFFF;
	s2 =	simm.s32 @!p0 $0x1C02  }
0x67: {  	[timem:s3], [sflag:s2] =	dma.local @!p0 [hbm:s0], s1  }
0x68: {  	s0 =	simm.s32 @!p0 $0x2  }
0x69: {  	_ =	swait.ge @!p0 [sflag:s0], s1  }
0x6a: {  	s1 =	ssub.s32 @!p0 $0x0, s1;
	[sflag:s0] =	ssyncset.done @!p0 $0x0  }
0x6b: {  	[sflag:s0] =	ssyncadd.s32 @!p0 s1  }
0x6c: {  	[bflag:$0x3] =	sbarrier.arrive $0xFFFF  }
0x6d: {  	_ =	shalt  }

</sc_bundles>
